<compile_context>
chip_gen: v7x
topology: tpu7x:2x2x1
jax: 0.10.2.dev20260603
libtpu: 0.0.44.dev20260713+nightly
codegen_flags: <defaults>
</compile_context>

<pallas_src>
import jax
import jax.numpy as jnp
from jax import lax
from jax.experimental import pallas as pl
from jax.experimental.pallas import tpu as pltpu
from jax.experimental.pallas import tpu_sc as plsc

VOCAB = 1000000
MAXLEN = 200
D = 64
BATCH = 4096
SEQ = 200

NC = 2
NS = 16
NW = NC * NS

N = BATCH * SEQ
SEQ_PER_W = BATCH // NW
ROWS_PER_W = SEQ_PER_W * SEQ
NBUF = 6
IDX_HEAD = 8 * SEQ


def _sc_body(idx_hbm, tok_hbm, pos_hbm, out_hbm, pos_sh, idx_v, rows_v,
             isem, *sems):
    gsem = sems[:NBUF]
    wsem = sems[NBUF:2 * NBUF]
    psem = sems[2 * NBUF:]
    cid = lax.axis_index("c")
    sid = lax.axis_index("s")
    wid = sid * NC + cid
    base0 = wid * ROWS_PER_W

    @pl.when(sid == 0)
    def _():
        pltpu.sync_copy(pos_hbm, pos_sh)

    pltpu.sync_copy(idx_hbm.at[pl.ds(base0, IDX_HEAD)],
                    idx_v.at[pl.ds(0, IDX_HEAD)])
    pltpu.async_copy(idx_hbm.at[pl.ds(base0 + IDX_HEAD, ROWS_PER_W - IDX_HEAD)],
                     idx_v.at[pl.ds(IDX_HEAD, ROWS_PER_W - IDX_HEAD)], isem)
    plsc.subcore_barrier()

    def prefill(b):
        pltpu.async_copy(pos_sh, rows_v.at[b], psem[b])

    def issue_gather(g, b):
        pltpu.make_async_copy(pos_sh, rows_v.at[b], psem[b]).wait()
        pltpu.async_copy(tok_hbm.at[idx_v.at[pl.ds(g * SEQ, SEQ)]],
                         rows_v.at[b], gsem[b], add=True)

    def wait_gather(b):
        pltpu.make_async_copy(tok_hbm.at[idx_v.at[pl.ds(0, SEQ)]],
                              rows_v.at[b], gsem[b]).wait()

    def issue_write(g, b):
        pltpu.async_copy(rows_v.at[b], out_hbm.at[pl.ds(base0 + g * SEQ, SEQ)],
                         wsem[b])

    def wait_write(b):
        pltpu.make_async_copy(rows_v.at[b], out_hbm.at[pl.ds(0, SEQ)],
                              wsem[b]).wait()

    def step(g, b):
        wait_gather(b)
        issue_write(g, b)

    for b in range(NBUF - 1):
        prefill(b)
    for g in range(NBUF - 2):
        issue_gather(g, g)

    for g in range(NBUF):
        step(g, g)
        if g == 3:
            pltpu.make_async_copy(
                idx_hbm.at[pl.ds(0, ROWS_PER_W - IDX_HEAD)],
                idx_v.at[pl.ds(IDX_HEAD, ROWS_PER_W - IDX_HEAD)], isem).wait()
        bp = (g + 5) % NBUF
        if g >= 1:
            wait_write(bp)
        prefill(bp)
        issue_gather(g + 4, (g + 4) % NBUF)

    def qbody(q, c):
        for b in range(NBUF):
            g = q * NBUF + b
            step(g, b)
            bp = (b + 5) % NBUF
            wait_write(bp)
            prefill(bp)
            issue_gather(g + 4, (b + 4) % NBUF)
        return c

    nq = (SEQ_PER_W - 4) // NBUF
    lax.fori_loop(1, nq, qbody, 0)

    for g in range(nq * NBUF, SEQ_PER_W):
        step(g, g % NBUF)
        if g + 5 < SEQ_PER_W:
            bp = (g + 5) % NBUF
            wait_write(bp)
            prefill(bp)
        if g + 4 < SEQ_PER_W:
            issue_gather(g + 4, (g + 4) % NBUF)

    for b in range(NBUF):
        wait_write(b)


@jax.jit
def _run(idx_flat, token_table, pos_table):
    mesh = plsc.VectorSubcoreMesh(core_axis_name="c", subcore_axis_name="s")
    f = pl.kernel(
        _sc_body,
        out_type=jax.ShapeDtypeStruct((N, D), jnp.float32),
        mesh=mesh,
        scratch_types=[
            pltpu.VMEM_SHARED((MAXLEN, D), jnp.float32),
            pltpu.VMEM((ROWS_PER_W,), jnp.int32),
            pltpu.VMEM((NBUF, SEQ, D), jnp.float32),
        ] + [pltpu.SemaphoreType.DMA] * (1 + 3 * NBUF),
        compiler_params=pltpu.CompilerParams(use_tc_tiling_on_sc=False),
    )
    return f(idx_flat, token_table, pos_table)


def kernel(inputs, token_table, pos_table):
    idx_flat = inputs.astype(jnp.int32).reshape(N)
    out = _run(idx_flat, token_table, pos_table)
    return out.reshape(BATCH, SEQ, D)

# --- scband reference (transcript-rebuilt; emitter-appended) ---
"""Pipeline reference for scband-token-and-position-embedding-48430051230093 (READ-ONLY COPY).

The authoritative reference and input builder live on the scoring server;
editing this copy changes nothing except your own understanding.
"""

import jax, jax.numpy as jnp
import numpy as np

VOCAB_SIZE = 1000000
MAXLEN = 200
EMBED_DIM = 64
BATCH = 4096
SEQ = 200

def setup_inputs(seed: int = 0) -> dict:
    key = jax.random.key(seed)
    k1, k2, k3 = jax.random.split(key, 3)
    inputs = jax.random.randint(k1, (BATCH, SEQ), 0, VOCAB_SIZE, dtype=jnp.int64 if jax.config.jax_enable_x64 else jnp.int32)
    token_table = jax.random.uniform(k2, (VOCAB_SIZE, EMBED_DIM), dtype=jnp.float32, minval=-0.05, maxval=0.05)
    pos_table = jax.random.uniform(k3, (MAXLEN, EMBED_DIM), dtype=jnp.float32, minval=-0.05, maxval=0.05)
    return {"inputs": inputs, "token_table": token_table, "pos_table": pos_table}

def reference(inputs, token_table, pos_table):
    batch_size, maxlen = inputs.shape
    positions = jnp.arange(maxlen)
    positions = jnp.broadcast_to(positions, (batch_size, maxlen))
    position_embeddings = jnp.take(pos_table, positions, axis=0)
    token_embeddings = jnp.take(token_table, inputs, axis=0)
    return token_embeddings + position_embeddings

if __name__ == "__main__":
    import jax
    _d = setup_inputs()
    print(jax.jit(kernel)(*tuple(_d.values())))

</pallas_src>

<mosaic_0001>
#map = affine_map<(d0, d1) -> (0)>
#map1 = affine_map<(d0, d1) -> (0, 0)>
module attributes {stable_mosaic.version = 14 : i64} {
  func.func @_sc_body(%arg0: i32, %arg1: i32, %arg2: memref<819200xi32, #tpu.memory_space<hbm>>, %arg3: memref<1000000x64xf32, #tpu.memory_space<hbm>>, %arg4: memref<200x64xf32, #tpu.memory_space<hbm>>, %arg5: memref<819200x64xf32, #tpu.memory_space<hbm>>, %arg6: memref<200x64xf32, #tpu.memory_space<vmem_shared>>, %arg7: memref<25600xi32, #tpu.memory_space<vmem>>, %arg8: memref<6x200x64xf32, #tpu.memory_space<vmem>>, %arg9: memref<!tpu.dma_semaphore, #tpu.memory_space<semaphore_mem>>, %arg10: memref<!tpu.dma_semaphore, #tpu.memory_space<semaphore_mem>>, %arg11: memref<!tpu.dma_semaphore, #tpu.memory_space<semaphore_mem>>, %arg12: memref<!tpu.dma_semaphore, #tpu.memory_space<semaphore_mem>>, %arg13: memref<!tpu.dma_semaphore, #tpu.memory_space<semaphore_mem>>, %arg14: memref<!tpu.dma_semaphore, #tpu.memory_space<semaphore_mem>>, %arg15: memref<!tpu.dma_semaphore, #tpu.memory_space<semaphore_mem>>, %arg16: memref<!tpu.dma_semaphore, #tpu.memory_space<semaphore_mem>>, %arg17: memref<!tpu.dma_semaphore, #tpu.memory_space<semaphore_mem>>, %arg18: memref<!tpu.dma_semaphore, #tpu.memory_space<semaphore_mem>>, %arg19: memref<!tpu.dma_semaphore, #tpu.memory_space<semaphore_mem>>, %arg20: memref<!tpu.dma_semaphore, #tpu.memory_space<semaphore_mem>>, %arg21: memref<!tpu.dma_semaphore, #tpu.memory_space<semaphore_mem>>, %arg22: memref<!tpu.dma_semaphore, #tpu.memory_space<semaphore_mem>>, %arg23: memref<!tpu.dma_semaphore, #tpu.memory_space<semaphore_mem>>, %arg24: memref<!tpu.dma_semaphore, #tpu.memory_space<semaphore_mem>>, %arg25: memref<!tpu.dma_semaphore, #tpu.memory_space<semaphore_mem>>, %arg26: memref<!tpu.dma_semaphore, #tpu.memory_space<semaphore_mem>>, %arg27: memref<!tpu.dma_semaphore, #tpu.memory_space<semaphore_mem>>) attributes {dimension_semantics = [#tpu.dimension_semantics<core_parallel>, #tpu.dimension_semantics<subcore_parallel>], iteration_bounds = array<i64: 2, 16>, scalar_prefetch = 0 : i64, scratch_operands = 22 : i64, tpu.core_type = #tpu.core_type<sc_vector_subcore>, window_params = [{transform_indices = #map}, {transform_indices = #map1}, {transform_indices = #map1}, {transform_indices = #map1}]} {
    %mul3A = arith.constant 2 : i32
    %mul3A_0 = arith.muli %arg1, %mul3A : i32
    %add3A = arith.addi %mul3A_0, %arg0 : i32
    %mul3A_1 = arith.constant 25600 : i32
    %mul3A_2 = arith.muli %add3A, %mul3A_1 : i32
    %eq3A = arith.constant 0 : i32
    %eq3A_3 = arith.cmpi eq, %arg1, %eq3A : i32
    %convert_element_type3A = arith.extui %eq3A_3 : i1 to i32
    %cond3A = arith.constant 0 : i32
    %cond3A_4 = arith.cmpi ne, %convert_element_type3A, %cond3A : i32
    scf.if %cond3A_4 {
      "tpu.region"() ({
        %run_scoped3A = tpu.sem_alloc : memref<!tpu.dma_semaphore, #tpu.memory_space<semaphore_mem>>
        tpu.enqueue_dma source(%arg4 : memref<200x64xf32, #tpu.memory_space<hbm>>) target(%arg6 : memref<200x64xf32, #tpu.memory_space<vmem_shared>>) target_semaphore(%run_scoped3A : memref<!tpu.dma_semaphore, #tpu.memory_space<semaphore_mem>>)
        tpu.wait_dma2 semaphore(%run_scoped3A : memref<!tpu.dma_semaphore, #tpu.memory_space<semaphore_mem>>) src(%arg4 : memref<200x64xf32, #tpu.memory_space<hbm>>) dst(%arg6 : memref<200x64xf32, #tpu.memory_space<vmem_shared>>)
        tpu.yield
      }) : () -> ()
    } else {
    }
    "tpu.region"() ({
      %run_scoped3A = tpu.sem_alloc : memref<!tpu.dma_semaphore, #tpu.memory_space<semaphore_mem>>
      %dma_start3A_976 = arith.constant 0 : i32
      %dma_start3A_977 = tpu.memref_slice %arg7[%dma_start3A_976] : memref<25600xi32, #tpu.memory_space<vmem>> -> memref<1600xi32, #tpu.memory_space<vmem>>
      %dma_start3A_978 = tpu.memref_slice %arg2[%mul3A_2] : memref<819200xi32, #tpu.memory_space<hbm>> -> memref<1600xi32, #tpu.memory_space<hbm>>
      %dma_start3A_979 = arith.constant 0 : i32
      %dma_start3A_980 = tpu.memref_slice %arg7[%dma_start3A_979] : memref<25600xi32, #tpu.memory_space<vmem>> -> memref<1600xi32, #tpu.memory_space<vmem>>
      %dma_start3A_981 = tpu.memref_slice %arg2[%mul3A_2] : memref<819200xi32, #tpu.memory_space<hbm>> -> memref<1600xi32, #tpu.memory_space<hbm>>
      tpu.enqueue_dma source(%dma_start3A_981 : memref<1600xi32, #tpu.memory_space<hbm>>) target(%dma_start3A_980 : memref<1600xi32, #tpu.memory_space<vmem>>) target_semaphore(%run_scoped3A : memref<!tpu.dma_semaphore, #tpu.memory_space<semaphore_mem>>)
      %dma_wait3A_982 = arith.constant 0 : i32
      %dma_wait3A_983 = tpu.memref_slice %arg7[%dma_wait3A_982] : memref<25600xi32, #tpu.memory_space<vmem>> -> memref<1600xi32, #tpu.memory_space<vmem>>
      %dma_wait3A_984 = tpu.memref_slice %arg2[%mul3A_2] : memref<819200xi32, #tpu.memory_space<hbm>> -> memref<1600xi32, #tpu.memory_space<hbm>>
      %dma_wait3A_985 = arith.constant 0 : i32
      %dma_wait3A_986 = tpu.memref_slice %arg7[%dma_wait3A_985] : memref<25600xi32, #tpu.memory_space<vmem>> -> memref<1600xi32, #tpu.memory_space<vmem>>
      %dma_wait3A_987 = tpu.memref_slice %arg2[%mul3A_2] : memref<819200xi32, #tpu.memory_space<hbm>> -> memref<1600xi32, #tpu.memory_space<hbm>>
      tpu.wait_dma2 semaphore(%run_scoped3A : memref<!tpu.dma_semaphore, #tpu.memory_space<semaphore_mem>>) src(%dma_wait3A_987 : memref<1600xi32, #tpu.memory_space<hbm>>) dst(%dma_wait3A_986 : memref<1600xi32, #tpu.memory_space<vmem>>)
      tpu.yield
    }) : () -> ()
    %add3A_5 = arith.constant 1600 : i32
    %add3A_6 = arith.addi %mul3A_2, %add3A_5 : i32
    %dma_start3A = arith.constant 1600 : i32
    %dma_start3A_7 = tpu.memref_slice %arg7[%dma_start3A] : memref<25600xi32, #tpu.memory_space<vmem>> -> memref<24000xi32, #tpu.memory_space<vmem>>
    %dma_start3A_8 = tpu.memref_slice %arg2[%add3A_6] : memref<819200xi32, #tpu.memory_space<hbm>> -> memref<24000xi32, #tpu.memory_space<hbm>>
    %dma_start3A_9 = arith.constant 1600 : i32
    %dma_start3A_10 = tpu.memref_slice %arg7[%dma_start3A_9] : memref<25600xi32, #tpu.memory_space<vmem>> -> memref<24000xi32, #tpu.memory_space<vmem>>
    %dma_start3A_11 = tpu.memref_slice %arg2[%add3A_6] : memref<819200xi32, #tpu.memory_space<hbm>> -> memref<24000xi32, #tpu.memory_space<hbm>>
    tpu.enqueue_dma source(%dma_start3A_11 : memref<24000xi32, #tpu.memory_space<hbm>>) target(%dma_start3A_10 : memref<24000xi32, #tpu.memory_space<vmem>>) target_semaphore(%arg9 : memref<!tpu.dma_semaphore, #tpu.memory_space<semaphore_mem>>)
    %barrier3A = arith.constant 0 : index
    tpu.barrier barrier_id(%barrier3A)
    %dma_start3A_12 = arith.constant 0 : i32
    %dma_start3A_13 = arith.constant 0 : i32
    %dma_start3A_14 = arith.constant 0 : i32
    %dma_start3A_15 = tpu.memref_slice %arg8[%dma_start3A_12, %dma_start3A_13, %dma_start3A_14] : memref<6x200x64xf32, #tpu.memory_space<vmem>> -> memref<1x200x64xf32, #tpu.memory_space<vmem>>
    %dma_start3A_16 = tpu.memref_squeeze %dma_start3A_15 : memref<1x200x64xf32, #tpu.memory_space<vmem>> -> memref<200x64xf32, #tpu.memory_space<vmem>>
    %dma_start3A_17 = arith.constant 0 : i32
    %dma_start3A_18 = arith.constant 0 : i32
    %dma_start3A_19 = tpu.memref_slice %arg8[%dma_start3A_12, %dma_start3A_17, %dma_start3A_18] : memref<6x200x64xf32, #tpu.memory_space<vmem>> -> memref<1x200x64xf32, #tpu.memory_space<vmem>>
    %dma_start3A_20 = tpu.memref_squeeze %dma_start3A_19 : memref<1x200x64xf32, #tpu.memory_space<vmem>> -> memref<200x64xf32, #tpu.memory_space<vmem>>
    tpu.enqueue_dma source(%arg6 : memref<200x64xf32, #tpu.memory_space<vmem_shared>>) target(%dma_start3A_20 : memref<200x64xf32, #tpu.memory_space<vmem>>) target_semaphore(%arg22 : memref<!tpu.dma_semaphore, #tpu.memory_space<semaphore_mem>>)
    %dma_start3A_21 = arith.constant 1 : i32
    %dma_start3A_22 = arith.constant 0 : i32
    %dma_start3A_23 = arith.constant 0 : i32
    %dma_start3A_24 = tpu.memref_slice %arg8[%dma_start3A_21, %dma_start3A_22, %dma_start3A_23] : memref<6x200x64xf32, #tpu.memory_space<vmem>> -> memref<1x200x64xf32, #tpu.memory_space<vmem>>
    %dma_start3A_25 = tpu.memref_squeeze %dma_start3A_24 : memref<1x200x64xf32, #tpu.memory_space<vmem>> -> memref<200x64xf32, #tpu.memory_space<vmem>>
    %dma_start3A_26 = arith.constant 0 : i32
    %dma_start3A_27 = arith.constant 0 : i32
    %dma_start3A_28 = tpu.memref_slice %arg8[%dma_start3A_21, %dma_start3A_26, %dma_start3A_27] : memref<6x200x64xf32, #tpu.memory_space<vmem>> -> memref<1x200x64xf32, #tpu.memory_space<vmem>>
    %dma_start3A_29 = tpu.memref_squeeze %dma_start3A_28 : memref<1x200x64xf32, #tpu.memory_space<vmem>> -> memref<200x64xf32, #tpu.memory_space<vmem>>
    tpu.enqueue_dma source(%arg6 : memref<200x64xf32, #tpu.memory_space<vmem_shared>>) target(%dma_start3A_29 : memref<200x64xf32, #tpu.memory_space<vmem>>) target_semaphore(%arg23 : memref<!tpu.dma_semaphore, #tpu.memory_space<semaphore_mem>>)
    %dma_start3A_30 = arith.constant 2 : i32
    %dma_start3A_31 = arith.constant 0 : i32
    %dma_start3A_32 = arith.constant 0 : i32
    %dma_start3A_33 = tpu.memref_slice %arg8[%dma_start3A_30, %dma_start3A_31, %dma_start3A_32] : memref<6x200x64xf32, #tpu.memory_space<vmem>> -> memref<1x200x64xf32, #tpu.memory_space<vmem>>
    %dma_start3A_34 = tpu.memref_squeeze %dma_start3A_33 : memref<1x200x64xf32, #tpu.memory_space<vmem>> -> memref<200x64xf32, #tpu.memory_space<vmem>>
    %dma_start3A_35 = arith.constant 0 : i32
    %dma_start3A_36 = arith.constant 0 : i32
    %dma_start3A_37 = tpu.memref_slice %arg8[%dma_start3A_30, %dma_start3A_35, %dma_start3A_36] : memref<6x200x64xf32, #tpu.memory_space<vmem>> -> memref<1x200x64xf32, #tpu.memory_space<vmem>>
    %dma_start3A_38 = tpu.memref_squeeze %dma_start3A_37 : memref<1x200x64xf32, #tpu.memory_space<vmem>> -> memref<200x64xf32, #tpu.memory_space<vmem>>
    tpu.enqueue_dma source(%arg6 : memref<200x64xf32, #tpu.memory_space<vmem_shared>>) target(%dma_start3A_38 : memref<200x64xf32, #tpu.memory_space<vmem>>) target_semaphore(%arg24 : memref<!tpu.dma_semaphore, #tpu.memory_space<semaphore_mem>>)
    %dma_start3A_39 = arith.constant 3 : i32
    %dma_start3A_40 = arith.constant 0 : i32
    %dma_start3A_41 = arith.constant 0 : i32
    %dma_start3A_42 = tpu.memref_slice %arg8[%dma_start3A_39, %dma_start3A_40, %dma_start3A_41] : memref<6x200x64xf32, #tpu.memory_space<vmem>> -> memref<1x200x64xf32, #tpu.memory_space<vmem>>
    %dma_start3A_43 = tpu.memref_squeeze %dma_start3A_42 : memref<1x200x64xf32, #tpu.memory_space<vmem>> -> memref<200x64xf32, #tpu.memory_space<vmem>>
    %dma_start3A_44 = arith.constant 0 : i32
    %dma_start3A_45 = arith.constant 0 : i32
    %dma_start3A_46 = tpu.memref_slice %arg8[%dma_start3A_39, %dma_start3A_44, %dma_start3A_45] : memref<6x200x64xf32, #tpu.memory_space<vmem>> -> memref<1x200x64xf32, #tpu.memory_space<vmem>>
    %dma_start3A_47 = tpu.memref_squeeze %dma_start3A_46 : memref<1x200x64xf32, #tpu.memory_space<vmem>> -> memref<200x64xf32, #tpu.memory_space<vmem>>
    tpu.enqueue_dma source(%arg6 : memref<200x64xf32, #tpu.memory_space<vmem_shared>>) target(%dma_start3A_47 : memref<200x64xf32, #tpu.memory_space<vmem>>) target_semaphore(%arg25 : memref<!tpu.dma_semaphore, #tpu.memory_space<semaphore_mem>>)
    %dma_start3A_48 = arith.constant 4 : i32
    %dma_start3A_49 = arith.constant 0 : i32
    %dma_start3A_50 = arith.constant 0 : i32
    %dma_start3A_51 = tpu.memref_slice %arg8[%dma_start3A_48, %dma_start3A_49, %dma_start3A_50] : memref<6x200x64xf32, #tpu.memory_space<vmem>> -> memref<1x200x64xf32, #tpu.memory_space<vmem>>
    %dma_start3A_52 = tpu.memref_squeeze %dma_start3A_51 : memref<1x200x64xf32, #tpu.memory_space<vmem>> -> memref<200x64xf32, #tpu.memory_space<vmem>>
    %dma_start3A_53 = arith.constant 0 : i32
    %dma_start3A_54 = arith.constant 0 : i32
    %dma_start3A_55 = tpu.memref_slice %arg8[%dma_start3A_48, %dma_start3A_53, %dma_start3A_54] : memref<6x200x64xf32, #tpu.memory_space<vmem>> -> memref<1x200x64xf32, #tpu.memory_space<vmem>>
    %dma_start3A_56 = tpu.memref_squeeze %dma_start3A_55 : memref<1x200x64xf32, #tpu.memory_space<vmem>> -> memref<200x64xf32, #tpu.memory_space<vmem>>
    tpu.enqueue_dma source(%arg6 : memref<200x64xf32, #tpu.memory_space<vmem_shared>>) target(%dma_start3A_56 : memref<200x64xf32, #tpu.memory_space<vmem>>) target_semaphore(%arg26 : memref<!tpu.dma_semaphore, #tpu.memory_space<semaphore_mem>>)
    %dma_wait3A = arith.constant 0 : i32
    %dma_wait3A_57 = arith.constant 0 : i32
    %dma_wait3A_58 = arith.constant 0 : i32
    %dma_wait3A_59 = tpu.memref_slice %arg8[%dma_wait3A, %dma_wait3A_57, %dma_wait3A_58] : memref<6x200x64xf32, #tpu.memory_space<vmem>> -> memref<1x200x64xf32, #tpu.memory_space<vmem>>
    %dma_wait3A_60 = tpu.memref_squeeze %dma_wait3A_59 : memref<1x200x64xf32, #tpu.memory_space<vmem>> -> memref<200x64xf32, #tpu.memory_space<vmem>>
    %dma_wait3A_61 = arith.constant 0 : i32
    %dma_wait3A_62 = arith.constant 0 : i32
    %dma_wait3A_63 = tpu.memref_slice %arg8[%dma_wait3A, %dma_wait3A_61, %dma_wait3A_62] : memref<6x200x64xf32, #tpu.memory_space<vmem>> -> memref<1x200x64xf32, #tpu.memory_space<vmem>>
    %dma_wait3A_64 = tpu.memref_squeeze %dma_wait3A_63 : memref<1x200x64xf32, #tpu.memory_space<vmem>> -> memref<200x64xf32, #tpu.memory_space<vmem>>
    tpu.wait_dma2 semaphore(%arg22 : memref<!tpu.dma_semaphore, #tpu.memory_space<semaphore_mem>>) src(%arg6 : memref<200x64xf32, #tpu.memory_space<vmem_shared>>) dst(%dma_wait3A_64 : memref<200x64xf32, #tpu.memory_space<vmem>>)
    %dma_start3A_65 = arith.constant 0 : i32
    %dma_start3A_66 = arith.constant 0 : i32
    %dma_start3A_67 = arith.constant 0 : i32
    %dma_start3A_68 = tpu.memref_slice %arg8[%dma_start3A_65, %dma_start3A_66, %dma_start3A_67] : memref<6x200x64xf32, #tpu.memory_space<vmem>> -> memref<1x200x64xf32, #tpu.memory_space<vmem>>
    %dma_start3A_69 = tpu.memref_squeeze %dma_start3A_68 : memref<1x200x64xf32, #tpu.memory_space<vmem>> -> memref<200x64xf32, #tpu.memory_space<vmem>>
    %dma_start3A_70 = arith.constant 0 : i32
    %dma_start3A_71 = tpu.memref_slice %arg7[%dma_start3A_70] : memref<25600xi32, #tpu.memory_space<vmem>> -> memref<200xi32, #tpu.memory_space<vmem>>
    %dma_start3A_72 = arith.constant 0 : i32
    %dma_start3A_73 = arith.constant 0 : i32
    %dma_start3A_74 = tpu.memref_slice %arg3[%dma_start3A_72, %dma_start3A_73] : memref<1000000x64xf32, #tpu.memory_space<hbm>> -> memref<1000000x64xf32, #tpu.memory_space<hbm>>
    tpu.enqueue_indirect_dma source(%dma_start3A_74 : memref<1000000x64xf32, #tpu.memory_space<hbm>>) target(%dma_start3A_69 : memref<200x64xf32, #tpu.memory_space<vmem>>) offsets(%dma_start3A_71 : memref<200xi32, #tpu.memory_space<vmem>>) semaphore(%arg10 : memref<!tpu.dma_semaphore, #tpu.memory_space<semaphore_mem>>) {add = true}
    %dma_wait3A_75 = arith.constant 1 : i32
    %dma_wait3A_76 = arith.constant 0 : i32
    %dma_wait3A_77 = arith.constant 0 : i32
    %dma_wait3A_78 = tpu.memref_slice %arg8[%dma_wait3A_75, %dma_wait3A_76, %dma_wait3A_77] : memref<6x200x64xf32, #tpu.memory_space<vmem>> -> memref<1x200x64xf32, #tpu.memory_space<vmem>>
    %dma_wait3A_79 = tpu.memref_squeeze %dma_wait3A_78 : memref<1x200x64xf32, #tpu.memory_space<vmem>> -> memref<200x64xf32, #tpu.memory_space<vmem>>
    %dma_wait3A_80 = arith.constant 0 : i32
    %dma_wait3A_81 = arith.constant 0 : i32
    %dma_wait3A_82 = tpu.memref_slice %arg8[%dma_wait3A_75, %dma_wait3A_80, %dma_wait3A_81] : memref<6x200x64xf32, #tpu.memory_space<vmem>> -> memref<1x200x64xf32, #tpu.memory_space<vmem>>
    %dma_wait3A_83 = tpu.memref_squeeze %dma_wait3A_82 : memref<1x200x64xf32, #tpu.memory_space<vmem>> -> memref<200x64xf32, #tpu.memory_space<vmem>>
    tpu.wait_dma2 semaphore(%arg23 : memref<!tpu.dma_semaphore, #tpu.memory_space<semaphore_mem>>) src(%arg6 : memref<200x64xf32, #tpu.memory_space<vmem_shared>>) dst(%dma_wait3A_83 : memref<200x64xf32, #tpu.memory_space<vmem>>)
    %dma_start3A_84 = arith.constant 1 : i32
    %dma_start3A_85 = arith.constant 0 : i32
    %dma_start3A_86 = arith.constant 0 : i32
    %dma_start3A_87 = tpu.memref_slice %arg8[%dma_start3A_84, %dma_start3A_85, %dma_start3A_86] : memref<6x200x64xf32, #tpu.memory_space<vmem>> -> memref<1x200x64xf32, #tpu.memory_space<vmem>>
    %dma_start3A_88 = tpu.memref_squeeze %dma_start3A_87 : memref<1x200x64xf32, #tpu.memory_space<vmem>> -> memref<200x64xf32, #tpu.memory_space<vmem>>
    %dma_start3A_89 = arith.constant 200 : i32
    %dma_start3A_90 = tpu.memref_slice %arg7[%dma_start3A_89] : memref<25600xi32, #tpu.memory_space<vmem>> -> memref<200xi32, #tpu.memory_space<vmem>>
    %dma_start3A_91 = arith.constant 0 : i32
    %dma_start3A_92 = arith.constant 0 : i32
    %dma_start3A_93 = tpu.memref_slice %arg3[%dma_start3A_91, %dma_start3A_92] : memref<1000000x64xf32, #tpu.memory_space<hbm>> -> memref<1000000x64xf32, #tpu.memory_space<hbm>>
    tpu.enqueue_indirect_dma source(%dma_start3A_93 : memref<1000000x64xf32, #tpu.memory_space<hbm>>) target(%dma_start3A_88 : memref<200x64xf32, #tpu.memory_space<vmem>>) offsets(%dma_start3A_90 : memref<200xi32, #tpu.memory_space<vmem>>) semaphore(%arg11 : memref<!tpu.dma_semaphore, #tpu.memory_space<semaphore_mem>>) {add = true}
    %dma_wait3A_94 = arith.constant 2 : i32
    %dma_wait3A_95 = arith.constant 0 : i32
    %dma_wait3A_96 = arith.constant 0 : i32
    %dma_wait3A_97 = tpu.memref_slice %arg8[%dma_wait3A_94, %dma_wait3A_95, %dma_wait3A_96] : memref<6x200x64xf32, #tpu.memory_space<vmem>> -> memref<1x200x64xf32, #tpu.memory_space<vmem>>
    %dma_wait3A_98 = tpu.memref_squeeze %dma_wait3A_97 : memref<1x200x64xf32, #tpu.memory_space<vmem>> -> memref<200x64xf32, #tpu.memory_space<vmem>>
    %dma_wait3A_99 = arith.constant 0 : i32
    %dma_wait3A_100 = arith.constant 0 : i32
    %dma_wait3A_101 = tpu.memref_slice %arg8[%dma_wait3A_94, %dma_wait3A_99, %dma_wait3A_100] : memref<6x200x64xf32, #tpu.memory_space<vmem>> -> memref<1x200x64xf32, #tpu.memory_space<vmem>>
    %dma_wait3A_102 = tpu.memref_squeeze %dma_wait3A_101 : memref<1x200x64xf32, #tpu.memory_space<vmem>> -> memref<200x64xf32, #tpu.memory_space<vmem>>
    tpu.wait_dma2 semaphore(%arg24 : memref<!tpu.dma_semaphore, #tpu.memory_space<semaphore_mem>>) src(%arg6 : memref<200x64xf32, #tpu.memory_space<vmem_shared>>) dst(%dma_wait3A_102 : memref<200x64xf32, #tpu.memory_space<vmem>>)
    %dma_start3A_103 = arith.constant 2 : i32
    %dma_start3A_104 = arith.constant 0 : i32
    %dma_start3A_105 = arith.constant 0 : i32
    %dma_start3A_106 = tpu.memref_slice %arg8[%dma_start3A_103, %dma_start3A_104, %dma_start3A_105] : memref<6x200x64xf32, #tpu.memory_space<vmem>> -> memref<1x200x64xf32, #tpu.memory_space<vmem>>
    %dma_start3A_107 = tpu.memref_squeeze %dma_start3A_106 : memref<1x200x64xf32, #tpu.memory_space<vmem>> -> memref<200x64xf32, #tpu.memory_space<vmem>>
    %dma_start3A_108 = arith.constant 400 : i32
    %dma_start3A_109 = tpu.memref_slice %arg7[%dma_start3A_108] : memref<25600xi32, #tpu.memory_space<vmem>> -> memref<200xi32, #tpu.memory_space<vmem>>
    %dma_start3A_110 = arith.constant 0 : i32
    %dma_start3A_111 = arith.constant 0 : i32
    %dma_start3A_112 = tpu.memref_slice %arg3[%dma_start3A_110, %dma_start3A_111] : memref<1000000x64xf32, #tpu.memory_space<hbm>> -> memref<1000000x64xf32, #tpu.memory_space<hbm>>
    tpu.enqueue_indirect_dma source(%dma_start3A_112 : memref<1000000x64xf32, #tpu.memory_space<hbm>>) target(%dma_start3A_107 : memref<200x64xf32, #tpu.memory_space<vmem>>) offsets(%dma_start3A_109 : memref<200xi32, #tpu.memory_space<vmem>>) semaphore(%arg12 : memref<!tpu.dma_semaphore, #tpu.memory_space<semaphore_mem>>) {add = true}
    %dma_wait3A_113 = arith.constant 3 : i32
    %dma_wait3A_114 = arith.constant 0 : i32
    %dma_wait3A_115 = arith.constant 0 : i32
    %dma_wait3A_116 = tpu.memref_slice %arg8[%dma_wait3A_113, %dma_wait3A_114, %dma_wait3A_115] : memref<6x200x64xf32, #tpu.memory_space<vmem>> -> memref<1x200x64xf32, #tpu.memory_space<vmem>>
    %dma_wait3A_117 = tpu.memref_squeeze %dma_wait3A_116 : memref<1x200x64xf32, #tpu.memory_space<vmem>> -> memref<200x64xf32, #tpu.memory_space<vmem>>
    %dma_wait3A_118 = arith.constant 0 : i32
    %dma_wait3A_119 = arith.constant 0 : i32
    %dma_wait3A_120 = tpu.memref_slice %arg8[%dma_wait3A_113, %dma_wait3A_118, %dma_wait3A_119] : memref<6x200x64xf32, #tpu.memory_space<vmem>> -> memref<1x200x64xf32, #tpu.memory_space<vmem>>
    %dma_wait3A_121 = tpu.memref_squeeze %dma_wait3A_120 : memref<1x200x64xf32, #tpu.memory_space<vmem>> -> memref<200x64xf32, #tpu.memory_space<vmem>>
    tpu.wait_dma2 semaphore(%arg25 : memref<!tpu.dma_semaphore, #tpu.memory_space<semaphore_mem>>) src(%arg6 : memref<200x64xf32, #tpu.memory_space<vmem_shared>>) dst(%dma_wait3A_121 : memref<200x64xf32, #tpu.memory_space<vmem>>)
    %dma_start3A_122 = arith.constant 3 : i32
    %dma_start3A_123 = arith.constant 0 : i32
    %dma_start3A_124 = arith.constant 0 : i32
    %dma_start3A_125 = tpu.memref_slice %arg8[%dma_start3A_122, %dma_start3A_123, %dma_start3A_124] : memref<6x200x64xf32, #tpu.memory_space<vmem>> -> memref<1x200x64xf32, #tpu.memory_space<vmem>>
    %dma_start3A_126 = tpu.memref_squeeze %dma_start3A_125 : memref<1x200x64xf32, #tpu.memory_space<vmem>> -> memref<200x64xf32, #tpu.memory_space<vmem>>
    %dma_start3A_127 = arith.constant 600 : i32
    %dma_start3A_128 = tpu.memref_slice %arg7[%dma_start3A_127] : memref<25600xi32, #tpu.memory_space<vmem>> -> memref<200xi32, #tpu.memory_space<vmem>>
    %dma_start3A_129 = arith.constant 0 : i32
    %dma_start3A_130 = arith.constant 0 : i32
    %dma_start3A_131 = tpu.memref_slice %arg3[%dma_start3A_129, %dma_start3A_130] : memref<1000000x64xf32, #tpu.memory_space<hbm>> -> memref<1000000x64xf32, #tpu.memory_space<hbm>>
    tpu.enqueue_indirect_dma source(%dma_start3A_131 : memref<1000000x64xf32, #tpu.memory_space<hbm>>) target(%dma_start3A_126 : memref<200x64xf32, #tpu.memory_space<vmem>>) offsets(%dma_start3A_128 : memref<200xi32, #tpu.memory_space<vmem>>) semaphore(%arg13 : memref<!tpu.dma_semaphore, #tpu.memory_space<semaphore_mem>>) {add = true}
    %dma_wait3A_132 = arith.constant 0 : i32
    %dma_wait3A_133 = arith.constant 0 : i32
    %dma_wait3A_134 = arith.constant 0 : i32
    %dma_wait3A_135 = tpu.memref_slice %arg8[%dma_wait3A_132, %dma_wait3A_133, %dma_wait3A_134] : memref<6x200x64xf32, #tpu.memory_space<vmem>> -> memref<1x200x64xf32, #tpu.memory_space<vmem>>
    %dma_wait3A_136 = tpu.memref_squeeze %dma_wait3A_135 : memref<1x200x64xf32, #tpu.memory_space<vmem>> -> memref<200x64xf32, #tpu.memory_space<vmem>>
    %dma_wait3A_137 = arith.constant 0 : i32
    %dma_wait3A_138 = tpu.memref_slice %arg7[%dma_wait3A_137] : memref<25600xi32, #tpu.memory_space<vmem>> -> memref<200xi32, #tpu.memory_space<vmem>>
    %dma_wait3A_139 = arith.constant 0 : i32
    %dma_wait3A_140 = arith.constant 0 : i32
    %dma_wait3A_141 = tpu.memref_slice %arg3[%dma_wait3A_139, %dma_wait3A_140] : memref<1000000x64xf32, #tpu.memory_space<hbm>> -> memref<1000000x64xf32, #tpu.memory_space<hbm>>
    tpu.wait_indirect_dma semaphore(%arg10 : memref<!tpu.dma_semaphore, #tpu.memory_space<semaphore_mem>>) src(%dma_wait3A_141 : memref<1000000x64xf32, #tpu.memory_space<hbm>>) dst(%dma_wait3A_136 : memref<200x64xf32, #tpu.memory_space<vmem>>)
    %add3A_142 = arith.constant 0 : i32
    %add3A_143 = arith.addi %mul3A_2, %add3A_142 : i32
    %dma_start3A_144 = arith.constant 0 : i32
    %dma_start3A_145 = arith.constant 0 : i32
    %dma_start3A_146 = arith.constant 0 : i32
    %dma_start3A_147 = tpu.memref_slice %arg8[%dma_start3A_144, %dma_start3A_145, %dma_start3A_146] : memref<6x200x64xf32, #tpu.memory_space<vmem>> -> memref<1x200x64xf32, #tpu.memory_space<vmem>>
    %dma_start3A_148 = tpu.memref_squeeze %dma_start3A_147 : memref<1x200x64xf32, #tpu.memory_space<vmem>> -> memref<200x64xf32, #tpu.memory_space<vmem>>
    %dma_start3A_149 = arith.constant 0 : i32
    %dma_start3A_150 = tpu.memref_slice %arg5[%add3A_143, %dma_start3A_149] : memref<819200x64xf32, #tpu.memory_space<hbm>> -> memref<200x64xf32, #tpu.memory_space<hbm>>
    %dma_start3A_151 = arith.constant 0 : i32
    %dma_start3A_152 = tpu.memref_slice %arg5[%add3A_143, %dma_start3A_151] : memref<819200x64xf32, #tpu.memory_space<hbm>> -> memref<200x64xf32, #tpu.memory_space<hbm>>
    %dma_start3A_153 = arith.constant 0 : i32
    %dma_start3A_154 = arith.constant 0 : i32
    %dma_start3A_155 = tpu.memref_slice %arg8[%dma_start3A_144, %dma_start3A_153, %dma_start3A_154] : memref<6x200x64xf32, #tpu.memory_space<vmem>> -> memref<1x200x64xf32, #tpu.memory_space<vmem>>
    %dma_start3A_156 = tpu.memref_squeeze %dma_start3A_155 : memref<1x200x64xf32, #tpu.memory_space<vmem>> -> memref<200x64xf32, #tpu.memory_space<vmem>>
    tpu.enqueue_dma source(%dma_start3A_156 : memref<200x64xf32, #tpu.memory_space<vmem>>) target(%dma_start3A_152 : memref<200x64xf32, #tpu.memory_space<hbm>>) target_semaphore(%arg16 : memref<!tpu.dma_semaphore, #tpu.memory_space<semaphore_mem>>)
    %dma_start3A_157 = arith.constant 5 : i32
    %dma_start3A_158 = arith.constant 0 : i32
    %dma_start3A_159 = arith.constant 0 : i32
    %dma_start3A_160 = tpu.memref_slice %arg8[%dma_start3A_157, %dma_start3A_158, %dma_start3A_159] : memref<6x200x64xf32, #tpu.memory_space<vmem>> -> memref<1x200x64xf32, #tpu.memory_space<vmem>>
    %dma_start3A_161 = tpu.memref_squeeze %dma_start3A_160 : memref<1x200x64xf32, #tpu.memory_space<vmem>> -> memref<200x64xf32, #tpu.memory_space<vmem>>
    %dma_start3A_162 = arith.constant 0 : i32
    %dma_start3A_163 = arith.constant 0 : i32
    %dma_start3A_164 = tpu.memref_slice %arg8[%dma_start3A_157, %dma_start3A_162, %dma_start3A_163] : memref<6x200x64xf32, #tpu.memory_space<vmem>> -> memref<1x200x64xf32, #tpu.memory_space<vmem>>
    %dma_start3A_165 = tpu.memref_squeeze %dma_start3A_164 : memref<1x200x64xf32, #tpu.memory_space<vmem>> -> memref<200x64xf32, #tpu.memory_space<vmem>>
    tpu.enqueue_dma source(%arg6 : memref<200x64xf32, #tpu.memory_space<vmem_shared>>) target(%dma_start3A_165 : memref<200x64xf32, #tpu.memory_space<vmem>>) target_semaphore(%arg27 : memref<!tpu.dma_semaphore, #tpu.memory_space<semaphore_mem>>)
    %dma_wait3A_166 = arith.constant 4 : i32
    %dma_wait3A_167 = arith.constant 0 : i32
    %dma_wait3A_168 = arith.constant 0 : i32
    %dma_wait3A_169 = tpu.memref_slice %arg8[%dma_wait3A_166, %dma_wait3A_167, %dma_wait3A_168] : memref<6x200x64xf32, #tpu.memory_space<vmem>> -> memref<1x200x64xf32, #tpu.memory_space<vmem>>
    %dma_wait3A_170 = tpu.memref_squeeze %dma_wait3A_169 : memref<1x200x64xf32, #tpu.memory_space<vmem>> -> memref<200x64xf32, #tpu.memory_space<vmem>>
    %dma_wait3A_171 = arith.constant 0 : i32
    %dma_wait3A_172 = arith.constant 0 : i32
    %dma_wait3A_173 = tpu.memref_slice %arg8[%dma_wait3A_166, %dma_wait3A_171, %dma_wait3A_172] : memref<6x200x64xf32, #tpu.memory_space<vmem>> -> memref<1x200x64xf32, #tpu.memory_space<vmem>>
    %dma_wait3A_174 = tpu.memref_squeeze %dma_wait3A_173 : memref<1x200x64xf32, #tpu.memory_space<vmem>> -> memref<200x64xf32, #tpu.memory_space<vmem>>
    tpu.wait_dma2 semaphore(%arg26 : memref<!tpu.dma_semaphore, #tpu.memory_space<semaphore_mem>>) src(%arg6 : memref<200x64xf32, #tpu.memory_space<vmem_shared>>) dst(%dma_wait3A_174 : memref<200x64xf32, #tpu.memory_space<vmem>>)
    %dma_start3A_175 = arith.constant 4 : i32
    %dma_start3A_176 = arith.constant 0 : i32
    %dma_start3A_177 = arith.constant 0 : i32
    %dma_start3A_178 = tpu.memref_slice %arg8[%dma_start3A_175, %dma_start3A_176, %dma_start3A_177] : memref<6x200x64xf32, #tpu.memory_space<vmem>> -> memref<1x200x64xf32, #tpu.memory_space<vmem>>
    %dma_start3A_179 = tpu.memref_squeeze %dma_start3A_178 : memref<1x200x64xf32, #tpu.memory_space<vmem>> -> memref<200x64xf32, #tpu.memory_space<vmem>>
    %dma_start3A_180 = arith.constant 800 : i32
    %dma_start3A_181 = tpu.memref_slice %arg7[%dma_start3A_180] : memref<25600xi32, #tpu.memory_space<vmem>> -> memref<200xi32, #tpu.memory_space<vmem>>
    %dma_start3A_182 = arith.constant 0 : i32
    %dma_start3A_183 = arith.constant 0 : i32
    %dma_start3A_184 = tpu.memref_slice %arg3[%dma_start3A_182, %dma_start3A_183] : memref<1000000x64xf32, #tpu.memory_space<hbm>> -> memref<1000000x64xf32, #tpu.memory_space<hbm>>
    tpu.enqueue_indirect_dma source(%dma_start3A_184 : memref<1000000x64xf32, #tpu.memory_space<hbm>>) target(%dma_start3A_179 : memref<200x64xf32, #tpu.memory_space<vmem>>) offsets(%dma_start3A_181 : memref<200xi32, #tpu.memory_space<vmem>>) semaphore(%arg14 : memref<!tpu.dma_semaphore, #tpu.memory_space<semaphore_mem>>) {add = true}
    %dma_wait3A_185 = arith.constant 1 : i32
    %dma_wait3A_186 = arith.constant 0 : i32
    %dma_wait3A_187 = arith.constant 0 : i32
    %dma_wait3A_188 = tpu.memref_slice %arg8[%dma_wait3A_185, %dma_wait3A_186, %dma_wait3A_187] : memref<6x200x64xf32, #tpu.memory_space<vmem>> -> memref<1x200x64xf32, #tpu.memory_space<vmem>>
    %dma_wait3A_189 = tpu.memref_squeeze %dma_wait3A_188 : memref<1x200x64xf32, #tpu.memory_space<vmem>> -> memref<200x64xf32, #tpu.memory_space<vmem>>
    %dma_wait3A_190 = arith.constant 0 : i32
    %dma_wait3A_191 = tpu.memref_slice %arg7[%dma_wait3A_190] : memref<25600xi32, #tpu.memory_space<vmem>> -> memref<200xi32, #tpu.memory_space<vmem>>
    %dma_wait3A_192 = arith.constant 0 : i32
    %dma_wait3A_193 = arith.constant 0 : i32
    %dma_wait3A_194 = tpu.memref_slice %arg3[%dma_wait3A_192, %dma_wait3A_193] : memref<1000000x64xf32, #tpu.memory_space<hbm>> -> memref<1000000x64xf32, #tpu.memory_space<hbm>>
    tpu.wait_indirect_dma semaphore(%arg11 : memref<!tpu.dma_semaphore, #tpu.memory_space<semaphore_mem>>) src(%dma_wait3A_194 : memref<1000000x64xf32, #tpu.memory_space<hbm>>) dst(%dma_wait3A_189 : memref<200x64xf32, #tpu.memory_space<vmem>>)
    %add3A_195 = arith.constant 200 : i32
    %add3A_196 = arith.addi %mul3A_2, %add3A_195 : i32
    %dma_start3A_197 = arith.constant 1 : i32
    %dma_start3A_198 = arith.constant 0 : i32
    %dma_start3A_199 = arith.constant 0 : i32
    %dma_start3A_200 = tpu.memref_slice %arg8[%dma_start3A_197, %dma_start3A_198, %dma_start3A_199] : memref<6x200x64xf32, #tpu.memory_space<vmem>> -> memref<1x200x64xf32, #tpu.memory_space<vmem>>
    %dma_start3A_201 = tpu.memref_squeeze %dma_start3A_200 : memref<1x200x64xf32, #tpu.memory_space<vmem>> -> memref<200x64xf32, #tpu.memory_space<vmem>>
    %dma_start3A_202 = arith.constant 0 : i32
    %dma_start3A_203 = tpu.memref_slice %arg5[%add3A_196, %dma_start3A_202] : memref<819200x64xf32, #tpu.memory_space<hbm>> -> memref<200x64xf32, #tpu.memory_space<hbm>>
    %dma_start3A_204 = arith.constant 0 : i32
    %dma_start3A_205 = tpu.memref_slice %arg5[%add3A_196, %dma_start3A_204] : memref<819200x64xf32, #tpu.memory_space<hbm>> -> memref<200x64xf32, #tpu.memory_space<hbm>>
    %dma_start3A_206 = arith.constant 0 : i32
    %dma_start3A_207 = arith.constant 0 : i32
    %dma_start3A_208 = tpu.memref_slice %arg8[%dma_start3A_197, %dma_start3A_206, %dma_start3A_207] : memref<6x200x64xf32, #tpu.memory_space<vmem>> -> memref<1x200x64xf32, #tpu.memory_space<vmem>>
    %dma_start3A_209 = tpu.memref_squeeze %dma_start3A_208 : memref<1x200x64xf32, #tpu.memory_space<vmem>> -> memref<200x64xf32, #tpu.memory_space<vmem>>
    tpu.enqueue_dma source(%dma_start3A_209 : memref<200x64xf32, #tpu.memory_space<vmem>>) target(%dma_start3A_205 : memref<200x64xf32, #tpu.memory_space<hbm>>) target_semaphore(%arg17 : memref<!tpu.dma_semaphore, #tpu.memory_space<semaphore_mem>>)
    %dma_wait3A_210 = arith.constant 0 : i32
    %dma_wait3A_211 = arith.constant 0 : i32
    %dma_wait3A_212 = arith.constant 0 : i32
    %dma_wait3A_213 = tpu.memref_slice %arg8[%dma_wait3A_210, %dma_wait3A_211, %dma_wait3A_212] : memref<6x200x64xf32, #tpu.memory_space<vmem>> -> memref<1x200x64xf32, #tpu.memory_space<vmem>>
    %dma_wait3A_214 = tpu.memref_squeeze %dma_wait3A_213 : memref<1x200x64xf32, #tpu.memory_space<vmem>> -> memref<200x64xf32, #tpu.memory_space<vmem>>
    %dma_wait3A_215 = arith.constant 0 : i32
    %dma_wait3A_216 = arith.constant 0 : i32
    %dma_wait3A_217 = tpu.memref_slice %arg5[%dma_wait3A_215, %dma_wait3A_216] : memref<819200x64xf32, #tpu.memory_space<hbm>> -> memref<200x64xf32, #tpu.memory_space<hbm>>
    %dma_wait3A_218 = arith.constant 0 : i32
    %dma_wait3A_219 = arith.constant 0 : i32
    %dma_wait3A_220 = tpu.memref_slice %arg5[%dma_wait3A_218, %dma_wait3A_219] : memref<819200x64xf32, #tpu.memory_space<hbm>> -> memref<200x64xf32, #tpu.memory_space<hbm>>
    %dma_wait3A_221 = arith.constant 0 : i32
    %dma_wait3A_222 = arith.constant 0 : i32
    %dma_wait3A_223 = tpu.memref_slice %arg8[%dma_wait3A_210, %dma_wait3A_221, %dma_wait3A_222] : memref<6x200x64xf32, #tpu.memory_space<vmem>> -> memref<1x200x64xf32, #tpu.memory_space<vmem>>
    %dma_wait3A_224 = tpu.memref_squeeze %dma_wait3A_223 : memref<1x200x64xf32, #tpu.memory_space<vmem>> -> memref<200x64xf32, #tpu.memory_space<vmem>>
    tpu.wait_dma2 semaphore(%arg16 : memref<!tpu.dma_semaphore, #tpu.memory_space<semaphore_mem>>) src(%dma_wait3A_224 : memref<200x64xf32, #tpu.memory_space<vmem>>) dst(%dma_wait3A_220 : memref<200x64xf32, #tpu.memory_space<hbm>>)
    %dma_start3A_225 = arith.constant 0 : i32
    %dma_start3A_226 = arith.constant 0 : i32
    %dma_start3A_227 = arith.constant 0 : i32
    %dma_start3A_228 = tpu.memref_slice %arg8[%dma_start3A_225, %dma_start3A_226, %dma_start3A_227] : memref<6x200x64xf32, #tpu.memory_space<vmem>> -> memref<1x200x64xf32, #tpu.memory_space<vmem>>
    %dma_start3A_229 = tpu.memref_squeeze %dma_start3A_228 : memref<1x200x64xf32, #tpu.memory_space<vmem>> -> memref<200x64xf32, #tpu.memory_space<vmem>>
    %dma_start3A_230 = arith.constant 0 : i32
    %dma_start3A_231 = arith.constant 0 : i32
    %dma_start3A_232 = tpu.memref_slice %arg8[%dma_start3A_225, %dma_start3A_230, %dma_start3A_231] : memref<6x200x64xf32, #tpu.memory_space<vmem>> -> memref<1x200x64xf32, #tpu.memory_space<vmem>>
    %dma_start3A_233 = tpu.memref_squeeze %dma_start3A_232 : memref<1x200x64xf32, #tpu.memory_space<vmem>> -> memref<200x64xf32, #tpu.memory_space<vmem>>
    tpu.enqueue_dma source(%arg6 : memref<200x64xf32, #tpu.memory_space<vmem_shared>>) target(%dma_start3A_233 : memref<200x64xf32, #tpu.memory_space<vmem>>) target_semaphore(%arg22 : memref<!tpu.dma_semaphore, #tpu.memory_space<semaphore_mem>>)
    %dma_wait3A_234 = arith.constant 5 : i32
    %dma_wait3A_235 = arith.constant 0 : i32
    %dma_wait3A_236 = arith.constant 0 : i32
    %dma_wait3A_237 = tpu.memref_slice %arg8[%dma_wait3A_234, %dma_wait3A_235, %dma_wait3A_236] : memref<6x200x64xf32, #tpu.memory_space<vmem>> -> memref<1x200x64xf32, #tpu.memory_space<vmem>>
    %dma_wait3A_238 = tpu.memref_squeeze %dma_wait3A_237 : memref<1x200x64xf32, #tpu.memory_space<vmem>> -> memref<200x64xf32, #tpu.memory_space<vmem>>
    %dma_wait3A_239 = arith.constant 0 : i32
    %dma_wait3A_240 = arith.constant 0 : i32
    %dma_wait3A_241 = tpu.memref_slice %arg8[%dma_wait3A_234, %dma_wait3A_239, %dma_wait3A_240] : memref<6x200x64xf32, #tpu.memory_space<vmem>> -> memref<1x200x64xf32, #tpu.memory_space<vmem>>
    %dma_wait3A_242 = tpu.memref_squeeze %dma_wait3A_241 : memref<1x200x64xf32, #tpu.memory_space<vmem>> -> memref<200x64xf32, #tpu.memory_space<vmem>>
    tpu.wait_dma2 semaphore(%arg27 : memref<!tpu.dma_semaphore, #tpu.memory_space<semaphore_mem>>) src(%arg6 : memref<200x64xf32, #tpu.memory_space<vmem_shared>>) dst(%dma_wait3A_242 : memref<200x64xf32, #tpu.memory_space<vmem>>)
    %dma_start3A_243 = arith.constant 5 : i32
    %dma_start3A_244 = arith.constant 0 : i32
    %dma_start3A_245 = arith.constant 0 : i32
    %dma_start3A_246 = tpu.memref_slice %arg8[%dma_start3A_243, %dma_start3A_244, %dma_start3A_245] : memref<6x200x64xf32, #tpu.memory_space<vmem>> -> memref<1x200x64xf32, #tpu.memory_space<vmem>>
    %dma_start3A_247 = tpu.memref_squeeze %dma_start3A_246 : memref<1x200x64xf32, #tpu.memory_space<vmem>> -> memref<200x64xf32, #tpu.memory_space<vmem>>
    %dma_start3A_248 = arith.constant 1000 : i32
    %dma_start3A_249 = tpu.memref_slice %arg7[%dma_start3A_248] : memref<25600xi32, #tpu.memory_space<vmem>> -> memref<200xi32, #tpu.memory_space<vmem>>
    %dma_start3A_250 = arith.constant 0 : i32
    %dma_start3A_251 = arith.constant 0 : i32
    %dma_start3A_252 = tpu.memref_slice %arg3[%dma_start3A_250, %dma_start3A_251] : memref<1000000x64xf32, #tpu.memory_space<hbm>> -> memref<1000000x64xf32, #tpu.memory_space<hbm>>
    tpu.enqueue_indirect_dma source(%dma_start3A_252 : memref<1000000x64xf32, #tpu.memory_space<hbm>>) target(%dma_start3A_247 : memref<200x64xf32, #tpu.memory_space<vmem>>) offsets(%dma_start3A_249 : memref<200xi32, #tpu.memory_space<vmem>>) semaphore(%arg15 : memref<!tpu.dma_semaphore, #tpu.memory_space<semaphore_mem>>) {add = true}
    %dma_wait3A_253 = arith.constant 2 : i32
    %dma_wait3A_254 = arith.constant 0 : i32
    %dma_wait3A_255 = arith.constant 0 : i32
    %dma_wait3A_256 = tpu.memref_slice %arg8[%dma_wait3A_253, %dma_wait3A_254, %dma_wait3A_255] : memref<6x200x64xf32, #tpu.memory_space<vmem>> -> memref<1x200x64xf32, #tpu.memory_space<vmem>>
    %dma_wait3A_257 = tpu.memref_squeeze %dma_wait3A_256 : memref<1x200x64xf32, #tpu.memory_space<vmem>> -> memref<200x64xf32, #tpu.memory_space<vmem>>
    %dma_wait3A_258 = arith.constant 0 : i32
    %dma_wait3A_259 = tpu.memref_slice %arg7[%dma_wait3A_258] : memref<25600xi32, #tpu.memory_space<vmem>> -> memref<200xi32, #tpu.memory_space<vmem>>
    %dma_wait3A_260 = arith.constant 0 : i32
    %dma_wait3A_261 = arith.constant 0 : i32
    %dma_wait3A_262 = tpu.memref_slice %arg3[%dma_wait3A_260, %dma_wait3A_261] : memref<1000000x64xf32, #tpu.memory_space<hbm>> -> memref<1000000x64xf32, #tpu.memory_space<hbm>>
    tpu.wait_indirect_dma semaphore(%arg12 : memref<!tpu.dma_semaphore, #tpu.memory_space<semaphore_mem>>) src(%dma_wait3A_262 : memref<1000000x64xf32, #tpu.memory_space<hbm>>) dst(%dma_wait3A_257 : memref<200x64xf32, #tpu.memory_space<vmem>>)
    %add3A_263 = arith.constant 400 : i32
    %add3A_264 = arith.addi %mul3A_2, %add3A_263 : i32
    %dma_start3A_265 = arith.constant 2 : i32
    %dma_start3A_266 = arith.constant 0 : i32
    %dma_start3A_267 = arith.constant 0 : i32
    %dma_start3A_268 = tpu.memref_slice %arg8[%dma_start3A_265, %dma_start3A_266, %dma_start3A_267] : memref<6x200x64xf32, #tpu.memory_space<vmem>> -> memref<1x200x64xf32, #tpu.memory_space<vmem>>
    %dma_start3A_269 = tpu.memref_squeeze %dma_start3A_268 : memref<1x200x64xf32, #tpu.memory_space<vmem>> -> memref<200x64xf32, #tpu.memory_space<vmem>>
    %dma_start3A_270 = arith.constant 0 : i32
    %dma_start3A_271 = tpu.memref_slice %arg5[%add3A_264, %dma_start3A_270] : memref<819200x64xf32, #tpu.memory_space<hbm>> -> memref<200x64xf32, #tpu.memory_space<hbm>>
    %dma_start3A_272 = arith.constant 0 : i32
    %dma_start3A_273 = tpu.memref_slice %arg5[%add3A_264, %dma_start3A_272] : memref<819200x64xf32, #tpu.memory_space<hbm>> -> memref<200x64xf32, #tpu.memory_space<hbm>>
    %dma_start3A_274 = arith.constant 0 : i32
    %dma_start3A_275 = arith.constant 0 : i32
    %dma_start3A_276 = tpu.memref_slice %arg8[%dma_start3A_265, %dma_start3A_274, %dma_start3A_275] : memref<6x200x64xf32, #tpu.memory_space<vmem>> -> memref<1x200x64xf32, #tpu.memory_space<vmem>>
    %dma_start3A_277 = tpu.memref_squeeze %dma_start3A_276 : memref<1x200x64xf32, #tpu.memory_space<vmem>> -> memref<200x64xf32, #tpu.memory_space<vmem>>
    tpu.enqueue_dma source(%dma_start3A_277 : memref<200x64xf32, #tpu.memory_space<vmem>>) target(%dma_start3A_273 : memref<200x64xf32, #tpu.memory_space<hbm>>) target_semaphore(%arg18 : memref<!tpu.dma_semaphore, #tpu.memory_space<semaphore_mem>>)
    %dma_wait3A_278 = arith.constant 1 : i32
    %dma_wait3A_279 = arith.constant 0 : i32
    %dma_wait3A_280 = arith.constant 0 : i32
    %dma_wait3A_281 = tpu.memref_slice %arg8[%dma_wait3A_278, %dma_wait3A_279, %dma_wait3A_280] : memref<6x200x64xf32, #tpu.memory_space<vmem>> -> memref<1x200x64xf32, #tpu.memory_space<vmem>>
    %dma_wait3A_282 = tpu.memref_squeeze %dma_wait3A_281 : memref<1x200x64xf32, #tpu.memory_space<vmem>> -> memref<200x64xf32, #tpu.memory_space<vmem>>
    %dma_wait3A_283 = arith.constant 0 : i32
    %dma_wait3A_284 = arith.constant 0 : i32
    %dma_wait3A_285 = tpu.memref_slice %arg5[%dma_wait3A_283, %dma_wait3A_284] : memref<819200x64xf32, #tpu.memory_space<hbm>> -> memref<200x64xf32, #tpu.memory_space<hbm>>
    %dma_wait3A_286 = arith.constant 0 : i32
    %dma_wait3A_287 = arith.constant 0 : i32
    %dma_wait3A_288 = tpu.memref_slice %arg5[%dma_wait3A_286, %dma_wait3A_287] : memref<819200x64xf32, #tpu.memory_space<hbm>> -> memref<200x64xf32, #tpu.memory_space<hbm>>
    %dma_wait3A_289 = arith.constant 0 : i32
    %dma_wait3A_290 = arith.constant 0 : i32
    %dma_wait3A_291 = tpu.memref_slice %arg8[%dma_wait3A_278, %dma_wait3A_289, %dma_wait3A_290] : memref<6x200x64xf32, #tpu.memory_space<vmem>> -> memref<1x200x64xf32, #tpu.memory_space<vmem>>
    %dma_wait3A_292 = tpu.memref_squeeze %dma_wait3A_291 : memref<1x200x64xf32, #tpu.memory_space<vmem>> -> memref<200x64xf32, #tpu.memory_space<vmem>>
    tpu.wait_dma2 semaphore(%arg17 : memref<!tpu.dma_semaphore, #tpu.memory_space<semaphore_mem>>) src(%dma_wait3A_292 : memref<200x64xf32, #tpu.memory_space<vmem>>) dst(%dma_wait3A_288 : memref<200x64xf32, #tpu.memory_space<hbm>>)
    %dma_start3A_293 = arith.constant 1 : i32
    %dma_start3A_294 = arith.constant 0 : i32
    %dma_start3A_295 = arith.constant 0 : i32
    %dma_start3A_296 = tpu.memref_slice %arg8[%dma_start3A_293, %dma_start3A_294, %dma_start3A_295] : memref<6x200x64xf32, #tpu.memory_space<vmem>> -> memref<1x200x64xf32, #tpu.memory_space<vmem>>
    %dma_start3A_297 = tpu.memref_squeeze %dma_start3A_296 : memref<1x200x64xf32, #tpu.memory_space<vmem>> -> memref<200x64xf32, #tpu.memory_space<vmem>>
    %dma_start3A_298 = arith.constant 0 : i32
    %dma_start3A_299 = arith.constant 0 : i32
    %dma_start3A_300 = tpu.memref_slice %arg8[%dma_start3A_293, %dma_start3A_298, %dma_start3A_299] : memref<6x200x64xf32, #tpu.memory_space<vmem>> -> memref<1x200x64xf32, #tpu.memory_space<vmem>>
    %dma_start3A_301 = tpu.memref_squeeze %dma_start3A_300 : memref<1x200x64xf32, #tpu.memory_space<vmem>> -> memref<200x64xf32, #tpu.memory_space<vmem>>
    tpu.enqueue_dma source(%arg6 : memref<200x64xf32, #tpu.memory_space<vmem_shared>>) target(%dma_start3A_301 : memref<200x64xf32, #tpu.memory_space<vmem>>) target_semaphore(%arg23 : memref<!tpu.dma_semaphore, #tpu.memory_space<semaphore_mem>>)
    %dma_wait3A_302 = arith.constant 0 : i32
    %dma_wait3A_303 = arith.constant 0 : i32
    %dma_wait3A_304 = arith.constant 0 : i32
    %dma_wait3A_305 = tpu.memref_slice %arg8[%dma_wait3A_302, %dma_wait3A_303, %dma_wait3A_304] : memref<6x200x64xf32, #tpu.memory_space<vmem>> -> memref<1x200x64xf32, #tpu.memory_space<vmem>>
    %dma_wait3A_306 = tpu.memref_squeeze %dma_wait3A_305 : memref<1x200x64xf32, #tpu.memory_space<vmem>> -> memref<200x64xf32, #tpu.memory_space<vmem>>
    %dma_wait3A_307 = arith.constant 0 : i32
    %dma_wait3A_308 = arith.constant 0 : i32
    %dma_wait3A_309 = tpu.memref_slice %arg8[%dma_wait3A_302, %dma_wait3A_307, %dma_wait3A_308] : memref<6x200x64xf32, #tpu.memory_space<vmem>> -> memref<1x200x64xf32, #tpu.memory_space<vmem>>
    %dma_wait3A_310 = tpu.memref_squeeze %dma_wait3A_309 : memref<1x200x64xf32, #tpu.memory_space<vmem>> -> memref<200x64xf32, #tpu.memory_space<vmem>>
    tpu.wait_dma2 semaphore(%arg22 : memref<!tpu.dma_semaphore, #tpu.memory_space<semaphore_mem>>) src(%arg6 : memref<200x64xf32, #tpu.memory_space<vmem_shared>>) dst(%dma_wait3A_310 : memref<200x64xf32, #tpu.memory_space<vmem>>)
    %dma_start3A_311 = arith.constant 0 : i32
    %dma_start3A_312 = arith.constant 0 : i32
    %dma_start3A_313 = arith.constant 0 : i32
    %dma_start3A_314 = tpu.memref_slice %arg8[%dma_start3A_311, %dma_start3A_312, %dma_start3A_313] : memref<6x200x64xf32, #tpu.memory_space<vmem>> -> memref<1x200x64xf32, #tpu.memory_space<vmem>>
    %dma_start3A_315 = tpu.memref_squeeze %dma_start3A_314 : memref<1x200x64xf32, #tpu.memory_space<vmem>> -> memref<200x64xf32, #tpu.memory_space<vmem>>
    %dma_start3A_316 = arith.constant 1200 : i32
    %dma_start3A_317 = tpu.memref_slice %arg7[%dma_start3A_316] : memref<25600xi32, #tpu.memory_space<vmem>> -> memref<200xi32, #tpu.memory_space<vmem>>
    %dma_start3A_318 = arith.constant 0 : i32
    %dma_start3A_319 = arith.constant 0 : i32
    %dma_start3A_320 = tpu.memref_slice %arg3[%dma_start3A_318, %dma_start3A_319] : memref<1000000x64xf32, #tpu.memory_space<hbm>> -> memref<1000000x64xf32, #tpu.memory_space<hbm>>
    tpu.enqueue_indirect_dma source(%dma_start3A_320 : memref<1000000x64xf32, #tpu.memory_space<hbm>>) target(%dma_start3A_315 : memref<200x64xf32, #tpu.memory_space<vmem>>) offsets(%dma_start3A_317 : memref<200xi32, #tpu.memory_space<vmem>>) semaphore(%arg10 : memref<!tpu.dma_semaphore, #tpu.memory_space<semaphore_mem>>) {add = true}
    %dma_wait3A_321 = arith.constant 3 : i32
    %dma_wait3A_322 = arith.constant 0 : i32
    %dma_wait3A_323 = arith.constant 0 : i32
    %dma_wait3A_324 = tpu.memref_slice %arg8[%dma_wait3A_321, %dma_wait3A_322, %dma_wait3A_323] : memref<6x200x64xf32, #tpu.memory_space<vmem>> -> memref<1x200x64xf32, #tpu.memory_space<vmem>>
    %dma_wait3A_325 = tpu.memref_squeeze %dma_wait3A_324 : memref<1x200x64xf32, #tpu.memory_space<vmem>> -> memref<200x64xf32, #tpu.memory_space<vmem>>
    %dma_wait3A_326 = arith.constant 0 : i32
    %dma_wait3A_327 = tpu.memref_slice %arg7[%dma_wait3A_326] : memref<25600xi32, #tpu.memory_space<vmem>> -> memref<200xi32, #tpu.memory_space<vmem>>
    %dma_wait3A_328 = arith.constant 0 : i32
    %dma_wait3A_329 = arith.constant 0 : i32
    %dma_wait3A_330 = tpu.memref_slice %arg3[%dma_wait3A_328, %dma_wait3A_329] : memref<1000000x64xf32, #tpu.memory_space<hbm>> -> memref<1000000x64xf32, #tpu.memory_space<hbm>>
    tpu.wait_indirect_dma semaphore(%arg13 : memref<!tpu.dma_semaphore, #tpu.memory_space<semaphore_mem>>) src(%dma_wait3A_330 : memref<1000000x64xf32, #tpu.memory_space<hbm>>) dst(%dma_wait3A_325 : memref<200x64xf32, #tpu.memory_space<vmem>>)
    %add3A_331 = arith.constant 600 : i32
    %add3A_332 = arith.addi %mul3A_2, %add3A_331 : i32
    %dma_start3A_333 = arith.constant 3 : i32
    %dma_start3A_334 = arith.constant 0 : i32
    %dma_start3A_335 = arith.constant 0 : i32
    %dma_start3A_336 = tpu.memref_slice %arg8[%dma_start3A_333, %dma_start3A_334, %dma_start3A_335] : memref<6x200x64xf32, #tpu.memory_space<vmem>> -> memref<1x200x64xf32, #tpu.memory_space<vmem>>
    %dma_start3A_337 = tpu.memref_squeeze %dma_start3A_336 : memref<1x200x64xf32, #tpu.memory_space<vmem>> -> memref<200x64xf32, #tpu.memory_space<vmem>>
    %dma_start3A_338 = arith.constant 0 : i32
    %dma_start3A_339 = tpu.memref_slice %arg5[%add3A_332, %dma_start3A_338] : memref<819200x64xf32, #tpu.memory_space<hbm>> -> memref<200x64xf32, #tpu.memory_space<hbm>>
    %dma_start3A_340 = arith.constant 0 : i32
    %dma_start3A_341 = tpu.memref_slice %arg5[%add3A_332, %dma_start3A_340] : memref<819200x64xf32, #tpu.memory_space<hbm>> -> memref<200x64xf32, #tpu.memory_space<hbm>>
    %dma_start3A_342 = arith.constant 0 : i32
    %dma_start3A_343 = arith.constant 0 : i32
    %dma_start3A_344 = tpu.memref_slice %arg8[%dma_start3A_333, %dma_start3A_342, %dma_start3A_343] : memref<6x200x64xf32, #tpu.memory_space<vmem>> -> memref<1x200x64xf32, #tpu.memory_space<vmem>>
    %dma_start3A_345 = tpu.memref_squeeze %dma_start3A_344 : memref<1x200x64xf32, #tpu.memory_space<vmem>> -> memref<200x64xf32, #tpu.memory_space<vmem>>
    tpu.enqueue_dma source(%dma_start3A_345 : memref<200x64xf32, #tpu.memory_space<vmem>>) target(%dma_start3A_341 : memref<200x64xf32, #tpu.memory_space<hbm>>) target_semaphore(%arg19 : memref<!tpu.dma_semaphore, #tpu.memory_space<semaphore_mem>>)
    %dma_wait3A_346 = arith.constant 1600 : i32
    %dma_wait3A_347 = tpu.memref_slice %arg7[%dma_wait3A_346] : memref<25600xi32, #tpu.memory_space<vmem>> -> memref<24000xi32, #tpu.memory_space<vmem>>
    %dma_wait3A_348 = arith.constant 0 : i32
    %dma_wait3A_349 = tpu.memref_slice %arg2[%dma_wait3A_348] : memref<819200xi32, #tpu.memory_space<hbm>> -> memref<24000xi32, #tpu.memory_space<hbm>>
    %dma_wait3A_350 = arith.constant 1600 : i32
    %dma_wait3A_351 = tpu.memref_slice %arg7[%dma_wait3A_350] : memref<25600xi32, #tpu.memory_space<vmem>> -> memref<24000xi32, #tpu.memory_space<vmem>>
    %dma_wait3A_352 = arith.constant 0 : i32
    %dma_wait3A_353 = tpu.memref_slice %arg2[%dma_wait3A_352] : memref<819200xi32, #tpu.memory_space<hbm>> -> memref<24000xi32, #tpu.memory_space<hbm>>
    tpu.wait_dma2 semaphore(%arg9 : memref<!tpu.dma_semaphore, #tpu.memory_space<semaphore_mem>>) src(%dma_wait3A_353 : memref<24000xi32, #tpu.memory_space<hbm>>) dst(%dma_wait3A_351 : memref<24000xi32, #tpu.memory_space<vmem>>)
    %dma_wait3A_354 = arith.constant 2 : i32
    %dma_wait3A_355 = arith.constant 0 : i32
    %dma_wait3A_356 = arith.constant 0 : i32
    %dma_wait3A_357 = tpu.memref_slice %arg8[%dma_wait3A_354, %dma_wait3A_355, %dma_wait3A_356] : memref<6x200x64xf32, #tpu.memory_space<vmem>> -> memref<1x200x64xf32, #tpu.memory_space<vmem>>
    %dma_wait3A_358 = tpu.memref_squeeze %dma_wait3A_357 : memref<1x200x64xf32, #tpu.memory_space<vmem>> -> memref<200x64xf32, #tpu.memory_space<vmem>>
    %dma_wait3A_359 = arith.constant 0 : i32
    %dma_wait3A_360 = arith.constant 0 : i32
    %dma_wait3A_361 = tpu.memref_slice %arg5[%dma_wait3A_359, %dma_wait3A_360] : memref<819200x64xf32, #tpu.memory_space<hbm>> -> memref<200x64xf32, #tpu.memory_space<hbm>>
    %dma_wait3A_362 = arith.constant 0 : i32
    %dma_wait3A_363 = arith.constant 0 : i32
    %dma_wait3A_364 = tpu.memref_slice %arg5[%dma_wait3A_362, %dma_wait3A_363] : memref<819200x64xf32, #tpu.memory_space<hbm>> -> memref<200x64xf32, #tpu.memory_space<hbm>>
    %dma_wait3A_365 = arith.constant 0 : i32
    %dma_wait3A_366 = arith.constant 0 : i32
    %dma_wait3A_367 = tpu.memref_slice %arg8[%dma_wait3A_354, %dma_wait3A_365, %dma_wait3A_366] : memref<6x200x64xf32, #tpu.memory_space<vmem>> -> memref<1x200x64xf32, #tpu.memory_space<vmem>>
    %dma_wait3A_368 = tpu.memref_squeeze %dma_wait3A_367 : memref<1x200x64xf32, #tpu.memory_space<vmem>> -> memref<200x64xf32, #tpu.memory_space<vmem>>
    tpu.wait_dma2 semaphore(%arg18 : memref<!tpu.dma_semaphore, #tpu.memory_space<semaphore_mem>>) src(%dma_wait3A_368 : memref<200x64xf32, #tpu.memory_space<vmem>>) dst(%dma_wait3A_364 : memref<200x64xf32, #tpu.memory_space<hbm>>)
    %dma_start3A_369 = arith.constant 2 : i32
    %dma_start3A_370 = arith.constant 0 : i32
    %dma_start3A_371 = arith.constant 0 : i32
    %dma_start3A_372 = tpu.memref_slice %arg8[%dma_start3A_369, %dma_start3A_370, %dma_start3A_371] : memref<6x200x64xf32, #tpu.memory_space<vmem>> -> memref<1x200x64xf32, #tpu.memory_space<vmem>>
    %dma_start3A_373 = tpu.memref_squeeze %dma_start3A_372 : memref<1x200x64xf32, #tpu.memory_space<vmem>> -> memref<200x64xf32, #tpu.memory_space<vmem>>
    %dma_start3A_374 = arith.constant 0 : i32
    %dma_start3A_375 = arith.constant 0 : i32
    %dma_start3A_376 = tpu.memref_slice %arg8[%dma_start3A_369, %dma_start3A_374, %dma_start3A_375] : memref<6x200x64xf32, #tpu.memory_space<vmem>> -> memref<1x200x64xf32, #tpu.memory_space<vmem>>
    %dma_start3A_377 = tpu.memref_squeeze %dma_start3A_376 : memref<1x200x64xf32, #tpu.memory_space<vmem>> -> memref<200x64xf32, #tpu.memory_space<vmem>>
    tpu.enqueue_dma source(%arg6 : memref<200x64xf32, #tpu.memory_space<vmem_shared>>) target(%dma_start3A_377 : memref<200x64xf32, #tpu.memory_space<vmem>>) target_semaphore(%arg24 : memref<!tpu.dma_semaphore, #tpu.memory_space<semaphore_mem>>)
    %dma_wait3A_378 = arith.constant 1 : i32
    %dma_wait3A_379 = arith.constant 0 : i32
    %dma_wait3A_380 = arith.constant 0 : i32
    %dma_wait3A_381 = tpu.memref_slice %arg8[%dma_wait3A_378, %dma_wait3A_379, %dma_wait3A_380] : memref<6x200x64xf32, #tpu.memory_space<vmem>> -> memref<1x200x64xf32, #tpu.memory_space<vmem>>
    %dma_wait3A_382 = tpu.memref_squeeze %dma_wait3A_381 : memref<1x200x64xf32, #tpu.memory_space<vmem>> -> memref<200x64xf32, #tpu.memory_space<vmem>>
    %dma_wait3A_383 = arith.constant 0 : i32
    %dma_wait3A_384 = arith.constant 0 : i32
    %dma_wait3A_385 = tpu.memref_slice %arg8[%dma_wait3A_378, %dma_wait3A_383, %dma_wait3A_384] : memref<6x200x64xf32, #tpu.memory_space<vmem>> -> memref<1x200x64xf32, #tpu.memory_space<vmem>>
    %dma_wait3A_386 = tpu.memref_squeeze %dma_wait3A_385 : memref<1x200x64xf32, #tpu.memory_space<vmem>> -> memref<200x64xf32, #tpu.memory_space<vmem>>
    tpu.wait_dma2 semaphore(%arg23 : memref<!tpu.dma_semaphore, #tpu.memory_space<semaphore_mem>>) src(%arg6 : memref<200x64xf32, #tpu.memory_space<vmem_shared>>) dst(%dma_wait3A_386 : memref<200x64xf32, #tpu.memory_space<vmem>>)
    %dma_start3A_387 = arith.constant 1 : i32
    %dma_start3A_388 = arith.constant 0 : i32
    %dma_start3A_389 = arith.constant 0 : i32
    %dma_start3A_390 = tpu.memref_slice %arg8[%dma_start3A_387, %dma_start3A_388, %dma_start3A_389] : memref<6x200x64xf32, #tpu.memory_space<vmem>> -> memref<1x200x64xf32, #tpu.memory_space<vmem>>
    %dma_start3A_391 = tpu.memref_squeeze %dma_start3A_390 : memref<1x200x64xf32, #tpu.memory_space<vmem>> -> memref<200x64xf32, #tpu.memory_space<vmem>>
    %dma_start3A_392 = arith.constant 1400 : i32
    %dma_start3A_393 = tpu.memref_slice %arg7[%dma_start3A_392] : memref<25600xi32, #tpu.memory_space<vmem>> -> memref<200xi32, #tpu.memory_space<vmem>>
    %dma_start3A_394 = arith.constant 0 : i32
    %dma_start3A_395 = arith.constant 0 : i32
    %dma_start3A_396 = tpu.memref_slice %arg3[%dma_start3A_394, %dma_start3A_395] : memref<1000000x64xf32, #tpu.memory_space<hbm>> -> memref<1000000x64xf32, #tpu.memory_space<hbm>>
    tpu.enqueue_indirect_dma source(%dma_start3A_396 : memref<1000000x64xf32, #tpu.memory_space<hbm>>) target(%dma_start3A_391 : memref<200x64xf32, #tpu.memory_space<vmem>>) offsets(%dma_start3A_393 : memref<200xi32, #tpu.memory_space<vmem>>) semaphore(%arg11 : memref<!tpu.dma_semaphore, #tpu.memory_space<semaphore_mem>>) {add = true}
    %dma_wait3A_397 = arith.constant 4 : i32
    %dma_wait3A_398 = arith.constant 0 : i32
    %dma_wait3A_399 = arith.constant 0 : i32
    %dma_wait3A_400 = tpu.memref_slice %arg8[%dma_wait3A_397, %dma_wait3A_398, %dma_wait3A_399] : memref<6x200x64xf32, #tpu.memory_space<vmem>> -> memref<1x200x64xf32, #tpu.memory_space<vmem>>
    %dma_wait3A_401 = tpu.memref_squeeze %dma_wait3A_400 : memref<1x200x64xf32, #tpu.memory_space<vmem>> -> memref<200x64xf32, #tpu.memory_space<vmem>>
    %dma_wait3A_402 = arith.constant 0 : i32
    %dma_wait3A_403 = tpu.memref_slice %arg7[%dma_wait3A_402] : memref<25600xi32, #tpu.memory_space<vmem>> -> memref<200xi32, #tpu.memory_space<vmem>>
    %dma_wait3A_404 = arith.constant 0 : i32
    %dma_wait3A_405 = arith.constant 0 : i32
    %dma_wait3A_406 = tpu.memref_slice %arg3[%dma_wait3A_404, %dma_wait3A_405] : memref<1000000x64xf32, #tpu.memory_space<hbm>> -> memref<1000000x64xf32, #tpu.memory_space<hbm>>
    tpu.wait_indirect_dma semaphore(%arg14 : memref<!tpu.dma_semaphore, #tpu.memory_space<semaphore_mem>>) src(%dma_wait3A_406 : memref<1000000x64xf32, #tpu.memory_space<hbm>>) dst(%dma_wait3A_401 : memref<200x64xf32, #tpu.memory_space<vmem>>)
    %add3A_407 = arith.constant 800 : i32
    %add3A_408 = arith.addi %mul3A_2, %add3A_407 : i32
    %dma_start3A_409 = arith.constant 4 : i32
    %dma_start3A_410 = arith.constant 0 : i32
    %dma_start3A_411 = arith.constant 0 : i32
    %dma_start3A_412 = tpu.memref_slice %arg8[%dma_start3A_409, %dma_start3A_410, %dma_start3A_411] : memref<6x200x64xf32, #tpu.memory_space<vmem>> -> memref<1x200x64xf32, #tpu.memory_space<vmem>>
    %dma_start3A_413 = tpu.memref_squeeze %dma_start3A_412 : memref<1x200x64xf32, #tpu.memory_space<vmem>> -> memref<200x64xf32, #tpu.memory_space<vmem>>
    %dma_start3A_414 = arith.constant 0 : i32
    %dma_start3A_415 = tpu.memref_slice %arg5[%add3A_408, %dma_start3A_414] : memref<819200x64xf32, #tpu.memory_space<hbm>> -> memref<200x64xf32, #tpu.memory_space<hbm>>
    %dma_start3A_416 = arith.constant 0 : i32
    %dma_start3A_417 = tpu.memref_slice %arg5[%add3A_408, %dma_start3A_416] : memref<819200x64xf32, #tpu.memory_space<hbm>> -> memref<200x64xf32, #tpu.memory_space<hbm>>
    %dma_start3A_418 = arith.constant 0 : i32
    %dma_start3A_419 = arith.constant 0 : i32
    %dma_start3A_420 = tpu.memref_slice %arg8[%dma_start3A_409, %dma_start3A_418, %dma_start3A_419] : memref<6x200x64xf32, #tpu.memory_space<vmem>> -> memref<1x200x64xf32, #tpu.memory_space<vmem>>
    %dma_start3A_421 = tpu.memref_squeeze %dma_start3A_420 : memref<1x200x64xf32, #tpu.memory_space<vmem>> -> memref<200x64xf32, #tpu.memory_space<vmem>>
    tpu.enqueue_dma source(%dma_start3A_421 : memref<200x64xf32, #tpu.memory_space<vmem>>) target(%dma_start3A_417 : memref<200x64xf32, #tpu.memory_space<hbm>>) target_semaphore(%arg20 : memref<!tpu.dma_semaphore, #tpu.memory_space<semaphore_mem>>)
    %dma_wait3A_422 = arith.constant 3 : i32
    %dma_wait3A_423 = arith.constant 0 : i32
    %dma_wait3A_424 = arith.constant 0 : i32
    %dma_wait3A_425 = tpu.memref_slice %arg8[%dma_wait3A_422, %dma_wait3A_423, %dma_wait3A_424] : memref<6x200x64xf32, #tpu.memory_space<vmem>> -> memref<1x200x64xf32, #tpu.memory_space<vmem>>
    %dma_wait3A_426 = tpu.memref_squeeze %dma_wait3A_425 : memref<1x200x64xf32, #tpu.memory_space<vmem>> -> memref<200x64xf32, #tpu.memory_space<vmem>>
    %dma_wait3A_427 = arith.constant 0 : i32
    %dma_wait3A_428 = arith.constant 0 : i32
    %dma_wait3A_429 = tpu.memref_slice %arg5[%dma_wait3A_427, %dma_wait3A_428] : memref<819200x64xf32, #tpu.memory_space<hbm>> -> memref<200x64xf32, #tpu.memory_space<hbm>>
    %dma_wait3A_430 = arith.constant 0 : i32
    %dma_wait3A_431 = arith.constant 0 : i32
    %dma_wait3A_432 = tpu.memref_slice %arg5[%dma_wait3A_430, %dma_wait3A_431] : memref<819200x64xf32, #tpu.memory_space<hbm>> -> memref<200x64xf32, #tpu.memory_space<hbm>>
    %dma_wait3A_433 = arith.constant 0 : i32
    %dma_wait3A_434 = arith.constant 0 : i32
    %dma_wait3A_435 = tpu.memref_slice %arg8[%dma_wait3A_422, %dma_wait3A_433, %dma_wait3A_434] : memref<6x200x64xf32, #tpu.memory_space<vmem>> -> memref<1x200x64xf32, #tpu.memory_space<vmem>>
    %dma_wait3A_436 = tpu.memref_squeeze %dma_wait3A_435 : memref<1x200x64xf32, #tpu.memory_space<vmem>> -> memref<200x64xf32, #tpu.memory_space<vmem>>
    tpu.wait_dma2 semaphore(%arg19 : memref<!tpu.dma_semaphore, #tpu.memory_space<semaphore_mem>>) src(%dma_wait3A_436 : memref<200x64xf32, #tpu.memory_space<vmem>>) dst(%dma_wait3A_432 : memref<200x64xf32, #tpu.memory_space<hbm>>)
    %dma_start3A_437 = arith.constant 3 : i32
    %dma_start3A_438 = arith.constant 0 : i32
    %dma_start3A_439 = arith.constant 0 : i32
    %dma_start3A_440 = tpu.memref_slice %arg8[%dma_start3A_437, %dma_start3A_438, %dma_start3A_439] : memref<6x200x64xf32, #tpu.memory_space<vmem>> -> memref<1x200x64xf32, #tpu.memory_space<vmem>>
    %dma_start3A_441 = tpu.memref_squeeze %dma_start3A_440 : memref<1x200x64xf32, #tpu.memory_space<vmem>> -> memref<200x64xf32, #tpu.memory_space<vmem>>
    %dma_start3A_442 = arith.constant 0 : i32
    %dma_start3A_443 = arith.constant 0 : i32
    %dma_start3A_444 = tpu.memref_slice %arg8[%dma_start3A_437, %dma_start3A_442, %dma_start3A_443] : memref<6x200x64xf32, #tpu.memory_space<vmem>> -> memref<1x200x64xf32, #tpu.memory_space<vmem>>
    %dma_start3A_445 = tpu.memref_squeeze %dma_start3A_444 : memref<1x200x64xf32, #tpu.memory_space<vmem>> -> memref<200x64xf32, #tpu.memory_space<vmem>>
    tpu.enqueue_dma source(%arg6 : memref<200x64xf32, #tpu.memory_space<vmem_shared>>) target(%dma_start3A_445 : memref<200x64xf32, #tpu.memory_space<vmem>>) target_semaphore(%arg25 : memref<!tpu.dma_semaphore, #tpu.memory_space<semaphore_mem>>)
    %dma_wait3A_446 = arith.constant 2 : i32
    %dma_wait3A_447 = arith.constant 0 : i32
    %dma_wait3A_448 = arith.constant 0 : i32
    %dma_wait3A_449 = tpu.memref_slice %arg8[%dma_wait3A_446, %dma_wait3A_447, %dma_wait3A_448] : memref<6x200x64xf32, #tpu.memory_space<vmem>> -> memref<1x200x64xf32, #tpu.memory_space<vmem>>
    %dma_wait3A_450 = tpu.memref_squeeze %dma_wait3A_449 : memref<1x200x64xf32, #tpu.memory_space<vmem>> -> memref<200x64xf32, #tpu.memory_space<vmem>>
    %dma_wait3A_451 = arith.constant 0 : i32
    %dma_wait3A_452 = arith.constant 0 : i32
    %dma_wait3A_453 = tpu.memref_slice %arg8[%dma_wait3A_446, %dma_wait3A_451, %dma_wait3A_452] : memref<6x200x64xf32, #tpu.memory_space<vmem>> -> memref<1x200x64xf32, #tpu.memory_space<vmem>>
    %dma_wait3A_454 = tpu.memref_squeeze %dma_wait3A_453 : memref<1x200x64xf32, #tpu.memory_space<vmem>> -> memref<200x64xf32, #tpu.memory_space<vmem>>
    tpu.wait_dma2 semaphore(%arg24 : memref<!tpu.dma_semaphore, #tpu.memory_space<semaphore_mem>>) src(%arg6 : memref<200x64xf32, #tpu.memory_space<vmem_shared>>) dst(%dma_wait3A_454 : memref<200x64xf32, #tpu.memory_space<vmem>>)
    %dma_start3A_455 = arith.constant 2 : i32
    %dma_start3A_456 = arith.constant 0 : i32
    %dma_start3A_457 = arith.constant 0 : i32
    %dma_start3A_458 = tpu.memref_slice %arg8[%dma_start3A_455, %dma_start3A_456, %dma_start3A_457] : memref<6x200x64xf32, #tpu.memory_space<vmem>> -> memref<1x200x64xf32, #tpu.memory_space<vmem>>
    %dma_start3A_459 = tpu.memref_squeeze %dma_start3A_458 : memref<1x200x64xf32, #tpu.memory_space<vmem>> -> memref<200x64xf32, #tpu.memory_space<vmem>>
    %dma_start3A_460 = arith.constant 1600 : i32
    %dma_start3A_461 = tpu.memref_slice %arg7[%dma_start3A_460] : memref<25600xi32, #tpu.memory_space<vmem>> -> memref<200xi32, #tpu.memory_space<vmem>>
    %dma_start3A_462 = arith.constant 0 : i32
    %dma_start3A_463 = arith.constant 0 : i32
    %dma_start3A_464 = tpu.memref_slice %arg3[%dma_start3A_462, %dma_start3A_463] : memref<1000000x64xf32, #tpu.memory_space<hbm>> -> memref<1000000x64xf32, #tpu.memory_space<hbm>>
    tpu.enqueue_indirect_dma source(%dma_start3A_464 : memref<1000000x64xf32, #tpu.memory_space<hbm>>) target(%dma_start3A_459 : memref<200x64xf32, #tpu.memory_space<vmem>>) offsets(%dma_start3A_461 : memref<200xi32, #tpu.memory_space<vmem>>) semaphore(%arg12 : memref<!tpu.dma_semaphore, #tpu.memory_space<semaphore_mem>>) {add = true}
    %dma_wait3A_465 = arith.constant 5 : i32
    %dma_wait3A_466 = arith.constant 0 : i32
    %dma_wait3A_467 = arith.constant 0 : i32
    %dma_wait3A_468 = tpu.memref_slice %arg8[%dma_wait3A_465, %dma_wait3A_466, %dma_wait3A_467] : memref<6x200x64xf32, #tpu.memory_space<vmem>> -> memref<1x200x64xf32, #tpu.memory_space<vmem>>
    %dma_wait3A_469 = tpu.memref_squeeze %dma_wait3A_468 : memref<1x200x64xf32, #tpu.memory_space<vmem>> -> memref<200x64xf32, #tpu.memory_space<vmem>>
    %dma_wait3A_470 = arith.constant 0 : i32
    %dma_wait3A_471 = tpu.memref_slice %arg7[%dma_wait3A_470] : memref<25600xi32, #tpu.memory_space<vmem>> -> memref<200xi32, #tpu.memory_space<vmem>>
    %dma_wait3A_472 = arith.constant 0 : i32
    %dma_wait3A_473 = arith.constant 0 : i32
    %dma_wait3A_474 = tpu.memref_slice %arg3[%dma_wait3A_472, %dma_wait3A_473] : memref<1000000x64xf32, #tpu.memory_space<hbm>> -> memref<1000000x64xf32, #tpu.memory_space<hbm>>
    tpu.wait_indirect_dma semaphore(%arg15 : memref<!tpu.dma_semaphore, #tpu.memory_space<semaphore_mem>>) src(%dma_wait3A_474 : memref<1000000x64xf32, #tpu.memory_space<hbm>>) dst(%dma_wait3A_469 : memref<200x64xf32, #tpu.memory_space<vmem>>)
    %add3A_475 = arith.constant 1000 : i32
    %add3A_476 = arith.addi %mul3A_2, %add3A_475 : i32
    %dma_start3A_477 = arith.constant 5 : i32
    %dma_start3A_478 = arith.constant 0 : i32
    %dma_start3A_479 = arith.constant 0 : i32
    %dma_start3A_480 = tpu.memref_slice %arg8[%dma_start3A_477, %dma_start3A_478, %dma_start3A_479] : memref<6x200x64xf32, #tpu.memory_space<vmem>> -> memref<1x200x64xf32, #tpu.memory_space<vmem>>
    %dma_start3A_481 = tpu.memref_squeeze %dma_start3A_480 : memref<1x200x64xf32, #tpu.memory_space<vmem>> -> memref<200x64xf32, #tpu.memory_space<vmem>>
    %dma_start3A_482 = arith.constant 0 : i32
    %dma_start3A_483 = tpu.memref_slice %arg5[%add3A_476, %dma_start3A_482] : memref<819200x64xf32, #tpu.memory_space<hbm>> -> memref<200x64xf32, #tpu.memory_space<hbm>>
    %dma_start3A_484 = arith.constant 0 : i32
    %dma_start3A_485 = tpu.memref_slice %arg5[%add3A_476, %dma_start3A_484] : memref<819200x64xf32, #tpu.memory_space<hbm>> -> memref<200x64xf32, #tpu.memory_space<hbm>>
    %dma_start3A_486 = arith.constant 0 : i32
    %dma_start3A_487 = arith.constant 0 : i32
    %dma_start3A_488 = tpu.memref_slice %arg8[%dma_start3A_477, %dma_start3A_486, %dma_start3A_487] : memref<6x200x64xf32, #tpu.memory_space<vmem>> -> memref<1x200x64xf32, #tpu.memory_space<vmem>>
    %dma_start3A_489 = tpu.memref_squeeze %dma_start3A_488 : memref<1x200x64xf32, #tpu.memory_space<vmem>> -> memref<200x64xf32, #tpu.memory_space<vmem>>
    tpu.enqueue_dma source(%dma_start3A_489 : memref<200x64xf32, #tpu.memory_space<vmem>>) target(%dma_start3A_485 : memref<200x64xf32, #tpu.memory_space<hbm>>) target_semaphore(%arg21 : memref<!tpu.dma_semaphore, #tpu.memory_space<semaphore_mem>>)
    %dma_wait3A_490 = arith.constant 4 : i32
    %dma_wait3A_491 = arith.constant 0 : i32
    %dma_wait3A_492 = arith.constant 0 : i32
    %dma_wait3A_493 = tpu.memref_slice %arg8[%dma_wait3A_490, %dma_wait3A_491, %dma_wait3A_492] : memref<6x200x64xf32, #tpu.memory_space<vmem>> -> memref<1x200x64xf32, #tpu.memory_space<vmem>>
    %dma_wait3A_494 = tpu.memref_squeeze %dma_wait3A_493 : memref<1x200x64xf32, #tpu.memory_space<vmem>> -> memref<200x64xf32, #tpu.memory_space<vmem>>
    %dma_wait3A_495 = arith.constant 0 : i32
    %dma_wait3A_496 = arith.constant 0 : i32
    %dma_wait3A_497 = tpu.memref_slice %arg5[%dma_wait3A_495, %dma_wait3A_496] : memref<819200x64xf32, #tpu.memory_space<hbm>> -> memref<200x64xf32, #tpu.memory_space<hbm>>
    %dma_wait3A_498 = arith.constant 0 : i32
    %dma_wait3A_499 = arith.constant 0 : i32
    %dma_wait3A_500 = tpu.memref_slice %arg5[%dma_wait3A_498, %dma_wait3A_499] : memref<819200x64xf32, #tpu.memory_space<hbm>> -> memref<200x64xf32, #tpu.memory_space<hbm>>
    %dma_wait3A_501 = arith.constant 0 : i32
    %dma_wait3A_502 = arith.constant 0 : i32
    %dma_wait3A_503 = tpu.memref_slice %arg8[%dma_wait3A_490, %dma_wait3A_501, %dma_wait3A_502] : memref<6x200x64xf32, #tpu.memory_space<vmem>> -> memref<1x200x64xf32, #tpu.memory_space<vmem>>
    %dma_wait3A_504 = tpu.memref_squeeze %dma_wait3A_503 : memref<1x200x64xf32, #tpu.memory_space<vmem>> -> memref<200x64xf32, #tpu.memory_space<vmem>>
    tpu.wait_dma2 semaphore(%arg20 : memref<!tpu.dma_semaphore, #tpu.memory_space<semaphore_mem>>) src(%dma_wait3A_504 : memref<200x64xf32, #tpu.memory_space<vmem>>) dst(%dma_wait3A_500 : memref<200x64xf32, #tpu.memory_space<hbm>>)
    %dma_start3A_505 = arith.constant 4 : i32
    %dma_start3A_506 = arith.constant 0 : i32
    %dma_start3A_507 = arith.constant 0 : i32
    %dma_start3A_508 = tpu.memref_slice %arg8[%dma_start3A_505, %dma_start3A_506, %dma_start3A_507] : memref<6x200x64xf32, #tpu.memory_space<vmem>> -> memref<1x200x64xf32, #tpu.memory_space<vmem>>
    %dma_start3A_509 = tpu.memref_squeeze %dma_start3A_508 : memref<1x200x64xf32, #tpu.memory_space<vmem>> -> memref<200x64xf32, #tpu.memory_space<vmem>>
    %dma_start3A_510 = arith.constant 0 : i32
    %dma_start3A_511 = arith.constant 0 : i32
    %dma_start3A_512 = tpu.memref_slice %arg8[%dma_start3A_505, %dma_start3A_510, %dma_start3A_511] : memref<6x200x64xf32, #tpu.memory_space<vmem>> -> memref<1x200x64xf32, #tpu.memory_space<vmem>>
    %dma_start3A_513 = tpu.memref_squeeze %dma_start3A_512 : memref<1x200x64xf32, #tpu.memory_space<vmem>> -> memref<200x64xf32, #tpu.memory_space<vmem>>
    tpu.enqueue_dma source(%arg6 : memref<200x64xf32, #tpu.memory_space<vmem_shared>>) target(%dma_start3A_513 : memref<200x64xf32, #tpu.memory_space<vmem>>) target_semaphore(%arg26 : memref<!tpu.dma_semaphore, #tpu.memory_space<semaphore_mem>>)
    %dma_wait3A_514 = arith.constant 3 : i32
    %dma_wait3A_515 = arith.constant 0 : i32
    %dma_wait3A_516 = arith.constant 0 : i32
    %dma_wait3A_517 = tpu.memref_slice %arg8[%dma_wait3A_514, %dma_wait3A_515, %dma_wait3A_516] : memref<6x200x64xf32, #tpu.memory_space<vmem>> -> memref<1x200x64xf32, #tpu.memory_space<vmem>>
    %dma_wait3A_518 = tpu.memref_squeeze %dma_wait3A_517 : memref<1x200x64xf32, #tpu.memory_space<vmem>> -> memref<200x64xf32, #tpu.memory_space<vmem>>
    %dma_wait3A_519 = arith.constant 0 : i32
    %dma_wait3A_520 = arith.constant 0 : i32
    %dma_wait3A_521 = tpu.memref_slice %arg8[%dma_wait3A_514, %dma_wait3A_519, %dma_wait3A_520] : memref<6x200x64xf32, #tpu.memory_space<vmem>> -> memref<1x200x64xf32, #tpu.memory_space<vmem>>
    %dma_wait3A_522 = tpu.memref_squeeze %dma_wait3A_521 : memref<1x200x64xf32, #tpu.memory_space<vmem>> -> memref<200x64xf32, #tpu.memory_space<vmem>>
    tpu.wait_dma2 semaphore(%arg25 : memref<!tpu.dma_semaphore, #tpu.memory_space<semaphore_mem>>) src(%arg6 : memref<200x64xf32, #tpu.memory_space<vmem_shared>>) dst(%dma_wait3A_522 : memref<200x64xf32, #tpu.memory_space<vmem>>)
    %dma_start3A_523 = arith.constant 3 : i32
    %dma_start3A_524 = arith.constant 0 : i32
    %dma_start3A_525 = arith.constant 0 : i32
    %dma_start3A_526 = tpu.memref_slice %arg8[%dma_start3A_523, %dma_start3A_524, %dma_start3A_525] : memref<6x200x64xf32, #tpu.memory_space<vmem>> -> memref<1x200x64xf32, #tpu.memory_space<vmem>>
    %dma_start3A_527 = tpu.memref_squeeze %dma_start3A_526 : memref<1x200x64xf32, #tpu.memory_space<vmem>> -> memref<200x64xf32, #tpu.memory_space<vmem>>
    %dma_start3A_528 = arith.constant 1800 : i32
    %dma_start3A_529 = tpu.memref_slice %arg7[%dma_start3A_528] : memref<25600xi32, #tpu.memory_space<vmem>> -> memref<200xi32, #tpu.memory_space<vmem>>
    %dma_start3A_530 = arith.constant 0 : i32
    %dma_start3A_531 = arith.constant 0 : i32
    %dma_start3A_532 = tpu.memref_slice %arg3[%dma_start3A_530, %dma_start3A_531] : memref<1000000x64xf32, #tpu.memory_space<hbm>> -> memref<1000000x64xf32, #tpu.memory_space<hbm>>
    tpu.enqueue_indirect_dma source(%dma_start3A_532 : memref<1000000x64xf32, #tpu.memory_space<hbm>>) target(%dma_start3A_527 : memref<200x64xf32, #tpu.memory_space<vmem>>) offsets(%dma_start3A_529 : memref<200xi32, #tpu.memory_space<vmem>>) semaphore(%arg13 : memref<!tpu.dma_semaphore, #tpu.memory_space<semaphore_mem>>) {add = true}
    %scan3A = arith.constant 0 : i32
    %scan3A_533 = arith.constant 1 : i32
    %scan3A_534 = arith.constant 19 : i32
    %scan3A_535 = arith.addi %scan3A_533, %scan3A_534 : i32
    %scan3A_536 = arith.constant 1 : i32
    scf.for %scan3A_976 = %scan3A_533 to %scan3A_535 step %scan3A_536  : i32 {
      %mul3A_977 = arith.constant 6 : i32
      %mul3A_978 = arith.muli %scan3A_976, %mul3A_977 : i32
      %add3A_979 = arith.constant 0 : i32
      %add3A_980 = arith.addi %mul3A_978, %add3A_979 : i32
      %dma_wait3A_981 = arith.constant 0 : i32
      %dma_wait3A_982 = arith.constant 0 : i32
      %dma_wait3A_983 = arith.constant 0 : i32
      %dma_wait3A_984 = tpu.memref_slice %arg8[%dma_wait3A_981, %dma_wait3A_982, %dma_wait3A_983] : memref<6x200x64xf32, #tpu.memory_space<vmem>> -> memref<1x200x64xf32, #tpu.memory_space<vmem>>
      %dma_wait3A_985 = tpu.memref_squeeze %dma_wait3A_984 : memref<1x200x64xf32, #tpu.memory_space<vmem>> -> memref<200x64xf32, #tpu.memory_space<vmem>>
      %dma_wait3A_986 = arith.constant 0 : i32
      %dma_wait3A_987 = tpu.memref_slice %arg7[%dma_wait3A_986] : memref<25600xi32, #tpu.memory_space<vmem>> -> memref<200xi32, #tpu.memory_space<vmem>>
      %dma_wait3A_988 = arith.constant 0 : i32
      %dma_wait3A_989 = arith.constant 0 : i32
      %dma_wait3A_990 = tpu.memref_slice %arg3[%dma_wait3A_988, %dma_wait3A_989] : memref<1000000x64xf32, #tpu.memory_space<hbm>> -> memref<1000000x64xf32, #tpu.memory_space<hbm>>
      tpu.wait_indirect_dma semaphore(%arg10 : memref<!tpu.dma_semaphore, #tpu.memory_space<semaphore_mem>>) src(%dma_wait3A_990 : memref<1000000x64xf32, #tpu.memory_space<hbm>>) dst(%dma_wait3A_985 : memref<200x64xf32, #tpu.memory_space<vmem>>)
      %mul3A_991 = arith.constant 200 : i32
      %mul3A_992 = arith.muli %add3A_980, %mul3A_991 : i32
      %add3A_993 = arith.addi %mul3A_2, %mul3A_992 : i32
      %dma_start3A_994 = arith.constant 0 : i32
      %dma_start3A_995 = arith.constant 0 : i32
      %dma_start3A_996 = arith.constant 0 : i32
      %dma_start3A_997 = tpu.memref_slice %arg8[%dma_start3A_994, %dma_start3A_995, %dma_start3A_996] : memref<6x200x64xf32, #tpu.memory_space<vmem>> -> memref<1x200x64xf32, #tpu.memory_space<vmem>>
      %dma_start3A_998 = tpu.memref_squeeze %dma_start3A_997 : memref<1x200x64xf32, #tpu.memory_space<vmem>> -> memref<200x64xf32, #tpu.memory_space<vmem>>
      %dma_start3A_999 = arith.constant 0 : i32
      %dma_start3A_1000 = tpu.memref_slice %arg5[%add3A_993, %dma_start3A_999] : memref<819200x64xf32, #tpu.memory_space<hbm>> -> memref<200x64xf32, #tpu.memory_space<hbm>>
      %dma_start3A_1001 = arith.constant 0 : i32
      %dma_start3A_1002 = tpu.memref_slice %arg5[%add3A_993, %dma_start3A_1001] : memref<819200x64xf32, #tpu.memory_space<hbm>> -> memref<200x64xf32, #tpu.memory_space<hbm>>
      %dma_start3A_1003 = arith.constant 0 : i32
      %dma_start3A_1004 = arith.constant 0 : i32
      %dma_start3A_1005 = tpu.memref_slice %arg8[%dma_start3A_994, %dma_start3A_1003, %dma_start3A_1004] : memref<6x200x64xf32, #tpu.memory_space<vmem>> -> memref<1x200x64xf32, #tpu.memory_space<vmem>>
      %dma_start3A_1006 = tpu.memref_squeeze %dma_start3A_1005 : memref<1x200x64xf32, #tpu.memory_space<vmem>> -> memref<200x64xf32, #tpu.memory_space<vmem>>
      tpu.enqueue_dma source(%dma_start3A_1006 : memref<200x64xf32, #tpu.memory_space<vmem>>) target(%dma_start3A_1002 : memref<200x64xf32, #tpu.memory_space<hbm>>) target_semaphore(%arg16 : memref<!tpu.dma_semaphore, #tpu.memory_space<semaphore_mem>>)
      %dma_wait3A_1007 = arith.constant 5 : i32
      %dma_wait3A_1008 = arith.constant 0 : i32
      %dma_wait3A_1009 = arith.constant 0 : i32
      %dma_wait3A_1010 = tpu.memref_slice %arg8[%dma_wait3A_1007, %dma_wait3A_1008, %dma_wait3A_1009] : memref<6x200x64xf32, #tpu.memory_space<vmem>> -> memref<1x200x64xf32, #tpu.memory_space<vmem>>
      %dma_wait3A_1011 = tpu.memref_squeeze %dma_wait3A_1010 : memref<1x200x64xf32, #tpu.memory_space<vmem>> -> memref<200x64xf32, #tpu.memory_space<vmem>>
      %dma_wait3A_1012 = arith.constant 0 : i32
      %dma_wait3A_1013 = arith.constant 0 : i32
      %dma_wait3A_1014 = tpu.memref_slice %arg5[%dma_wait3A_1012, %dma_wait3A_1013] : memref<819200x64xf32, #tpu.memory_space<hbm>> -> memref<200x64xf32, #tpu.memory_space<hbm>>
      %dma_wait3A_1015 = arith.constant 0 : i32
      %dma_wait3A_1016 = arith.constant 0 : i32
      %dma_wait3A_1017 = tpu.memref_slice %arg5[%dma_wait3A_1015, %dma_wait3A_1016] : memref<819200x64xf32, #tpu.memory_space<hbm>> -> memref<200x64xf32, #tpu.memory_space<hbm>>
      %dma_wait3A_1018 = arith.constant 0 : i32
      %dma_wait3A_1019 = arith.constant 0 : i32
      %dma_wait3A_1020 = tpu.memref_slice %arg8[%dma_wait3A_1007, %dma_wait3A_1018, %dma_wait3A_1019] : memref<6x200x64xf32, #tpu.memory_space<vmem>> -> memref<1x200x64xf32, #tpu.memory_space<vmem>>
      %dma_wait3A_1021 = tpu.memref_squeeze %dma_wait3A_1020 : memref<1x200x64xf32, #tpu.memory_space<vmem>> -> memref<200x64xf32, #tpu.memory_space<vmem>>
      tpu.wait_dma2 semaphore(%arg21 : memref<!tpu.dma_semaphore, #tpu.memory_space<semaphore_mem>>) src(%dma_wait3A_1021 : memref<200x64xf32, #tpu.memory_space<vmem>>) dst(%dma_wait3A_1017 : memref<200x64xf32, #tpu.memory_space<hbm>>)
      %dma_start3A_1022 = arith.constant 5 : i32
      %dma_start3A_1023 = arith.constant 0 : i32
      %dma_start3A_1024 = arith.constant 0 : i32
      %dma_start3A_1025 = tpu.memref_slice %arg8[%dma_start3A_1022, %dma_start3A_1023, %dma_start3A_1024] : memref<6x200x64xf32, #tpu.memory_space<vmem>> -> memref<1x200x64xf32, #tpu.memory_space<vmem>>
      %dma_start3A_1026 = tpu.memref_squeeze %dma_start3A_1025 : memref<1x200x64xf32, #tpu.memory_space<vmem>> -> memref<200x64xf32, #tpu.memory_space<vmem>>
      %dma_start3A_1027 = arith.constant 0 : i32
      %dma_start3A_1028 = arith.constant 0 : i32
      %dma_start3A_1029 = tpu.memref_slice %arg8[%dma_start3A_1022, %dma_start3A_1027, %dma_start3A_1028] : memref<6x200x64xf32, #tpu.memory_space<vmem>> -> memref<1x200x64xf32, #tpu.memory_space<vmem>>
      %dma_start3A_1030 = tpu.memref_squeeze %dma_start3A_1029 : memref<1x200x64xf32, #tpu.memory_space<vmem>> -> memref<200x64xf32, #tpu.memory_space<vmem>>
      tpu.enqueue_dma source(%arg6 : memref<200x64xf32, #tpu.memory_space<vmem_shared>>) target(%dma_start3A_1030 : memref<200x64xf32, #tpu.memory_space<vmem>>) target_semaphore(%arg27 : memref<!tpu.dma_semaphore, #tpu.memory_space<semaphore_mem>>)
      %add3A_1031 = arith.constant 4 : i32
      %add3A_1032 = arith.addi %add3A_980, %add3A_1031 : i32
      %dma_wait3A_1033 = arith.constant 4 : i32
      %dma_wait3A_1034 = arith.constant 0 : i32
      %dma_wait3A_1035 = arith.constant 0 : i32
      %dma_wait3A_1036 = tpu.memref_slice %arg8[%dma_wait3A_1033, %dma_wait3A_1034, %dma_wait3A_1035] : memref<6x200x64xf32, #tpu.memory_space<vmem>> -> memref<1x200x64xf32, #tpu.memory_space<vmem>>
      %dma_wait3A_1037 = tpu.memref_squeeze %dma_wait3A_1036 : memref<1x200x64xf32, #tpu.memory_space<vmem>> -> memref<200x64xf32, #tpu.memory_space<vmem>>
      %dma_wait3A_1038 = arith.constant 0 : i32
      %dma_wait3A_1039 = arith.constant 0 : i32
      %dma_wait3A_1040 = tpu.memref_slice %arg8[%dma_wait3A_1033, %dma_wait3A_1038, %dma_wait3A_1039] : memref<6x200x64xf32, #tpu.memory_space<vmem>> -> memref<1x200x64xf32, #tpu.memory_space<vmem>>
      %dma_wait3A_1041 = tpu.memref_squeeze %dma_wait3A_1040 : memref<1x200x64xf32, #tpu.memory_space<vmem>> -> memref<200x64xf32, #tpu.memory_space<vmem>>
      tpu.wait_dma2 semaphore(%arg26 : memref<!tpu.dma_semaphore, #tpu.memory_space<semaphore_mem>>) src(%arg6 : memref<200x64xf32, #tpu.memory_space<vmem_shared>>) dst(%dma_wait3A_1041 : memref<200x64xf32, #tpu.memory_space<vmem>>)
      %mul3A_1042 = arith.constant 200 : i32
      %mul3A_1043 = arith.muli %add3A_1032, %mul3A_1042 : i32
      %dma_start3A_1044 = arith.constant 4 : i32
      %dma_start3A_1045 = arith.constant 0 : i32
      %dma_start3A_1046 = arith.constant 0 : i32
      %dma_start3A_1047 = tpu.memref_slice %arg8[%dma_start3A_1044, %dma_start3A_1045, %dma_start3A_1046] : memref<6x200x64xf32, #tpu.memory_space<vmem>> -> memref<1x200x64xf32, #tpu.memory_space<vmem>>
      %dma_start3A_1048 = tpu.memref_squeeze %dma_start3A_1047 : memref<1x200x64xf32, #tpu.memory_space<vmem>> -> memref<200x64xf32, #tpu.memory_space<vmem>>
      %dma_start3A_1049 = tpu.memref_slice %arg7[%mul3A_1043] : memref<25600xi32, #tpu.memory_space<vmem>> -> memref<200xi32, #tpu.memory_space<vmem>>
      %dma_start3A_1050 = arith.constant 0 : i32
      %dma_start3A_1051 = arith.constant 0 : i32
      %dma_start3A_1052 = tpu.memref_slice %arg3[%dma_start3A_1050, %dma_start3A_1051] : memref<1000000x64xf32, #tpu.memory_space<hbm>> -> memref<1000000x64xf32, #tpu.memory_space<hbm>>
      tpu.enqueue_indirect_dma source(%dma_start3A_1052 : memref<1000000x64xf32, #tpu.memory_space<hbm>>) target(%dma_start3A_1048 : memref<200x64xf32, #tpu.memory_space<vmem>>) offsets(%dma_start3A_1049 : memref<200xi32, #tpu.memory_space<vmem>>) semaphore(%arg14 : memref<!tpu.dma_semaphore, #tpu.memory_space<semaphore_mem>>) {add = true}
      %mul3A_1053 = arith.constant 6 : i32
      %mul3A_1054 = arith.muli %scan3A_976, %mul3A_1053 : i32
      %add3A_1055 = arith.constant 1 : i32
      %add3A_1056 = arith.addi %mul3A_1054, %add3A_1055 : i32
      %dma_wait3A_1057 = arith.constant 1 : i32
      %dma_wait3A_1058 = arith.constant 0 : i32
      %dma_wait3A_1059 = arith.constant 0 : i32
      %dma_wait3A_1060 = tpu.memref_slice %arg8[%dma_wait3A_1057, %dma_wait3A_1058, %dma_wait3A_1059] : memref<6x200x64xf32, #tpu.memory_space<vmem>> -> memref<1x200x64xf32, #tpu.memory_space<vmem>>
      %dma_wait3A_1061 = tpu.memref_squeeze %dma_wait3A_1060 : memref<1x200x64xf32, #tpu.memory_space<vmem>> -> memref<200x64xf32, #tpu.memory_space<vmem>>
      %dma_wait3A_1062 = arith.constant 0 : i32
      %dma_wait3A_1063 = tpu.memref_slice %arg7[%dma_wait3A_1062] : memref<25600xi32, #tpu.memory_space<vmem>> -> memref<200xi32, #tpu.memory_space<vmem>>
      %dma_wait3A_1064 = arith.constant 0 : i32
      %dma_wait3A_1065 = arith.constant 0 : i32
      %dma_wait3A_1066 = tpu.memref_slice %arg3[%dma_wait3A_1064, %dma_wait3A_1065] : memref<1000000x64xf32, #tpu.memory_space<hbm>> -> memref<1000000x64xf32, #tpu.memory_space<hbm>>
      tpu.wait_indirect_dma semaphore(%arg11 : memref<!tpu.dma_semaphore, #tpu.memory_space<semaphore_mem>>) src(%dma_wait3A_1066 : memref<1000000x64xf32, #tpu.memory_space<hbm>>) dst(%dma_wait3A_1061 : memref<200x64xf32, #tpu.memory_space<vmem>>)
      %mul3A_1067 = arith.constant 200 : i32
      %mul3A_1068 = arith.muli %add3A_1056, %mul3A_1067 : i32
      %add3A_1069 = arith.addi %mul3A_2, %mul3A_1068 : i32
      %dma_start3A_1070 = arith.constant 1 : i32
      %dma_start3A_1071 = arith.constant 0 : i32
      %dma_start3A_1072 = arith.constant 0 : i32
      %dma_start3A_1073 = tpu.memref_slice %arg8[%dma_start3A_1070, %dma_start3A_1071, %dma_start3A_1072] : memref<6x200x64xf32, #tpu.memory_space<vmem>> -> memref<1x200x64xf32, #tpu.memory_space<vmem>>
      %dma_start3A_1074 = tpu.memref_squeeze %dma_start3A_1073 : memref<1x200x64xf32, #tpu.memory_space<vmem>> -> memref<200x64xf32, #tpu.memory_space<vmem>>
      %dma_start3A_1075 = arith.constant 0 : i32
      %dma_start3A_1076 = tpu.memref_slice %arg5[%add3A_1069, %dma_start3A_1075] : memref<819200x64xf32, #tpu.memory_space<hbm>> -> memref<200x64xf32, #tpu.memory_space<hbm>>
      %dma_start3A_1077 = arith.constant 0 : i32
      %dma_start3A_1078 = tpu.memref_slice %arg5[%add3A_1069, %dma_start3A_1077] : memref<819200x64xf32, #tpu.memory_space<hbm>> -> memref<200x64xf32, #tpu.memory_space<hbm>>
      %dma_start3A_1079 = arith.constant 0 : i32
      %dma_start3A_1080 = arith.constant 0 : i32
      %dma_start3A_1081 = tpu.memref_slice %arg8[%dma_start3A_1070, %dma_start3A_1079, %dma_start3A_1080] : memref<6x200x64xf32, #tpu.memory_space<vmem>> -> memref<1x200x64xf32, #tpu.memory_space<vmem>>
      %dma_start3A_1082 = tpu.memref_squeeze %dma_start3A_1081 : memref<1x200x64xf32, #tpu.memory_space<vmem>> -> memref<200x64xf32, #tpu.memory_space<vmem>>
      tpu.enqueue_dma source(%dma_start3A_1082 : memref<200x64xf32, #tpu.memory_space<vmem>>) target(%dma_start3A_1078 : memref<200x64xf32, #tpu.memory_space<hbm>>) target_semaphore(%arg17 : memref<!tpu.dma_semaphore, #tpu.memory_space<semaphore_mem>>)
      %dma_wait3A_1083 = arith.constant 0 : i32
      %dma_wait3A_1084 = arith.constant 0 : i32
      %dma_wait3A_1085 = arith.constant 0 : i32
      %dma_wait3A_1086 = tpu.memref_slice %arg8[%dma_wait3A_1083, %dma_wait3A_1084, %dma_wait3A_1085] : memref<6x200x64xf32, #tpu.memory_space<vmem>> -> memref<1x200x64xf32, #tpu.memory_space<vmem>>
      %dma_wait3A_1087 = tpu.memref_squeeze %dma_wait3A_1086 : memref<1x200x64xf32, #tpu.memory_space<vmem>> -> memref<200x64xf32, #tpu.memory_space<vmem>>
      %dma_wait3A_1088 = arith.constant 0 : i32
      %dma_wait3A_1089 = arith.constant 0 : i32
      %dma_wait3A_1090 = tpu.memref_slice %arg5[%dma_wait3A_1088, %dma_wait3A_1089] : memref<819200x64xf32, #tpu.memory_space<hbm>> -> memref<200x64xf32, #tpu.memory_space<hbm>>
      %dma_wait3A_1091 = arith.constant 0 : i32
      %dma_wait3A_1092 = arith.constant 0 : i32
      %dma_wait3A_1093 = tpu.memref_slice %arg5[%dma_wait3A_1091, %dma_wait3A_1092] : memref<819200x64xf32, #tpu.memory_space<hbm>> -> memref<200x64xf32, #tpu.memory_space<hbm>>
      %dma_wait3A_1094 = arith.constant 0 : i32
      %dma_wait3A_1095 = arith.constant 0 : i32
      %dma_wait3A_1096 = tpu.memref_slice %arg8[%dma_wait3A_1083, %dma_wait3A_1094, %dma_wait3A_1095] : memref<6x200x64xf32, #tpu.memory_space<vmem>> -> memref<1x200x64xf32, #tpu.memory_space<vmem>>
      %dma_wait3A_1097 = tpu.memref_squeeze %dma_wait3A_1096 : memref<1x200x64xf32, #tpu.memory_space<vmem>> -> memref<200x64xf32, #tpu.memory_space<vmem>>
      tpu.wait_dma2 semaphore(%arg16 : memref<!tpu.dma_semaphore, #tpu.memory_space<semaphore_mem>>) src(%dma_wait3A_1097 : memref<200x64xf32, #tpu.memory_space<vmem>>) dst(%dma_wait3A_1093 : memref<200x64xf32, #tpu.memory_space<hbm>>)
      %dma_start3A_1098 = arith.constant 0 : i32
      %dma_start3A_1099 = arith.constant 0 : i32
      %dma_start3A_1100 = arith.constant 0 : i32
      %dma_start3A_1101 = tpu.memref_slice %arg8[%dma_start3A_1098, %dma_start3A_1099, %dma_start3A_1100] : memref<6x200x64xf32, #tpu.memory_space<vmem>> -> memref<1x200x64xf32, #tpu.memory_space<vmem>>
      %dma_start3A_1102 = tpu.memref_squeeze %dma_start3A_1101 : memref<1x200x64xf32, #tpu.memory_space<vmem>> -> memref<200x64xf32, #tpu.memory_space<vmem>>
      %dma_start3A_1103 = arith.constant 0 : i32
      %dma_start3A_1104 = arith.constant 0 : i32
      %dma_start3A_1105 = tpu.memref_slice %arg8[%dma_start3A_1098, %dma_start3A_1103, %dma_start3A_1104] : memref<6x200x64xf32, #tpu.memory_space<vmem>> -> memref<1x200x64xf32, #tpu.memory_space<vmem>>
      %dma_start3A_1106 = tpu.memref_squeeze %dma_start3A_1105 : memref<1x200x64xf32, #tpu.memory_space<vmem>> -> memref<200x64xf32, #tpu.memory_space<vmem>>
      tpu.enqueue_dma source(%arg6 : memref<200x64xf32, #tpu.memory_space<vmem_shared>>) target(%dma_start3A_1106 : memref<200x64xf32, #tpu.memory_space<vmem>>) target_semaphore(%arg22 : memref<!tpu.dma_semaphore, #tpu.memory_space<semaphore_mem>>)
      %add3A_1107 = arith.constant 4 : i32
      %add3A_1108 = arith.addi %add3A_1056, %add3A_1107 : i32
      %dma_wait3A_1109 = arith.constant 5 : i32
      %dma_wait3A_1110 = arith.constant 0 : i32
      %dma_wait3A_1111 = arith.constant 0 : i32
      %dma_wait3A_1112 = tpu.memref_slice %arg8[%dma_wait3A_1109, %dma_wait3A_1110, %dma_wait3A_1111] : memref<6x200x64xf32, #tpu.memory_space<vmem>> -> memref<1x200x64xf32, #tpu.memory_space<vmem>>
      %dma_wait3A_1113 = tpu.memref_squeeze %dma_wait3A_1112 : memref<1x200x64xf32, #tpu.memory_space<vmem>> -> memref<200x64xf32, #tpu.memory_space<vmem>>
      %dma_wait3A_1114 = arith.constant 0 : i32
      %dma_wait3A_1115 = arith.constant 0 : i32
      %dma_wait3A_1116 = tpu.memref_slice %arg8[%dma_wait3A_1109, %dma_wait3A_1114, %dma_wait3A_1115] : memref<6x200x64xf32, #tpu.memory_space<vmem>> -> memref<1x200x64xf32, #tpu.memory_space<vmem>>
      %dma_wait3A_1117 = tpu.memref_squeeze %dma_wait3A_1116 : memref<1x200x64xf32, #tpu.memory_space<vmem>> -> memref<200x64xf32, #tpu.memory_space<vmem>>
      tpu.wait_dma2 semaphore(%arg27 : memref<!tpu.dma_semaphore, #tpu.memory_space<semaphore_mem>>) src(%arg6 : memref<200x64xf32, #tpu.memory_space<vmem_shared>>) dst(%dma_wait3A_1117 : memref<200x64xf32, #tpu.memory_space<vmem>>)
      %mul3A_1118 = arith.constant 200 : i32
      %mul3A_1119 = arith.muli %add3A_1108, %mul3A_1118 : i32
      %dma_start3A_1120 = arith.constant 5 : i32
      %dma_start3A_1121 = arith.constant 0 : i32
      %dma_start3A_1122 = arith.constant 0 : i32
      %dma_start3A_1123 = tpu.memref_slice %arg8[%dma_start3A_1120, %dma_start3A_1121, %dma_start3A_1122] : memref<6x200x64xf32, #tpu.memory_space<vmem>> -> memref<1x200x64xf32, #tpu.memory_space<vmem>>
      %dma_start3A_1124 = tpu.memref_squeeze %dma_start3A_1123 : memref<1x200x64xf32, #tpu.memory_space<vmem>> -> memref<200x64xf32, #tpu.memory_space<vmem>>
      %dma_start3A_1125 = tpu.memref_slice %arg7[%mul3A_1119] : memref<25600xi32, #tpu.memory_space<vmem>> -> memref<200xi32, #tpu.memory_space<vmem>>
      %dma_start3A_1126 = arith.constant 0 : i32
      %dma_start3A_1127 = arith.constant 0 : i32
      %dma_start3A_1128 = tpu.memref_slice %arg3[%dma_start3A_1126, %dma_start3A_1127] : memref<1000000x64xf32, #tpu.memory_space<hbm>> -> memref<1000000x64xf32, #tpu.memory_space<hbm>>
      tpu.enqueue_indirect_dma source(%dma_start3A_1128 : memref<1000000x64xf32, #tpu.memory_space<hbm>>) target(%dma_start3A_1124 : memref<200x64xf32, #tpu.memory_space<vmem>>) offsets(%dma_start3A_1125 : memref<200xi32, #tpu.memory_space<vmem>>) semaphore(%arg15 : memref<!tpu.dma_semaphore, #tpu.memory_space<semaphore_mem>>) {add = true}
      %mul3A_1129 = arith.constant 6 : i32
      %mul3A_1130 = arith.muli %scan3A_976, %mul3A_1129 : i32
      %add3A_1131 = arith.constant 2 : i32
      %add3A_1132 = arith.addi %mul3A_1130, %add3A_1131 : i32
      %dma_wait3A_1133 = arith.constant 2 : i32
      %dma_wait3A_1134 = arith.constant 0 : i32
      %dma_wait3A_1135 = arith.constant 0 : i32
      %dma_wait3A_1136 = tpu.memref_slice %arg8[%dma_wait3A_1133, %dma_wait3A_1134, %dma_wait3A_1135] : memref<6x200x64xf32, #tpu.memory_space<vmem>> -> memref<1x200x64xf32, #tpu.memory_space<vmem>>
      %dma_wait3A_1137 = tpu.memref_squeeze %dma_wait3A_1136 : memref<1x200x64xf32, #tpu.memory_space<vmem>> -> memref<200x64xf32, #tpu.memory_space<vmem>>
      %dma_wait3A_1138 = arith.constant 0 : i32
      %dma_wait3A_1139 = tpu.memref_slice %arg7[%dma_wait3A_1138] : memref<25600xi32, #tpu.memory_space<vmem>> -> memref<200xi32, #tpu.memory_space<vmem>>
      %dma_wait3A_1140 = arith.constant 0 : i32
      %dma_wait3A_1141 = arith.constant 0 : i32
      %dma_wait3A_1142 = tpu.memref_slice %arg3[%dma_wait3A_1140, %dma_wait3A_1141] : memref<1000000x64xf32, #tpu.memory_space<hbm>> -> memref<1000000x64xf32, #tpu.memory_space<hbm>>
      tpu.wait_indirect_dma semaphore(%arg12 : memref<!tpu.dma_semaphore, #tpu.memory_space<semaphore_mem>>) src(%dma_wait3A_1142 : memref<1000000x64xf32, #tpu.memory_space<hbm>>) dst(%dma_wait3A_1137 : memref<200x64xf32, #tpu.memory_space<vmem>>)
      %mul3A_1143 = arith.constant 200 : i32
      %mul3A_1144 = arith.muli %add3A_1132, %mul3A_1143 : i32
      %add3A_1145 = arith.addi %mul3A_2, %mul3A_1144 : i32
      %dma_start3A_1146 = arith.constant 2 : i32
      %dma_start3A_1147 = arith.constant 0 : i32
      %dma_start3A_1148 = arith.constant 0 : i32
      %dma_start3A_1149 = tpu.memref_slice %arg8[%dma_start3A_1146, %dma_start3A_1147, %dma_start3A_1148] : memref<6x200x64xf32, #tpu.memory_space<vmem>> -> memref<1x200x64xf32, #tpu.memory_space<vmem>>
      %dma_start3A_1150 = tpu.memref_squeeze %dma_start3A_1149 : memref<1x200x64xf32, #tpu.memory_space<vmem>> -> memref<200x64xf32, #tpu.memory_space<vmem>>
      %dma_start3A_1151 = arith.constant 0 : i32
      %dma_start3A_1152 = tpu.memref_slice %arg5[%add3A_1145, %dma_start3A_1151] : memref<819200x64xf32, #tpu.memory_space<hbm>> -> memref<200x64xf32, #tpu.memory_space<hbm>>
      %dma_start3A_1153 = arith.constant 0 : i32
      %dma_start3A_1154 = tpu.memref_slice %arg5[%add3A_1145, %dma_start3A_1153] : memref<819200x64xf32, #tpu.memory_space<hbm>> -> memref<200x64xf32, #tpu.memory_space<hbm>>
      %dma_start3A_1155 = arith.constant 0 : i32
      %dma_start3A_1156 = arith.constant 0 : i32
      %dma_start3A_1157 = tpu.memref_slice %arg8[%dma_start3A_1146, %dma_start3A_1155, %dma_start3A_1156] : memref<6x200x64xf32, #tpu.memory_space<vmem>> -> memref<1x200x64xf32, #tpu.memory_space<vmem>>
      %dma_start3A_1158 = tpu.memref_squeeze %dma_start3A_1157 : memref<1x200x64xf32, #tpu.memory_space<vmem>> -> memref<200x64xf32, #tpu.memory_space<vmem>>
      tpu.enqueue_dma source(%dma_start3A_1158 : memref<200x64xf32, #tpu.memory_space<vmem>>) target(%dma_start3A_1154 : memref<200x64xf32, #tpu.memory_space<hbm>>) target_semaphore(%arg18 : memref<!tpu.dma_semaphore, #tpu.memory_space<semaphore_mem>>)
      %dma_wait3A_1159 = arith.constant 1 : i32
      %dma_wait3A_1160 = arith.constant 0 : i32
      %dma_wait3A_1161 = arith.constant 0 : i32
      %dma_wait3A_1162 = tpu.memref_slice %arg8[%dma_wait3A_1159, %dma_wait3A_1160, %dma_wait3A_1161] : memref<6x200x64xf32, #tpu.memory_space<vmem>> -> memref<1x200x64xf32, #tpu.memory_space<vmem>>
      %dma_wait3A_1163 = tpu.memref_squeeze %dma_wait3A_1162 : memref<1x200x64xf32, #tpu.memory_space<vmem>> -> memref<200x64xf32, #tpu.memory_space<vmem>>
      %dma_wait3A_1164 = arith.constant 0 : i32
      %dma_wait3A_1165 = arith.constant 0 : i32
      %dma_wait3A_1166 = tpu.memref_slice %arg5[%dma_wait3A_1164, %dma_wait3A_1165] : memref<819200x64xf32, #tpu.memory_space<hbm>> -> memref<200x64xf32, #tpu.memory_space<hbm>>
      %dma_wait3A_1167 = arith.constant 0 : i32
      %dma_wait3A_1168 = arith.constant 0 : i32
      %dma_wait3A_1169 = tpu.memref_slice %arg5[%dma_wait3A_1167, %dma_wait3A_1168] : memref<819200x64xf32, #tpu.memory_space<hbm>> -> memref<200x64xf32, #tpu.memory_space<hbm>>
      %dma_wait3A_1170 = arith.constant 0 : i32
      %dma_wait3A_1171 = arith.constant 0 : i32
      %dma_wait3A_1172 = tpu.memref_slice %arg8[%dma_wait3A_1159, %dma_wait3A_1170, %dma_wait3A_1171] : memref<6x200x64xf32, #tpu.memory_space<vmem>> -> memref<1x200x64xf32, #tpu.memory_space<vmem>>
      %dma_wait3A_1173 = tpu.memref_squeeze %dma_wait3A_1172 : memref<1x200x64xf32, #tpu.memory_space<vmem>> -> memref<200x64xf32, #tpu.memory_space<vmem>>
      tpu.wait_dma2 semaphore(%arg17 : memref<!tpu.dma_semaphore, #tpu.memory_space<semaphore_mem>>) src(%dma_wait3A_1173 : memref<200x64xf32, #tpu.memory_space<vmem>>) dst(%dma_wait3A_1169 : memref<200x64xf32, #tpu.memory_space<hbm>>)
      %dma_start3A_1174 = arith.constant 1 : i32
      %dma_start3A_1175 = arith.constant 0 : i32
      %dma_start3A_1176 = arith.constant 0 : i32
      %dma_start3A_1177 = tpu.memref_slice %arg8[%dma_start3A_1174, %dma_start3A_1175, %dma_start3A_1176] : memref<6x200x64xf32, #tpu.memory_space<vmem>> -> memref<1x200x64xf32, #tpu.memory_space<vmem>>
      %dma_start3A_1178 = tpu.memref_squeeze %dma_start3A_1177 : memref<1x200x64xf32, #tpu.memory_space<vmem>> -> memref<200x64xf32, #tpu.memory_space<vmem>>
      %dma_start3A_1179 = arith.constant 0 : i32
      %dma_start3A_1180 = arith.constant 0 : i32
      %dma_start3A_1181 = tpu.memref_slice %arg8[%dma_start3A_1174, %dma_start3A_1179, %dma_start3A_1180] : memref<6x200x64xf32, #tpu.memory_space<vmem>> -> memref<1x200x64xf32, #tpu.memory_space<vmem>>
      %dma_start3A_1182 = tpu.memref_squeeze %dma_start3A_1181 : memref<1x200x64xf32, #tpu.memory_space<vmem>> -> memref<200x64xf32, #tpu.memory_space<vmem>>
      tpu.enqueue_dma source(%arg6 : memref<200x64xf32, #tpu.memory_space<vmem_shared>>) target(%dma_start3A_1182 : memref<200x64xf32, #tpu.memory_space<vmem>>) target_semaphore(%arg23 : memref<!tpu.dma_semaphore, #tpu.memory_space<semaphore_mem>>)
      %add3A_1183 = arith.constant 4 : i32
      %add3A_1184 = arith.addi %add3A_1132, %add3A_1183 : i32
      %dma_wait3A_1185 = arith.constant 0 : i32
      %dma_wait3A_1186 = arith.constant 0 : i32
      %dma_wait3A_1187 = arith.constant 0 : i32
      %dma_wait3A_1188 = tpu.memref_slice %arg8[%dma_wait3A_1185, %dma_wait3A_1186, %dma_wait3A_1187] : memref<6x200x64xf32, #tpu.memory_space<vmem>> -> memref<1x200x64xf32, #tpu.memory_space<vmem>>
      %dma_wait3A_1189 = tpu.memref_squeeze %dma_wait3A_1188 : memref<1x200x64xf32, #tpu.memory_space<vmem>> -> memref<200x64xf32, #tpu.memory_space<vmem>>
      %dma_wait3A_1190 = arith.constant 0 : i32
      %dma_wait3A_1191 = arith.constant 0 : i32
      %dma_wait3A_1192 = tpu.memref_slice %arg8[%dma_wait3A_1185, %dma_wait3A_1190, %dma_wait3A_1191] : memref<6x200x64xf32, #tpu.memory_space<vmem>> -> memref<1x200x64xf32, #tpu.memory_space<vmem>>
      %dma_wait3A_1193 = tpu.memref_squeeze %dma_wait3A_1192 : memref<1x200x64xf32, #tpu.memory_space<vmem>> -> memref<200x64xf32, #tpu.memory_space<vmem>>
      tpu.wait_dma2 semaphore(%arg22 : memref<!tpu.dma_semaphore, #tpu.memory_space<semaphore_mem>>) src(%arg6 : memref<200x64xf32, #tpu.memory_space<vmem_shared>>) dst(%dma_wait3A_1193 : memref<200x64xf32, #tpu.memory_space<vmem>>)
      %mul3A_1194 = arith.constant 200 : i32
      %mul3A_1195 = arith.muli %add3A_1184, %mul3A_1194 : i32
      %dma_start3A_1196 = arith.constant 0 : i32
      %dma_start3A_1197 = arith.constant 0 : i32
      %dma_start3A_1198 = arith.constant 0 : i32
      %dma_start3A_1199 = tpu.memref_slice %arg8[%dma_start3A_1196, %dma_start3A_1197, %dma_start3A_1198] : memref<6x200x64xf32, #tpu.memory_space<vmem>> -> memref<1x200x64xf32, #tpu.memory_space<vmem>>
      %dma_start3A_1200 = tpu.memref_squeeze %dma_start3A_1199 : memref<1x200x64xf32, #tpu.memory_space<vmem>> -> memref<200x64xf32, #tpu.memory_space<vmem>>
      %dma_start3A_1201 = tpu.memref_slice %arg7[%mul3A_1195] : memref<25600xi32, #tpu.memory_space<vmem>> -> memref<200xi32, #tpu.memory_space<vmem>>
      %dma_start3A_1202 = arith.constant 0 : i32
      %dma_start3A_1203 = arith.constant 0 : i32
      %dma_start3A_1204 = tpu.memref_slice %arg3[%dma_start3A_1202, %dma_start3A_1203] : memref<1000000x64xf32, #tpu.memory_space<hbm>> -> memref<1000000x64xf32, #tpu.memory_space<hbm>>
      tpu.enqueue_indirect_dma source(%dma_start3A_1204 : memref<1000000x64xf32, #tpu.memory_space<hbm>>) target(%dma_start3A_1200 : memref<200x64xf32, #tpu.memory_space<vmem>>) offsets(%dma_start3A_1201 : memref<200xi32, #tpu.memory_space<vmem>>) semaphore(%arg10 : memref<!tpu.dma_semaphore, #tpu.memory_space<semaphore_mem>>) {add = true}
      %mul3A_1205 = arith.constant 6 : i32
      %mul3A_1206 = arith.muli %scan3A_976, %mul3A_1205 : i32
      %add3A_1207 = arith.constant 3 : i32
      %add3A_1208 = arith.addi %mul3A_1206, %add3A_1207 : i32
      %dma_wait3A_1209 = arith.constant 3 : i32
      %dma_wait3A_1210 = arith.constant 0 : i32
      %dma_wait3A_1211 = arith.constant 0 : i32
      %dma_wait3A_1212 = tpu.memref_slice %arg8[%dma_wait3A_1209, %dma_wait3A_1210, %dma_wait3A_1211] : memref<6x200x64xf32, #tpu.memory_space<vmem>> -> memref<1x200x64xf32, #tpu.memory_space<vmem>>
      %dma_wait3A_1213 = tpu.memref_squeeze %dma_wait3A_1212 : memref<1x200x64xf32, #tpu.memory_space<vmem>> -> memref<200x64xf32, #tpu.memory_space<vmem>>
      %dma_wait3A_1214 = arith.constant 0 : i32
      %dma_wait3A_1215 = tpu.memref_slice %arg7[%dma_wait3A_1214] : memref<25600xi32, #tpu.memory_space<vmem>> -> memref<200xi32, #tpu.memory_space<vmem>>
      %dma_wait3A_1216 = arith.constant 0 : i32
      %dma_wait3A_1217 = arith.constant 0 : i32
      %dma_wait3A_1218 = tpu.memref_slice %arg3[%dma_wait3A_1216, %dma_wait3A_1217] : memref<1000000x64xf32, #tpu.memory_space<hbm>> -> memref<1000000x64xf32, #tpu.memory_space<hbm>>
      tpu.wait_indirect_dma semaphore(%arg13 : memref<!tpu.dma_semaphore, #tpu.memory_space<semaphore_mem>>) src(%dma_wait3A_1218 : memref<1000000x64xf32, #tpu.memory_space<hbm>>) dst(%dma_wait3A_1213 : memref<200x64xf32, #tpu.memory_space<vmem>>)
      %mul3A_1219 = arith.constant 200 : i32
      %mul3A_1220 = arith.muli %add3A_1208, %mul3A_1219 : i32
      %add3A_1221 = arith.addi %mul3A_2, %mul3A_1220 : i32
      %dma_start3A_1222 = arith.constant 3 : i32
      %dma_start3A_1223 = arith.constant 0 : i32
      %dma_start3A_1224 = arith.constant 0 : i32
      %dma_start3A_1225 = tpu.memref_slice %arg8[%dma_start3A_1222, %dma_start3A_1223, %dma_start3A_1224] : memref<6x200x64xf32, #tpu.memory_space<vmem>> -> memref<1x200x64xf32, #tpu.memory_space<vmem>>
      %dma_start3A_1226 = tpu.memref_squeeze %dma_start3A_1225 : memref<1x200x64xf32, #tpu.memory_space<vmem>> -> memref<200x64xf32, #tpu.memory_space<vmem>>
      %dma_start3A_1227 = arith.constant 0 : i32
      %dma_start3A_1228 = tpu.memref_slice %arg5[%add3A_1221, %dma_start3A_1227] : memref<819200x64xf32, #tpu.memory_space<hbm>> -> memref<200x64xf32, #tpu.memory_space<hbm>>
      %dma_start3A_1229 = arith.constant 0 : i32
      %dma_start3A_1230 = tpu.memref_slice %arg5[%add3A_1221, %dma_start3A_1229] : memref<819200x64xf32, #tpu.memory_space<hbm>> -> memref<200x64xf32, #tpu.memory_space<hbm>>
      %dma_start3A_1231 = arith.constant 0 : i32
      %dma_start3A_1232 = arith.constant 0 : i32
      %dma_start3A_1233 = tpu.memref_slice %arg8[%dma_start3A_1222, %dma_start3A_1231, %dma_start3A_1232] : memref<6x200x64xf32, #tpu.memory_space<vmem>> -> memref<1x200x64xf32, #tpu.memory_space<vmem>>
      %dma_start3A_1234 = tpu.memref_squeeze %dma_start3A_1233 : memref<1x200x64xf32, #tpu.memory_space<vmem>> -> memref<200x64xf32, #tpu.memory_space<vmem>>
      tpu.enqueue_dma source(%dma_start3A_1234 : memref<200x64xf32, #tpu.memory_space<vmem>>) target(%dma_start3A_1230 : memref<200x64xf32, #tpu.memory_space<hbm>>) target_semaphore(%arg19 : memref<!tpu.dma_semaphore, #tpu.memory_space<semaphore_mem>>)
      %dma_wait3A_1235 = arith.constant 2 : i32
      %dma_wait3A_1236 = arith.constant 0 : i32
      %dma_wait3A_1237 = arith.constant 0 : i32
      %dma_wait3A_1238 = tpu.memref_slice %arg8[%dma_wait3A_1235, %dma_wait3A_1236, %dma_wait3A_1237] : memref<6x200x64xf32, #tpu.memory_space<vmem>> -> memref<1x200x64xf32, #tpu.memory_space<vmem>>
      %dma_wait3A_1239 = tpu.memref_squeeze %dma_wait3A_1238 : memref<1x200x64xf32, #tpu.memory_space<vmem>> -> memref<200x64xf32, #tpu.memory_space<vmem>>
      %dma_wait3A_1240 = arith.constant 0 : i32
      %dma_wait3A_1241 = arith.constant 0 : i32
      %dma_wait3A_1242 = tpu.memref_slice %arg5[%dma_wait3A_1240, %dma_wait3A_1241] : memref<819200x64xf32, #tpu.memory_space<hbm>> -> memref<200x64xf32, #tpu.memory_space<hbm>>
      %dma_wait3A_1243 = arith.constant 0 : i32
      %dma_wait3A_1244 = arith.constant 0 : i32
      %dma_wait3A_1245 = tpu.memref_slice %arg5[%dma_wait3A_1243, %dma_wait3A_1244] : memref<819200x64xf32, #tpu.memory_space<hbm>> -> memref<200x64xf32, #tpu.memory_space<hbm>>
      %dma_wait3A_1246 = arith.constant 0 : i32
      %dma_wait3A_1247 = arith.constant 0 : i32
      %dma_wait3A_1248 = tpu.memref_slice %arg8[%dma_wait3A_1235, %dma_wait3A_1246, %dma_wait3A_1247] : memref<6x200x64xf32, #tpu.memory_space<vmem>> -> memref<1x200x64xf32, #tpu.memory_space<vmem>>
      %dma_wait3A_1249 = tpu.memref_squeeze %dma_wait3A_1248 : memref<1x200x64xf32, #tpu.memory_space<vmem>> -> memref<200x64xf32, #tpu.memory_space<vmem>>
      tpu.wait_dma2 semaphore(%arg18 : memref<!tpu.dma_semaphore, #tpu.memory_space<semaphore_mem>>) src(%dma_wait3A_1249 : memref<200x64xf32, #tpu.memory_space<vmem>>) dst(%dma_wait3A_1245 : memref<200x64xf32, #tpu.memory_space<hbm>>)
      %dma_start3A_1250 = arith.constant 2 : i32
      %dma_start3A_1251 = arith.constant 0 : i32
      %dma_start3A_1252 = arith.constant 0 : i32
      %dma_start3A_1253 = tpu.memref_slice %arg8[%dma_start3A_1250, %dma_start3A_1251, %dma_start3A_1252] : memref<6x200x64xf32, #tpu.memory_space<vmem>> -> memref<1x200x64xf32, #tpu.memory_space<vmem>>
      %dma_start3A_1254 = tpu.memref_squeeze %dma_start3A_1253 : memref<1x200x64xf32, #tpu.memory_space<vmem>> -> memref<200x64xf32, #tpu.memory_space<vmem>>
      %dma_start3A_1255 = arith.constant 0 : i32
      %dma_start3A_1256 = arith.constant 0 : i32
      %dma_start3A_1257 = tpu.memref_slice %arg8[%dma_start3A_1250, %dma_start3A_1255, %dma_start3A_1256] : memref<6x200x64xf32, #tpu.memory_space<vmem>> -> memref<1x200x64xf32, #tpu.memory_space<vmem>>
      %dma_start3A_1258 = tpu.memref_squeeze %dma_start3A_1257 : memref<1x200x64xf32, #tpu.memory_space<vmem>> -> memref<200x64xf32, #tpu.memory_space<vmem>>
      tpu.enqueue_dma source(%arg6 : memref<200x64xf32, #tpu.memory_space<vmem_shared>>) target(%dma_start3A_1258 : memref<200x64xf32, #tpu.memory_space<vmem>>) target_semaphore(%arg24 : memref<!tpu.dma_semaphore, #tpu.memory_space<semaphore_mem>>)
      %add3A_1259 = arith.constant 4 : i32
      %add3A_1260 = arith.addi %add3A_1208, %add3A_1259 : i32
      %dma_wait3A_1261 = arith.constant 1 : i32
      %dma_wait3A_1262 = arith.constant 0 : i32
      %dma_wait3A_1263 = arith.constant 0 : i32
      %dma_wait3A_1264 = tpu.memref_slice %arg8[%dma_wait3A_1261, %dma_wait3A_1262, %dma_wait3A_1263] : memref<6x200x64xf32, #tpu.memory_space<vmem>> -> memref<1x200x64xf32, #tpu.memory_space<vmem>>
      %dma_wait3A_1265 = tpu.memref_squeeze %dma_wait3A_1264 : memref<1x200x64xf32, #tpu.memory_space<vmem>> -> memref<200x64xf32, #tpu.memory_space<vmem>>
      %dma_wait3A_1266 = arith.constant 0 : i32
      %dma_wait3A_1267 = arith.constant 0 : i32
      %dma_wait3A_1268 = tpu.memref_slice %arg8[%dma_wait3A_1261, %dma_wait3A_1266, %dma_wait3A_1267] : memref<6x200x64xf32, #tpu.memory_space<vmem>> -> memref<1x200x64xf32, #tpu.memory_space<vmem>>
      %dma_wait3A_1269 = tpu.memref_squeeze %dma_wait3A_1268 : memref<1x200x64xf32, #tpu.memory_space<vmem>> -> memref<200x64xf32, #tpu.memory_space<vmem>>
      tpu.wait_dma2 semaphore(%arg23 : memref<!tpu.dma_semaphore, #tpu.memory_space<semaphore_mem>>) src(%arg6 : memref<200x64xf32, #tpu.memory_space<vmem_shared>>) dst(%dma_wait3A_1269 : memref<200x64xf32, #tpu.memory_space<vmem>>)
      %mul3A_1270 = arith.constant 200 : i32
      %mul3A_1271 = arith.muli %add3A_1260, %mul3A_1270 : i32
      %dma_start3A_1272 = arith.constant 1 : i32
      %dma_start3A_1273 = arith.constant 0 : i32
      %dma_start3A_1274 = arith.constant 0 : i32
      %dma_start3A_1275 = tpu.memref_slice %arg8[%dma_start3A_1272, %dma_start3A_1273, %dma_start3A_1274] : memref<6x200x64xf32, #tpu.memory_space<vmem>> -> memref<1x200x64xf32, #tpu.memory_space<vmem>>
      %dma_start3A_1276 = tpu.memref_squeeze %dma_start3A_1275 : memref<1x200x64xf32, #tpu.memory_space<vmem>> -> memref<200x64xf32, #tpu.memory_space<vmem>>
      %dma_start3A_1277 = tpu.memref_slice %arg7[%mul3A_1271] : memref<25600xi32, #tpu.memory_space<vmem>> -> memref<200xi32, #tpu.memory_space<vmem>>
      %dma_start3A_1278 = arith.constant 0 : i32
      %dma_start3A_1279 = arith.constant 0 : i32
      %dma_start3A_1280 = tpu.memref_slice %arg3[%dma_start3A_1278, %dma_start3A_1279] : memref<1000000x64xf32, #tpu.memory_space<hbm>> -> memref<1000000x64xf32, #tpu.memory_space<hbm>>
      tpu.enqueue_indirect_dma source(%dma_start3A_1280 : memref<1000000x64xf32, #tpu.memory_space<hbm>>) target(%dma_start3A_1276 : memref<200x64xf32, #tpu.memory_space<vmem>>) offsets(%dma_start3A_1277 : memref<200xi32, #tpu.memory_space<vmem>>) semaphore(%arg11 : memref<!tpu.dma_semaphore, #tpu.memory_space<semaphore_mem>>) {add = true}
      %mul3A_1281 = arith.constant 6 : i32
      %mul3A_1282 = arith.muli %scan3A_976, %mul3A_1281 : i32
      %add3A_1283 = arith.constant 4 : i32
      %add3A_1284 = arith.addi %mul3A_1282, %add3A_1283 : i32
      %dma_wait3A_1285 = arith.constant 4 : i32
      %dma_wait3A_1286 = arith.constant 0 : i32
      %dma_wait3A_1287 = arith.constant 0 : i32
      %dma_wait3A_1288 = tpu.memref_slice %arg8[%dma_wait3A_1285, %dma_wait3A_1286, %dma_wait3A_1287] : memref<6x200x64xf32, #tpu.memory_space<vmem>> -> memref<1x200x64xf32, #tpu.memory_space<vmem>>
      %dma_wait3A_1289 = tpu.memref_squeeze %dma_wait3A_1288 : memref<1x200x64xf32, #tpu.memory_space<vmem>> -> memref<200x64xf32, #tpu.memory_space<vmem>>
      %dma_wait3A_1290 = arith.constant 0 : i32
      %dma_wait3A_1291 = tpu.memref_slice %arg7[%dma_wait3A_1290] : memref<25600xi32, #tpu.memory_space<vmem>> -> memref<200xi32, #tpu.memory_space<vmem>>
      %dma_wait3A_1292 = arith.constant 0 : i32
      %dma_wait3A_1293 = arith.constant 0 : i32
      %dma_wait3A_1294 = tpu.memref_slice %arg3[%dma_wait3A_1292, %dma_wait3A_1293] : memref<1000000x64xf32, #tpu.memory_space<hbm>> -> memref<1000000x64xf32, #tpu.memory_space<hbm>>
      tpu.wait_indirect_dma semaphore(%arg14 : memref<!tpu.dma_semaphore, #tpu.memory_space<semaphore_mem>>) src(%dma_wait3A_1294 : memref<1000000x64xf32, #tpu.memory_space<hbm>>) dst(%dma_wait3A_1289 : memref<200x64xf32, #tpu.memory_space<vmem>>)
      %mul3A_1295 = arith.constant 200 : i32
      %mul3A_1296 = arith.muli %add3A_1284, %mul3A_1295 : i32
      %add3A_1297 = arith.addi %mul3A_2, %mul3A_1296 : i32
      %dma_start3A_1298 = arith.constant 4 : i32
      %dma_start3A_1299 = arith.constant 0 : i32
      %dma_start3A_1300 = arith.constant 0 : i32
      %dma_start3A_1301 = tpu.memref_slice %arg8[%dma_start3A_1298, %dma_start3A_1299, %dma_start3A_1300] : memref<6x200x64xf32, #tpu.memory_space<vmem>> -> memref<1x200x64xf32, #tpu.memory_space<vmem>>
      %dma_start3A_1302 = tpu.memref_squeeze %dma_start3A_1301 : memref<1x200x64xf32, #tpu.memory_space<vmem>> -> memref<200x64xf32, #tpu.memory_space<vmem>>
      %dma_start3A_1303 = arith.constant 0 : i32
      %dma_start3A_1304 = tpu.memref_slice %arg5[%add3A_1297, %dma_start3A_1303] : memref<819200x64xf32, #tpu.memory_space<hbm>> -> memref<200x64xf32, #tpu.memory_space<hbm>>
      %dma_start3A_1305 = arith.constant 0 : i32
      %dma_start3A_1306 = tpu.memref_slice %arg5[%add3A_1297, %dma_start3A_1305] : memref<819200x64xf32, #tpu.memory_space<hbm>> -> memref<200x64xf32, #tpu.memory_space<hbm>>
      %dma_start3A_1307 = arith.constant 0 : i32
      %dma_start3A_1308 = arith.constant 0 : i32
      %dma_start3A_1309 = tpu.memref_slice %arg8[%dma_start3A_1298, %dma_start3A_1307, %dma_start3A_1308] : memref<6x200x64xf32, #tpu.memory_space<vmem>> -> memref<1x200x64xf32, #tpu.memory_space<vmem>>
      %dma_start3A_1310 = tpu.memref_squeeze %dma_start3A_1309 : memref<1x200x64xf32, #tpu.memory_space<vmem>> -> memref<200x64xf32, #tpu.memory_space<vmem>>
      tpu.enqueue_dma source(%dma_start3A_1310 : memref<200x64xf32, #tpu.memory_space<vmem>>) target(%dma_start3A_1306 : memref<200x64xf32, #tpu.memory_space<hbm>>) target_semaphore(%arg20 : memref<!tpu.dma_semaphore, #tpu.memory_space<semaphore_mem>>)
      %dma_wait3A_1311 = arith.constant 3 : i32
      %dma_wait3A_1312 = arith.constant 0 : i32
      %dma_wait3A_1313 = arith.constant 0 : i32
      %dma_wait3A_1314 = tpu.memref_slice %arg8[%dma_wait3A_1311, %dma_wait3A_1312, %dma_wait3A_1313] : memref<6x200x64xf32, #tpu.memory_space<vmem>> -> memref<1x200x64xf32, #tpu.memory_space<vmem>>
      %dma_wait3A_1315 = tpu.memref_squeeze %dma_wait3A_1314 : memref<1x200x64xf32, #tpu.memory_space<vmem>> -> memref<200x64xf32, #tpu.memory_space<vmem>>
      %dma_wait3A_1316 = arith.constant 0 : i32
      %dma_wait3A_1317 = arith.constant 0 : i32
      %dma_wait3A_1318 = tpu.memref_slice %arg5[%dma_wait3A_1316, %dma_wait3A_1317] : memref<819200x64xf32, #tpu.memory_space<hbm>> -> memref<200x64xf32, #tpu.memory_space<hbm>>
      %dma_wait3A_1319 = arith.constant 0 : i32
      %dma_wait3A_1320 = arith.constant 0 : i32
      %dma_wait3A_1321 = tpu.memref_slice %arg5[%dma_wait3A_1319, %dma_wait3A_1320] : memref<819200x64xf32, #tpu.memory_space<hbm>> -> memref<200x64xf32, #tpu.memory_space<hbm>>
      %dma_wait3A_1322 = arith.constant 0 : i32
      %dma_wait3A_1323 = arith.constant 0 : i32
      %dma_wait3A_1324 = tpu.memref_slice %arg8[%dma_wait3A_1311, %dma_wait3A_1322, %dma_wait3A_1323] : memref<6x200x64xf32, #tpu.memory_space<vmem>> -> memref<1x200x64xf32, #tpu.memory_space<vmem>>
      %dma_wait3A_1325 = tpu.memref_squeeze %dma_wait3A_1324 : memref<1x200x64xf32, #tpu.memory_space<vmem>> -> memref<200x64xf32, #tpu.memory_space<vmem>>
      tpu.wait_dma2 semaphore(%arg19 : memref<!tpu.dma_semaphore, #tpu.memory_space<semaphore_mem>>) src(%dma_wait3A_1325 : memref<200x64xf32, #tpu.memory_space<vmem>>) dst(%dma_wait3A_1321 : memref<200x64xf32, #tpu.memory_space<hbm>>)
      %dma_start3A_1326 = arith.constant 3 : i32
      %dma_start3A_1327 = arith.constant 0 : i32
      %dma_start3A_1328 = arith.constant 0 : i32
      %dma_start3A_1329 = tpu.memref_slice %arg8[%dma_start3A_1326, %dma_start3A_1327, %dma_start3A_1328] : memref<6x200x64xf32, #tpu.memory_space<vmem>> -> memref<1x200x64xf32, #tpu.memory_space<vmem>>
      %dma_start3A_1330 = tpu.memref_squeeze %dma_start3A_1329 : memref<1x200x64xf32, #tpu.memory_space<vmem>> -> memref<200x64xf32, #tpu.memory_space<vmem>>
      %dma_start3A_1331 = arith.constant 0 : i32
      %dma_start3A_1332 = arith.constant 0 : i32
      %dma_start3A_1333 = tpu.memref_slice %arg8[%dma_start3A_1326, %dma_start3A_1331, %dma_start3A_1332] : memref<6x200x64xf32, #tpu.memory_space<vmem>> -> memref<1x200x64xf32, #tpu.memory_space<vmem>>
      %dma_start3A_1334 = tpu.memref_squeeze %dma_start3A_1333 : memref<1x200x64xf32, #tpu.memory_space<vmem>> -> memref<200x64xf32, #tpu.memory_space<vmem>>
      tpu.enqueue_dma source(%arg6 : memref<200x64xf32, #tpu.memory_space<vmem_shared>>) target(%dma_start3A_1334 : memref<200x64xf32, #tpu.memory_space<vmem>>) target_semaphore(%arg25 : memref<!tpu.dma_semaphore, #tpu.memory_space<semaphore_mem>>)
      %add3A_1335 = arith.constant 4 : i32
      %add3A_1336 = arith.addi %add3A_1284, %add3A_1335 : i32
      %dma_wait3A_1337 = arith.constant 2 : i32
      %dma_wait3A_1338 = arith.constant 0 : i32
      %dma_wait3A_1339 = arith.constant 0 : i32
      %dma_wait3A_1340 = tpu.memref_slice %arg8[%dma_wait3A_1337, %dma_wait3A_1338, %dma_wait3A_1339] : memref<6x200x64xf32, #tpu.memory_space<vmem>> -> memref<1x200x64xf32, #tpu.memory_space<vmem>>
      %dma_wait3A_1341 = tpu.memref_squeeze %dma_wait3A_1340 : memref<1x200x64xf32, #tpu.memory_space<vmem>> -> memref<200x64xf32, #tpu.memory_space<vmem>>
      %dma_wait3A_1342 = arith.constant 0 : i32
      %dma_wait3A_1343 = arith.constant 0 : i32
      %dma_wait3A_1344 = tpu.memref_slice %arg8[%dma_wait3A_1337, %dma_wait3A_1342, %dma_wait3A_1343] : memref<6x200x64xf32, #tpu.memory_space<vmem>> -> memref<1x200x64xf32, #tpu.memory_space<vmem>>
      %dma_wait3A_1345 = tpu.memref_squeeze %dma_wait3A_1344 : memref<1x200x64xf32, #tpu.memory_space<vmem>> -> memref<200x64xf32, #tpu.memory_space<vmem>>
      tpu.wait_dma2 semaphore(%arg24 : memref<!tpu.dma_semaphore, #tpu.memory_space<semaphore_mem>>) src(%arg6 : memref<200x64xf32, #tpu.memory_space<vmem_shared>>) dst(%dma_wait3A_1345 : memref<200x64xf32, #tpu.memory_space<vmem>>)
      %mul3A_1346 = arith.constant 200 : i32
      %mul3A_1347 = arith.muli %add3A_1336, %mul3A_1346 : i32
      %dma_start3A_1348 = arith.constant 2 : i32
      %dma_start3A_1349 = arith.constant 0 : i32
      %dma_start3A_1350 = arith.constant 0 : i32
      %dma_start3A_1351 = tpu.memref_slice %arg8[%dma_start3A_1348, %dma_start3A_1349, %dma_start3A_1350] : memref<6x200x64xf32, #tpu.memory_space<vmem>> -> memref<1x200x64xf32, #tpu.memory_space<vmem>>
      %dma_start3A_1352 = tpu.memref_squeeze %dma_start3A_1351 : memref<1x200x64xf32, #tpu.memory_space<vmem>> -> memref<200x64xf32, #tpu.memory_space<vmem>>
      %dma_start3A_1353 = tpu.memref_slice %arg7[%mul3A_1347] : memref<25600xi32, #tpu.memory_space<vmem>> -> memref<200xi32, #tpu.memory_space<vmem>>
      %dma_start3A_1354 = arith.constant 0 : i32
      %dma_start3A_1355 = arith.constant 0 : i32
      %dma_start3A_1356 = tpu.memref_slice %arg3[%dma_start3A_1354, %dma_start3A_1355] : memref<1000000x64xf32, #tpu.memory_space<hbm>> -> memref<1000000x64xf32, #tpu.memory_space<hbm>>
      tpu.enqueue_indirect_dma source(%dma_start3A_1356 : memref<1000000x64xf32, #tpu.memory_space<hbm>>) target(%dma_start3A_1352 : memref<200x64xf32, #tpu.memory_space<vmem>>) offsets(%dma_start3A_1353 : memref<200xi32, #tpu.memory_space<vmem>>) semaphore(%arg12 : memref<!tpu.dma_semaphore, #tpu.memory_space<semaphore_mem>>) {add = true}
      %mul3A_1357 = arith.constant 6 : i32
      %mul3A_1358 = arith.muli %scan3A_976, %mul3A_1357 : i32
      %add3A_1359 = arith.constant 5 : i32
      %add3A_1360 = arith.addi %mul3A_1358, %add3A_1359 : i32
      %dma_wait3A_1361 = arith.constant 5 : i32
      %dma_wait3A_1362 = arith.constant 0 : i32
      %dma_wait3A_1363 = arith.constant 0 : i32
      %dma_wait3A_1364 = tpu.memref_slice %arg8[%dma_wait3A_1361, %dma_wait3A_1362, %dma_wait3A_1363] : memref<6x200x64xf32, #tpu.memory_space<vmem>> -> memref<1x200x64xf32, #tpu.memory_space<vmem>>
      %dma_wait3A_1365 = tpu.memref_squeeze %dma_wait3A_1364 : memref<1x200x64xf32, #tpu.memory_space<vmem>> -> memref<200x64xf32, #tpu.memory_space<vmem>>
      %dma_wait3A_1366 = arith.constant 0 : i32
      %dma_wait3A_1367 = tpu.memref_slice %arg7[%dma_wait3A_1366] : memref<25600xi32, #tpu.memory_space<vmem>> -> memref<200xi32, #tpu.memory_space<vmem>>
      %dma_wait3A_1368 = arith.constant 0 : i32
      %dma_wait3A_1369 = arith.constant 0 : i32
      %dma_wait3A_1370 = tpu.memref_slice %arg3[%dma_wait3A_1368, %dma_wait3A_1369] : memref<1000000x64xf32, #tpu.memory_space<hbm>> -> memref<1000000x64xf32, #tpu.memory_space<hbm>>
      tpu.wait_indirect_dma semaphore(%arg15 : memref<!tpu.dma_semaphore, #tpu.memory_space<semaphore_mem>>) src(%dma_wait3A_1370 : memref<1000000x64xf32, #tpu.memory_space<hbm>>) dst(%dma_wait3A_1365 : memref<200x64xf32, #tpu.memory_space<vmem>>)
      %mul3A_1371 = arith.constant 200 : i32
      %mul3A_1372 = arith.muli %add3A_1360, %mul3A_1371 : i32
      %add3A_1373 = arith.addi %mul3A_2, %mul3A_1372 : i32
      %dma_start3A_1374 = arith.constant 5 : i32
      %dma_start3A_1375 = arith.constant 0 : i32
      %dma_start3A_1376 = arith.constant 0 : i32
      %dma_start3A_1377 = tpu.memref_slice %arg8[%dma_start3A_1374, %dma_start3A_1375, %dma_start3A_1376] : memref<6x200x64xf32, #tpu.memory_space<vmem>> -> memref<1x200x64xf32, #tpu.memory_space<vmem>>
      %dma_start3A_1378 = tpu.memref_squeeze %dma_start3A_1377 : memref<1x200x64xf32, #tpu.memory_space<vmem>> -> memref<200x64xf32, #tpu.memory_space<vmem>>
      %dma_start3A_1379 = arith.constant 0 : i32
      %dma_start3A_1380 = tpu.memref_slice %arg5[%add3A_1373, %dma_start3A_1379] : memref<819200x64xf32, #tpu.memory_space<hbm>> -> memref<200x64xf32, #tpu.memory_space<hbm>>
      %dma_start3A_1381 = arith.constant 0 : i32
      %dma_start3A_1382 = tpu.memref_slice %arg5[%add3A_1373, %dma_start3A_1381] : memref<819200x64xf32, #tpu.memory_space<hbm>> -> memref<200x64xf32, #tpu.memory_space<hbm>>
      %dma_start3A_1383 = arith.constant 0 : i32
      %dma_start3A_1384 = arith.constant 0 : i32
      %dma_start3A_1385 = tpu.memref_slice %arg8[%dma_start3A_1374, %dma_start3A_1383, %dma_start3A_1384] : memref<6x200x64xf32, #tpu.memory_space<vmem>> -> memref<1x200x64xf32, #tpu.memory_space<vmem>>
      %dma_start3A_1386 = tpu.memref_squeeze %dma_start3A_1385 : memref<1x200x64xf32, #tpu.memory_space<vmem>> -> memref<200x64xf32, #tpu.memory_space<vmem>>
      tpu.enqueue_dma source(%dma_start3A_1386 : memref<200x64xf32, #tpu.memory_space<vmem>>) target(%dma_start3A_1382 : memref<200x64xf32, #tpu.memory_space<hbm>>) target_semaphore(%arg21 : memref<!tpu.dma_semaphore, #tpu.memory_space<semaphore_mem>>)
      %dma_wait3A_1387 = arith.constant 4 : i32
      %dma_wait3A_1388 = arith.constant 0 : i32
      %dma_wait3A_1389 = arith.constant 0 : i32
      %dma_wait3A_1390 = tpu.memref_slice %arg8[%dma_wait3A_1387, %dma_wait3A_1388, %dma_wait3A_1389] : memref<6x200x64xf32, #tpu.memory_space<vmem>> -> memref<1x200x64xf32, #tpu.memory_space<vmem>>
      %dma_wait3A_1391 = tpu.memref_squeeze %dma_wait3A_1390 : memref<1x200x64xf32, #tpu.memory_space<vmem>> -> memref<200x64xf32, #tpu.memory_space<vmem>>
      %dma_wait3A_1392 = arith.constant 0 : i32
      %dma_wait3A_1393 = arith.constant 0 : i32
      %dma_wait3A_1394 = tpu.memref_slice %arg5[%dma_wait3A_1392, %dma_wait3A_1393] : memref<819200x64xf32, #tpu.memory_space<hbm>> -> memref<200x64xf32, #tpu.memory_space<hbm>>
      %dma_wait3A_1395 = arith.constant 0 : i32
      %dma_wait3A_1396 = arith.constant 0 : i32
      %dma_wait3A_1397 = tpu.memref_slice %arg5[%dma_wait3A_1395, %dma_wait3A_1396] : memref<819200x64xf32, #tpu.memory_space<hbm>> -> memref<200x64xf32, #tpu.memory_space<hbm>>
      %dma_wait3A_1398 = arith.constant 0 : i32
      %dma_wait3A_1399 = arith.constant 0 : i32
      %dma_wait3A_1400 = tpu.memref_slice %arg8[%dma_wait3A_1387, %dma_wait3A_1398, %dma_wait3A_1399] : memref<6x200x64xf32, #tpu.memory_space<vmem>> -> memref<1x200x64xf32, #tpu.memory_space<vmem>>
      %dma_wait3A_1401 = tpu.memref_squeeze %dma_wait3A_1400 : memref<1x200x64xf32, #tpu.memory_space<vmem>> -> memref<200x64xf32, #tpu.memory_space<vmem>>
      tpu.wait_dma2 semaphore(%arg20 : memref<!tpu.dma_semaphore, #tpu.memory_space<semaphore_mem>>) src(%dma_wait3A_1401 : memref<200x64xf32, #tpu.memory_space<vmem>>) dst(%dma_wait3A_1397 : memref<200x64xf32, #tpu.memory_space<hbm>>)
      %dma_start3A_1402 = arith.constant 4 : i32
      %dma_start3A_1403 = arith.constant 0 : i32
      %dma_start3A_1404 = arith.constant 0 : i32
      %dma_start3A_1405 = tpu.memref_slice %arg8[%dma_start3A_1402, %dma_start3A_1403, %dma_start3A_1404] : memref<6x200x64xf32, #tpu.memory_space<vmem>> -> memref<1x200x64xf32, #tpu.memory_space<vmem>>
      %dma_start3A_1406 = tpu.memref_squeeze %dma_start3A_1405 : memref<1x200x64xf32, #tpu.memory_space<vmem>> -> memref<200x64xf32, #tpu.memory_space<vmem>>
      %dma_start3A_1407 = arith.constant 0 : i32
      %dma_start3A_1408 = arith.constant 0 : i32
      %dma_start3A_1409 = tpu.memref_slice %arg8[%dma_start3A_1402, %dma_start3A_1407, %dma_start3A_1408] : memref<6x200x64xf32, #tpu.memory_space<vmem>> -> memref<1x200x64xf32, #tpu.memory_space<vmem>>
      %dma_start3A_1410 = tpu.memref_squeeze %dma_start3A_1409 : memref<1x200x64xf32, #tpu.memory_space<vmem>> -> memref<200x64xf32, #tpu.memory_space<vmem>>
      tpu.enqueue_dma source(%arg6 : memref<200x64xf32, #tpu.memory_space<vmem_shared>>) target(%dma_start3A_1410 : memref<200x64xf32, #tpu.memory_space<vmem>>) target_semaphore(%arg26 : memref<!tpu.dma_semaphore, #tpu.memory_space<semaphore_mem>>)
      %add3A_1411 = arith.constant 4 : i32
      %add3A_1412 = arith.addi %add3A_1360, %add3A_1411 : i32
      %dma_wait3A_1413 = arith.constant 3 : i32
      %dma_wait3A_1414 = arith.constant 0 : i32
      %dma_wait3A_1415 = arith.constant 0 : i32
      %dma_wait3A_1416 = tpu.memref_slice %arg8[%dma_wait3A_1413, %dma_wait3A_1414, %dma_wait3A_1415] : memref<6x200x64xf32, #tpu.memory_space<vmem>> -> memref<1x200x64xf32, #tpu.memory_space<vmem>>
      %dma_wait3A_1417 = tpu.memref_squeeze %dma_wait3A_1416 : memref<1x200x64xf32, #tpu.memory_space<vmem>> -> memref<200x64xf32, #tpu.memory_space<vmem>>
      %dma_wait3A_1418 = arith.constant 0 : i32
      %dma_wait3A_1419 = arith.constant 0 : i32
      %dma_wait3A_1420 = tpu.memref_slice %arg8[%dma_wait3A_1413, %dma_wait3A_1418, %dma_wait3A_1419] : memref<6x200x64xf32, #tpu.memory_space<vmem>> -> memref<1x200x64xf32, #tpu.memory_space<vmem>>
      %dma_wait3A_1421 = tpu.memref_squeeze %dma_wait3A_1420 : memref<1x200x64xf32, #tpu.memory_space<vmem>> -> memref<200x64xf32, #tpu.memory_space<vmem>>
      tpu.wait_dma2 semaphore(%arg25 : memref<!tpu.dma_semaphore, #tpu.memory_space<semaphore_mem>>) src(%arg6 : memref<200x64xf32, #tpu.memory_space<vmem_shared>>) dst(%dma_wait3A_1421 : memref<200x64xf32, #tpu.memory_space<vmem>>)
      %mul3A_1422 = arith.constant 200 : i32
      %mul3A_1423 = arith.muli %add3A_1412, %mul3A_1422 : i32
      %dma_start3A_1424 = arith.constant 3 : i32
      %dma_start3A_1425 = arith.constant 0 : i32
      %dma_start3A_1426 = arith.constant 0 : i32
      %dma_start3A_1427 = tpu.memref_slice %arg8[%dma_start3A_1424, %dma_start3A_1425, %dma_start3A_1426] : memref<6x200x64xf32, #tpu.memory_space<vmem>> -> memref<1x200x64xf32, #tpu.memory_space<vmem>>
      %dma_start3A_1428 = tpu.memref_squeeze %dma_start3A_1427 : memref<1x200x64xf32, #tpu.memory_space<vmem>> -> memref<200x64xf32, #tpu.memory_space<vmem>>
      %dma_start3A_1429 = tpu.memref_slice %arg7[%mul3A_1423] : memref<25600xi32, #tpu.memory_space<vmem>> -> memref<200xi32, #tpu.memory_space<vmem>>
      %dma_start3A_1430 = arith.constant 0 : i32
      %dma_start3A_1431 = arith.constant 0 : i32
      %dma_start3A_1432 = tpu.memref_slice %arg3[%dma_start3A_1430, %dma_start3A_1431] : memref<1000000x64xf32, #tpu.memory_space<hbm>> -> memref<1000000x64xf32, #tpu.memory_space<hbm>>
      tpu.enqueue_indirect_dma source(%dma_start3A_1432 : memref<1000000x64xf32, #tpu.memory_space<hbm>>) target(%dma_start3A_1428 : memref<200x64xf32, #tpu.memory_space<vmem>>) offsets(%dma_start3A_1429 : memref<200xi32, #tpu.memory_space<vmem>>) semaphore(%arg13 : memref<!tpu.dma_semaphore, #tpu.memory_space<semaphore_mem>>) {add = true}
    }
    %scan3A_537 = arith.constant 19 : i32
    %dma_wait3A_538 = arith.constant 0 : i32
    %dma_wait3A_539 = arith.constant 0 : i32
    %dma_wait3A_540 = arith.constant 0 : i32
    %dma_wait3A_541 = tpu.memref_slice %arg8[%dma_wait3A_538, %dma_wait3A_539, %dma_wait3A_540] : memref<6x200x64xf32, #tpu.memory_space<vmem>> -> memref<1x200x64xf32, #tpu.memory_space<vmem>>
    %dma_wait3A_542 = tpu.memref_squeeze %dma_wait3A_541 : memref<1x200x64xf32, #tpu.memory_space<vmem>> -> memref<200x64xf32, #tpu.memory_space<vmem>>
    %dma_wait3A_543 = arith.constant 0 : i32
    %dma_wait3A_544 = tpu.memref_slice %arg7[%dma_wait3A_543] : memref<25600xi32, #tpu.memory_space<vmem>> -> memref<200xi32, #tpu.memory_space<vmem>>
    %dma_wait3A_545 = arith.constant 0 : i32
    %dma_wait3A_546 = arith.constant 0 : i32
    %dma_wait3A_547 = tpu.memref_slice %arg3[%dma_wait3A_545, %dma_wait3A_546] : memref<1000000x64xf32, #tpu.memory_space<hbm>> -> memref<1000000x64xf32, #tpu.memory_space<hbm>>
    tpu.wait_indirect_dma semaphore(%arg10 : memref<!tpu.dma_semaphore, #tpu.memory_space<semaphore_mem>>) src(%dma_wait3A_547 : memref<1000000x64xf32, #tpu.memory_space<hbm>>) dst(%dma_wait3A_542 : memref<200x64xf32, #tpu.memory_space<vmem>>)
    %add3A_548 = arith.constant 24000 : i32
    %add3A_549 = arith.addi %mul3A_2, %add3A_548 : i32
    %dma_start3A_550 = arith.constant 0 : i32
    %dma_start3A_551 = arith.constant 0 : i32
    %dma_start3A_552 = arith.constant 0 : i32
    %dma_start3A_553 = tpu.memref_slice %arg8[%dma_start3A_550, %dma_start3A_551, %dma_start3A_552] : memref<6x200x64xf32, #tpu.memory_space<vmem>> -> memref<1x200x64xf32, #tpu.memory_space<vmem>>
    %dma_start3A_554 = tpu.memref_squeeze %dma_start3A_553 : memref<1x200x64xf32, #tpu.memory_space<vmem>> -> memref<200x64xf32, #tpu.memory_space<vmem>>
    %dma_start3A_555 = arith.constant 0 : i32
    %dma_start3A_556 = tpu.memref_slice %arg5[%add3A_549, %dma_start3A_555] : memref<819200x64xf32, #tpu.memory_space<hbm>> -> memref<200x64xf32, #tpu.memory_space<hbm>>
    %dma_start3A_557 = arith.constant 0 : i32
    %dma_start3A_558 = tpu.memref_slice %arg5[%add3A_549, %dma_start3A_557] : memref<819200x64xf32, #tpu.memory_space<hbm>> -> memref<200x64xf32, #tpu.memory_space<hbm>>
    %dma_start3A_559 = arith.constant 0 : i32
    %dma_start3A_560 = arith.constant 0 : i32
    %dma_start3A_561 = tpu.memref_slice %arg8[%dma_start3A_550, %dma_start3A_559, %dma_start3A_560] : memref<6x200x64xf32, #tpu.memory_space<vmem>> -> memref<1x200x64xf32, #tpu.memory_space<vmem>>
    %dma_start3A_562 = tpu.memref_squeeze %dma_start3A_561 : memref<1x200x64xf32, #tpu.memory_space<vmem>> -> memref<200x64xf32, #tpu.memory_space<vmem>>
    tpu.enqueue_dma source(%dma_start3A_562 : memref<200x64xf32, #tpu.memory_space<vmem>>) target(%dma_start3A_558 : memref<200x64xf32, #tpu.memory_space<hbm>>) target_semaphore(%arg16 : memref<!tpu.dma_semaphore, #tpu.memory_space<semaphore_mem>>)
    %dma_wait3A_563 = arith.constant 5 : i32
    %dma_wait3A_564 = arith.constant 0 : i32
    %dma_wait3A_565 = arith.constant 0 : i32
    %dma_wait3A_566 = tpu.memref_slice %arg8[%dma_wait3A_563, %dma_wait3A_564, %dma_wait3A_565] : memref<6x200x64xf32, #tpu.memory_space<vmem>> -> memref<1x200x64xf32, #tpu.memory_space<vmem>>
    %dma_wait3A_567 = tpu.memref_squeeze %dma_wait3A_566 : memref<1x200x64xf32, #tpu.memory_space<vmem>> -> memref<200x64xf32, #tpu.memory_space<vmem>>
    %dma_wait3A_568 = arith.constant 0 : i32
    %dma_wait3A_569 = arith.constant 0 : i32
    %dma_wait3A_570 = tpu.memref_slice %arg5[%dma_wait3A_568, %dma_wait3A_569] : memref<819200x64xf32, #tpu.memory_space<hbm>> -> memref<200x64xf32, #tpu.memory_space<hbm>>
    %dma_wait3A_571 = arith.constant 0 : i32
    %dma_wait3A_572 = arith.constant 0 : i32
    %dma_wait3A_573 = tpu.memref_slice %arg5[%dma_wait3A_571, %dma_wait3A_572] : memref<819200x64xf32, #tpu.memory_space<hbm>> -> memref<200x64xf32, #tpu.memory_space<hbm>>
    %dma_wait3A_574 = arith.constant 0 : i32
    %dma_wait3A_575 = arith.constant 0 : i32
    %dma_wait3A_576 = tpu.memref_slice %arg8[%dma_wait3A_563, %dma_wait3A_574, %dma_wait3A_575] : memref<6x200x64xf32, #tpu.memory_space<vmem>> -> memref<1x200x64xf32, #tpu.memory_space<vmem>>
    %dma_wait3A_577 = tpu.memref_squeeze %dma_wait3A_576 : memref<1x200x64xf32, #tpu.memory_space<vmem>> -> memref<200x64xf32, #tpu.memory_space<vmem>>
    tpu.wait_dma2 semaphore(%arg21 : memref<!tpu.dma_semaphore, #tpu.memory_space<semaphore_mem>>) src(%dma_wait3A_577 : memref<200x64xf32, #tpu.memory_space<vmem>>) dst(%dma_wait3A_573 : memref<200x64xf32, #tpu.memory_space<hbm>>)
    %dma_start3A_578 = arith.constant 5 : i32
    %dma_start3A_579 = arith.constant 0 : i32
    %dma_start3A_580 = arith.constant 0 : i32
    %dma_start3A_581 = tpu.memref_slice %arg8[%dma_start3A_578, %dma_start3A_579, %dma_start3A_580] : memref<6x200x64xf32, #tpu.memory_space<vmem>> -> memref<1x200x64xf32, #tpu.memory_space<vmem>>
    %dma_start3A_582 = tpu.memref_squeeze %dma_start3A_581 : memref<1x200x64xf32, #tpu.memory_space<vmem>> -> memref<200x64xf32, #tpu.memory_space<vmem>>
    %dma_start3A_583 = arith.constant 0 : i32
    %dma_start3A_584 = arith.constant 0 : i32
    %dma_start3A_585 = tpu.memref_slice %arg8[%dma_start3A_578, %dma_start3A_583, %dma_start3A_584] : memref<6x200x64xf32, #tpu.memory_space<vmem>> -> memref<1x200x64xf32, #tpu.memory_space<vmem>>
    %dma_start3A_586 = tpu.memref_squeeze %dma_start3A_585 : memref<1x200x64xf32, #tpu.memory_space<vmem>> -> memref<200x64xf32, #tpu.memory_space<vmem>>
    tpu.enqueue_dma source(%arg6 : memref<200x64xf32, #tpu.memory_space<vmem_shared>>) target(%dma_start3A_586 : memref<200x64xf32, #tpu.memory_space<vmem>>) target_semaphore(%arg27 : memref<!tpu.dma_semaphore, #tpu.memory_space<semaphore_mem>>)
    %dma_wait3A_587 = arith.constant 4 : i32
    %dma_wait3A_588 = arith.constant 0 : i32
    %dma_wait3A_589 = arith.constant 0 : i32
    %dma_wait3A_590 = tpu.memref_slice %arg8[%dma_wait3A_587, %dma_wait3A_588, %dma_wait3A_589] : memref<6x200x64xf32, #tpu.memory_space<vmem>> -> memref<1x200x64xf32, #tpu.memory_space<vmem>>
    %dma_wait3A_591 = tpu.memref_squeeze %dma_wait3A_590 : memref<1x200x64xf32, #tpu.memory_space<vmem>> -> memref<200x64xf32, #tpu.memory_space<vmem>>
    %dma_wait3A_592 = arith.constant 0 : i32
    %dma_wait3A_593 = arith.constant 0 : i32
    %dma_wait3A_594 = tpu.memref_slice %arg8[%dma_wait3A_587, %dma_wait3A_592, %dma_wait3A_593] : memref<6x200x64xf32, #tpu.memory_space<vmem>> -> memref<1x200x64xf32, #tpu.memory_space<vmem>>
    %dma_wait3A_595 = tpu.memref_squeeze %dma_wait3A_594 : memref<1x200x64xf32, #tpu.memory_space<vmem>> -> memref<200x64xf32, #tpu.memory_space<vmem>>
    tpu.wait_dma2 semaphore(%arg26 : memref<!tpu.dma_semaphore, #tpu.memory_space<semaphore_mem>>) src(%arg6 : memref<200x64xf32, #tpu.memory_space<vmem_shared>>) dst(%dma_wait3A_595 : memref<200x64xf32, #tpu.memory_space<vmem>>)
    %dma_start3A_596 = arith.constant 4 : i32
    %dma_start3A_597 = arith.constant 0 : i32
    %dma_start3A_598 = arith.constant 0 : i32
    %dma_start3A_599 = tpu.memref_slice %arg8[%dma_start3A_596, %dma_start3A_597, %dma_start3A_598] : memref<6x200x64xf32, #tpu.memory_space<vmem>> -> memref<1x200x64xf32, #tpu.memory_space<vmem>>
    %dma_start3A_600 = tpu.memref_squeeze %dma_start3A_599 : memref<1x200x64xf32, #tpu.memory_space<vmem>> -> memref<200x64xf32, #tpu.memory_space<vmem>>
    %dma_start3A_601 = arith.constant 24800 : i32
    %dma_start3A_602 = tpu.memref_slice %arg7[%dma_start3A_601] : memref<25600xi32, #tpu.memory_space<vmem>> -> memref<200xi32, #tpu.memory_space<vmem>>
    %dma_start3A_603 = arith.constant 0 : i32
    %dma_start3A_604 = arith.constant 0 : i32
    %dma_start3A_605 = tpu.memref_slice %arg3[%dma_start3A_603, %dma_start3A_604] : memref<1000000x64xf32, #tpu.memory_space<hbm>> -> memref<1000000x64xf32, #tpu.memory_space<hbm>>
    tpu.enqueue_indirect_dma source(%dma_start3A_605 : memref<1000000x64xf32, #tpu.memory_space<hbm>>) target(%dma_start3A_600 : memref<200x64xf32, #tpu.memory_space<vmem>>) offsets(%dma_start3A_602 : memref<200xi32, #tpu.memory_space<vmem>>) semaphore(%arg14 : memref<!tpu.dma_semaphore, #tpu.memory_space<semaphore_mem>>) {add = true}
    %dma_wait3A_606 = arith.constant 1 : i32
    %dma_wait3A_607 = arith.constant 0 : i32
    %dma_wait3A_608 = arith.constant 0 : i32
    %dma_wait3A_609 = tpu.memref_slice %arg8[%dma_wait3A_606, %dma_wait3A_607, %dma_wait3A_608] : memref<6x200x64xf32, #tpu.memory_space<vmem>> -> memref<1x200x64xf32, #tpu.memory_space<vmem>>
    %dma_wait3A_610 = tpu.memref_squeeze %dma_wait3A_609 : memref<1x200x64xf32, #tpu.memory_space<vmem>> -> memref<200x64xf32, #tpu.memory_space<vmem>>
    %dma_wait3A_611 = arith.constant 0 : i32
    %dma_wait3A_612 = tpu.memref_slice %arg7[%dma_wait3A_611] : memref<25600xi32, #tpu.memory_space<vmem>> -> memref<200xi32, #tpu.memory_space<vmem>>
    %dma_wait3A_613 = arith.constant 0 : i32
    %dma_wait3A_614 = arith.constant 0 : i32
    %dma_wait3A_615 = tpu.memref_slice %arg3[%dma_wait3A_613, %dma_wait3A_614] : memref<1000000x64xf32, #tpu.memory_space<hbm>> -> memref<1000000x64xf32, #tpu.memory_space<hbm>>
    tpu.wait_indirect_dma semaphore(%arg11 : memref<!tpu.dma_semaphore, #tpu.memory_space<semaphore_mem>>) src(%dma_wait3A_615 : memref<1000000x64xf32, #tpu.memory_space<hbm>>) dst(%dma_wait3A_610 : memref<200x64xf32, #tpu.memory_space<vmem>>)
    %add3A_616 = arith.constant 24200 : i32
    %add3A_617 = arith.addi %mul3A_2, %add3A_616 : i32
    %dma_start3A_618 = arith.constant 1 : i32
    %dma_start3A_619 = arith.constant 0 : i32
    %dma_start3A_620 = arith.constant 0 : i32
    %dma_start3A_621 = tpu.memref_slice %arg8[%dma_start3A_618, %dma_start3A_619, %dma_start3A_620] : memref<6x200x64xf32, #tpu.memory_space<vmem>> -> memref<1x200x64xf32, #tpu.memory_space<vmem>>
    %dma_start3A_622 = tpu.memref_squeeze %dma_start3A_621 : memref<1x200x64xf32, #tpu.memory_space<vmem>> -> memref<200x64xf32, #tpu.memory_space<vmem>>
    %dma_start3A_623 = arith.constant 0 : i32
    %dma_start3A_624 = tpu.memref_slice %arg5[%add3A_617, %dma_start3A_623] : memref<819200x64xf32, #tpu.memory_space<hbm>> -> memref<200x64xf32, #tpu.memory_space<hbm>>
    %dma_start3A_625 = arith.constant 0 : i32
    %dma_start3A_626 = tpu.memref_slice %arg5[%add3A_617, %dma_start3A_625] : memref<819200x64xf32, #tpu.memory_space<hbm>> -> memref<200x64xf32, #tpu.memory_space<hbm>>
    %dma_start3A_627 = arith.constant 0 : i32
    %dma_start3A_628 = arith.constant 0 : i32
    %dma_start3A_629 = tpu.memref_slice %arg8[%dma_start3A_618, %dma_start3A_627, %dma_start3A_628] : memref<6x200x64xf32, #tpu.memory_space<vmem>> -> memref<1x200x64xf32, #tpu.memory_space<vmem>>
    %dma_start3A_630 = tpu.memref_squeeze %dma_start3A_629 : memref<1x200x64xf32, #tpu.memory_space<vmem>> -> memref<200x64xf32, #tpu.memory_space<vmem>>
    tpu.enqueue_dma source(%dma_start3A_630 : memref<200x64xf32, #tpu.memory_space<vmem>>) target(%dma_start3A_626 : memref<200x64xf32, #tpu.memory_space<hbm>>) target_semaphore(%arg17 : memref<!tpu.dma_semaphore, #tpu.memory_space<semaphore_mem>>)
    %dma_wait3A_631 = arith.constant 0 : i32
    %dma_wait3A_632 = arith.constant 0 : i32
    %dma_wait3A_633 = arith.constant 0 : i32
    %dma_wait3A_634 = tpu.memref_slice %arg8[%dma_wait3A_631, %dma_wait3A_632, %dma_wait3A_633] : memref<6x200x64xf32, #tpu.memory_space<vmem>> -> memref<1x200x64xf32, #tpu.memory_space<vmem>>
    %dma_wait3A_635 = tpu.memref_squeeze %dma_wait3A_634 : memref<1x200x64xf32, #tpu.memory_space<vmem>> -> memref<200x64xf32, #tpu.memory_space<vmem>>
    %dma_wait3A_636 = arith.constant 0 : i32
    %dma_wait3A_637 = arith.constant 0 : i32
    %dma_wait3A_638 = tpu.memref_slice %arg5[%dma_wait3A_636, %dma_wait3A_637] : memref<819200x64xf32, #tpu.memory_space<hbm>> -> memref<200x64xf32, #tpu.memory_space<hbm>>
    %dma_wait3A_639 = arith.constant 0 : i32
    %dma_wait3A_640 = arith.constant 0 : i32
    %dma_wait3A_641 = tpu.memref_slice %arg5[%dma_wait3A_639, %dma_wait3A_640] : memref<819200x64xf32, #tpu.memory_space<hbm>> -> memref<200x64xf32, #tpu.memory_space<hbm>>
    %dma_wait3A_642 = arith.constant 0 : i32
    %dma_wait3A_643 = arith.constant 0 : i32
    %dma_wait3A_644 = tpu.memref_slice %arg8[%dma_wait3A_631, %dma_wait3A_642, %dma_wait3A_643] : memref<6x200x64xf32, #tpu.memory_space<vmem>> -> memref<1x200x64xf32, #tpu.memory_space<vmem>>
    %dma_wait3A_645 = tpu.memref_squeeze %dma_wait3A_644 : memref<1x200x64xf32, #tpu.memory_space<vmem>> -> memref<200x64xf32, #tpu.memory_space<vmem>>
    tpu.wait_dma2 semaphore(%arg16 : memref<!tpu.dma_semaphore, #tpu.memory_space<semaphore_mem>>) src(%dma_wait3A_645 : memref<200x64xf32, #tpu.memory_space<vmem>>) dst(%dma_wait3A_641 : memref<200x64xf32, #tpu.memory_space<hbm>>)
    %dma_start3A_646 = arith.constant 0 : i32
    %dma_start3A_647 = arith.constant 0 : i32
    %dma_start3A_648 = arith.constant 0 : i32
    %dma_start3A_649 = tpu.memref_slice %arg8[%dma_start3A_646, %dma_start3A_647, %dma_start3A_648] : memref<6x200x64xf32, #tpu.memory_space<vmem>> -> memref<1x200x64xf32, #tpu.memory_space<vmem>>
    %dma_start3A_650 = tpu.memref_squeeze %dma_start3A_649 : memref<1x200x64xf32, #tpu.memory_space<vmem>> -> memref<200x64xf32, #tpu.memory_space<vmem>>
    %dma_start3A_651 = arith.constant 0 : i32
    %dma_start3A_652 = arith.constant 0 : i32
    %dma_start3A_653 = tpu.memref_slice %arg8[%dma_start3A_646, %dma_start3A_651, %dma_start3A_652] : memref<6x200x64xf32, #tpu.memory_space<vmem>> -> memref<1x200x64xf32, #tpu.memory_space<vmem>>
    %dma_start3A_654 = tpu.memref_squeeze %dma_start3A_653 : memref<1x200x64xf32, #tpu.memory_space<vmem>> -> memref<200x64xf32, #tpu.memory_space<vmem>>
    tpu.enqueue_dma source(%arg6 : memref<200x64xf32, #tpu.memory_space<vmem_shared>>) target(%dma_start3A_654 : memref<200x64xf32, #tpu.memory_space<vmem>>) target_semaphore(%arg22 : memref<!tpu.dma_semaphore, #tpu.memory_space<semaphore_mem>>)
    %dma_wait3A_655 = arith.constant 5 : i32
    %dma_wait3A_656 = arith.constant 0 : i32
    %dma_wait3A_657 = arith.constant 0 : i32
    %dma_wait3A_658 = tpu.memref_slice %arg8[%dma_wait3A_655, %dma_wait3A_656, %dma_wait3A_657] : memref<6x200x64xf32, #tpu.memory_space<vmem>> -> memref<1x200x64xf32, #tpu.memory_space<vmem>>
    %dma_wait3A_659 = tpu.memref_squeeze %dma_wait3A_658 : memref<1x200x64xf32, #tpu.memory_space<vmem>> -> memref<200x64xf32, #tpu.memory_space<vmem>>
    %dma_wait3A_660 = arith.constant 0 : i32
    %dma_wait3A_661 = arith.constant 0 : i32
    %dma_wait3A_662 = tpu.memref_slice %arg8[%dma_wait3A_655, %dma_wait3A_660, %dma_wait3A_661] : memref<6x200x64xf32, #tpu.memory_space<vmem>> -> memref<1x200x64xf32, #tpu.memory_space<vmem>>
    %dma_wait3A_663 = tpu.memref_squeeze %dma_wait3A_662 : memref<1x200x64xf32, #tpu.memory_space<vmem>> -> memref<200x64xf32, #tpu.memory_space<vmem>>
    tpu.wait_dma2 semaphore(%arg27 : memref<!tpu.dma_semaphore, #tpu.memory_space<semaphore_mem>>) src(%arg6 : memref<200x64xf32, #tpu.memory_space<vmem_shared>>) dst(%dma_wait3A_663 : memref<200x64xf32, #tpu.memory_space<vmem>>)
    %dma_start3A_664 = arith.constant 5 : i32
    %dma_start3A_665 = arith.constant 0 : i32
    %dma_start3A_666 = arith.constant 0 : i32
    %dma_start3A_667 = tpu.memref_slice %arg8[%dma_start3A_664, %dma_start3A_665, %dma_start3A_666] : memref<6x200x64xf32, #tpu.memory_space<vmem>> -> memref<1x200x64xf32, #tpu.memory_space<vmem>>
    %dma_start3A_668 = tpu.memref_squeeze %dma_start3A_667 : memref<1x200x64xf32, #tpu.memory_space<vmem>> -> memref<200x64xf32, #tpu.memory_space<vmem>>
    %dma_start3A_669 = arith.constant 25000 : i32
    %dma_start3A_670 = tpu.memref_slice %arg7[%dma_start3A_669] : memref<25600xi32, #tpu.memory_space<vmem>> -> memref<200xi32, #tpu.memory_space<vmem>>
    %dma_start3A_671 = arith.constant 0 : i32
    %dma_start3A_672 = arith.constant 0 : i32
    %dma_start3A_673 = tpu.memref_slice %arg3[%dma_start3A_671, %dma_start3A_672] : memref<1000000x64xf32, #tpu.memory_space<hbm>> -> memref<1000000x64xf32, #tpu.memory_space<hbm>>
    tpu.enqueue_indirect_dma source(%dma_start3A_673 : memref<1000000x64xf32, #tpu.memory_space<hbm>>) target(%dma_start3A_668 : memref<200x64xf32, #tpu.memory_space<vmem>>) offsets(%dma_start3A_670 : memref<200xi32, #tpu.memory_space<vmem>>) semaphore(%arg15 : memref<!tpu.dma_semaphore, #tpu.memory_space<semaphore_mem>>) {add = true}
    %dma_wait3A_674 = arith.constant 2 : i32
    %dma_wait3A_675 = arith.constant 0 : i32
    %dma_wait3A_676 = arith.constant 0 : i32
    %dma_wait3A_677 = tpu.memref_slice %arg8[%dma_wait3A_674, %dma_wait3A_675, %dma_wait3A_676] : memref<6x200x64xf32, #tpu.memory_space<vmem>> -> memref<1x200x64xf32, #tpu.memory_space<vmem>>
    %dma_wait3A_678 = tpu.memref_squeeze %dma_wait3A_677 : memref<1x200x64xf32, #tpu.memory_space<vmem>> -> memref<200x64xf32, #tpu.memory_space<vmem>>
    %dma_wait3A_679 = arith.constant 0 : i32
    %dma_wait3A_680 = tpu.memref_slice %arg7[%dma_wait3A_679] : memref<25600xi32, #tpu.memory_space<vmem>> -> memref<200xi32, #tpu.memory_space<vmem>>
    %dma_wait3A_681 = arith.constant 0 : i32
    %dma_wait3A_682 = arith.constant 0 : i32
    %dma_wait3A_683 = tpu.memref_slice %arg3[%dma_wait3A_681, %dma_wait3A_682] : memref<1000000x64xf32, #tpu.memory_space<hbm>> -> memref<1000000x64xf32, #tpu.memory_space<hbm>>
    tpu.wait_indirect_dma semaphore(%arg12 : memref<!tpu.dma_semaphore, #tpu.memory_space<semaphore_mem>>) src(%dma_wait3A_683 : memref<1000000x64xf32, #tpu.memory_space<hbm>>) dst(%dma_wait3A_678 : memref<200x64xf32, #tpu.memory_space<vmem>>)
    %add3A_684 = arith.constant 24400 : i32
    %add3A_685 = arith.addi %mul3A_2, %add3A_684 : i32
    %dma_start3A_686 = arith.constant 2 : i32
    %dma_start3A_687 = arith.constant 0 : i32
    %dma_start3A_688 = arith.constant 0 : i32
    %dma_start3A_689 = tpu.memref_slice %arg8[%dma_start3A_686, %dma_start3A_687, %dma_start3A_688] : memref<6x200x64xf32, #tpu.memory_space<vmem>> -> memref<1x200x64xf32, #tpu.memory_space<vmem>>
    %dma_start3A_690 = tpu.memref_squeeze %dma_start3A_689 : memref<1x200x64xf32, #tpu.memory_space<vmem>> -> memref<200x64xf32, #tpu.memory_space<vmem>>
    %dma_start3A_691 = arith.constant 0 : i32
    %dma_start3A_692 = tpu.memref_slice %arg5[%add3A_685, %dma_start3A_691] : memref<819200x64xf32, #tpu.memory_space<hbm>> -> memref<200x64xf32, #tpu.memory_space<hbm>>
    %dma_start3A_693 = arith.constant 0 : i32
    %dma_start3A_694 = tpu.memref_slice %arg5[%add3A_685, %dma_start3A_693] : memref<819200x64xf32, #tpu.memory_space<hbm>> -> memref<200x64xf32, #tpu.memory_space<hbm>>
    %dma_start3A_695 = arith.constant 0 : i32
    %dma_start3A_696 = arith.constant 0 : i32
    %dma_start3A_697 = tpu.memref_slice %arg8[%dma_start3A_686, %dma_start3A_695, %dma_start3A_696] : memref<6x200x64xf32, #tpu.memory_space<vmem>> -> memref<1x200x64xf32, #tpu.memory_space<vmem>>
    %dma_start3A_698 = tpu.memref_squeeze %dma_start3A_697 : memref<1x200x64xf32, #tpu.memory_space<vmem>> -> memref<200x64xf32, #tpu.memory_space<vmem>>
    tpu.enqueue_dma source(%dma_start3A_698 : memref<200x64xf32, #tpu.memory_space<vmem>>) target(%dma_start3A_694 : memref<200x64xf32, #tpu.memory_space<hbm>>) target_semaphore(%arg18 : memref<!tpu.dma_semaphore, #tpu.memory_space<semaphore_mem>>)
    %dma_wait3A_699 = arith.constant 1 : i32
    %dma_wait3A_700 = arith.constant 0 : i32
    %dma_wait3A_701 = arith.constant 0 : i32
    %dma_wait3A_702 = tpu.memref_slice %arg8[%dma_wait3A_699, %dma_wait3A_700, %dma_wait3A_701] : memref<6x200x64xf32, #tpu.memory_space<vmem>> -> memref<1x200x64xf32, #tpu.memory_space<vmem>>
    %dma_wait3A_703 = tpu.memref_squeeze %dma_wait3A_702 : memref<1x200x64xf32, #tpu.memory_space<vmem>> -> memref<200x64xf32, #tpu.memory_space<vmem>>
    %dma_wait3A_704 = arith.constant 0 : i32
    %dma_wait3A_705 = arith.constant 0 : i32
    %dma_wait3A_706 = tpu.memref_slice %arg5[%dma_wait3A_704, %dma_wait3A_705] : memref<819200x64xf32, #tpu.memory_space<hbm>> -> memref<200x64xf32, #tpu.memory_space<hbm>>
    %dma_wait3A_707 = arith.constant 0 : i32
    %dma_wait3A_708 = arith.constant 0 : i32
    %dma_wait3A_709 = tpu.memref_slice %arg5[%dma_wait3A_707, %dma_wait3A_708] : memref<819200x64xf32, #tpu.memory_space<hbm>> -> memref<200x64xf32, #tpu.memory_space<hbm>>
    %dma_wait3A_710 = arith.constant 0 : i32
    %dma_wait3A_711 = arith.constant 0 : i32
    %dma_wait3A_712 = tpu.memref_slice %arg8[%dma_wait3A_699, %dma_wait3A_710, %dma_wait3A_711] : memref<6x200x64xf32, #tpu.memory_space<vmem>> -> memref<1x200x64xf32, #tpu.memory_space<vmem>>
    %dma_wait3A_713 = tpu.memref_squeeze %dma_wait3A_712 : memref<1x200x64xf32, #tpu.memory_space<vmem>> -> memref<200x64xf32, #tpu.memory_space<vmem>>
    tpu.wait_dma2 semaphore(%arg17 : memref<!tpu.dma_semaphore, #tpu.memory_space<semaphore_mem>>) src(%dma_wait3A_713 : memref<200x64xf32, #tpu.memory_space<vmem>>) dst(%dma_wait3A_709 : memref<200x64xf32, #tpu.memory_space<hbm>>)
    %dma_start3A_714 = arith.constant 1 : i32
    %dma_start3A_715 = arith.constant 0 : i32
    %dma_start3A_716 = arith.constant 0 : i32
    %dma_start3A_717 = tpu.memref_slice %arg8[%dma_start3A_714, %dma_start3A_715, %dma_start3A_716] : memref<6x200x64xf32, #tpu.memory_space<vmem>> -> memref<1x200x64xf32, #tpu.memory_space<vmem>>
    %dma_start3A_718 = tpu.memref_squeeze %dma_start3A_717 : memref<1x200x64xf32, #tpu.memory_space<vmem>> -> memref<200x64xf32, #tpu.memory_space<vmem>>
    %dma_start3A_719 = arith.constant 0 : i32
    %dma_start3A_720 = arith.constant 0 : i32
    %dma_start3A_721 = tpu.memref_slice %arg8[%dma_start3A_714, %dma_start3A_719, %dma_start3A_720] : memref<6x200x64xf32, #tpu.memory_space<vmem>> -> memref<1x200x64xf32, #tpu.memory_space<vmem>>
    %dma_start3A_722 = tpu.memref_squeeze %dma_start3A_721 : memref<1x200x64xf32, #tpu.memory_space<vmem>> -> memref<200x64xf32, #tpu.memory_space<vmem>>
    tpu.enqueue_dma source(%arg6 : memref<200x64xf32, #tpu.memory_space<vmem_shared>>) target(%dma_start3A_722 : memref<200x64xf32, #tpu.memory_space<vmem>>) target_semaphore(%arg23 : memref<!tpu.dma_semaphore, #tpu.memory_space<semaphore_mem>>)
    %dma_wait3A_723 = arith.constant 0 : i32
    %dma_wait3A_724 = arith.constant 0 : i32
    %dma_wait3A_725 = arith.constant 0 : i32
    %dma_wait3A_726 = tpu.memref_slice %arg8[%dma_wait3A_723, %dma_wait3A_724, %dma_wait3A_725] : memref<6x200x64xf32, #tpu.memory_space<vmem>> -> memref<1x200x64xf32, #tpu.memory_space<vmem>>
    %dma_wait3A_727 = tpu.memref_squeeze %dma_wait3A_726 : memref<1x200x64xf32, #tpu.memory_space<vmem>> -> memref<200x64xf32, #tpu.memory_space<vmem>>
    %dma_wait3A_728 = arith.constant 0 : i32
    %dma_wait3A_729 = arith.constant 0 : i32
    %dma_wait3A_730 = tpu.memref_slice %arg8[%dma_wait3A_723, %dma_wait3A_728, %dma_wait3A_729] : memref<6x200x64xf32, #tpu.memory_space<vmem>> -> memref<1x200x64xf32, #tpu.memory_space<vmem>>
    %dma_wait3A_731 = tpu.memref_squeeze %dma_wait3A_730 : memref<1x200x64xf32, #tpu.memory_space<vmem>> -> memref<200x64xf32, #tpu.memory_space<vmem>>
    tpu.wait_dma2 semaphore(%arg22 : memref<!tpu.dma_semaphore, #tpu.memory_space<semaphore_mem>>) src(%arg6 : memref<200x64xf32, #tpu.memory_space<vmem_shared>>) dst(%dma_wait3A_731 : memref<200x64xf32, #tpu.memory_space<vmem>>)
    %dma_start3A_732 = arith.constant 0 : i32
    %dma_start3A_733 = arith.constant 0 : i32
    %dma_start3A_734 = arith.constant 0 : i32
    %dma_start3A_735 = tpu.memref_slice %arg8[%dma_start3A_732, %dma_start3A_733, %dma_start3A_734] : memref<6x200x64xf32, #tpu.memory_space<vmem>> -> memref<1x200x64xf32, #tpu.memory_space<vmem>>
    %dma_start3A_736 = tpu.memref_squeeze %dma_start3A_735 : memref<1x200x64xf32, #tpu.memory_space<vmem>> -> memref<200x64xf32, #tpu.memory_space<vmem>>
    %dma_start3A_737 = arith.constant 25200 : i32
    %dma_start3A_738 = tpu.memref_slice %arg7[%dma_start3A_737] : memref<25600xi32, #tpu.memory_space<vmem>> -> memref<200xi32, #tpu.memory_space<vmem>>
    %dma_start3A_739 = arith.constant 0 : i32
    %dma_start3A_740 = arith.constant 0 : i32
    %dma_start3A_741 = tpu.memref_slice %arg3[%dma_start3A_739, %dma_start3A_740] : memref<1000000x64xf32, #tpu.memory_space<hbm>> -> memref<1000000x64xf32, #tpu.memory_space<hbm>>
    tpu.enqueue_indirect_dma source(%dma_start3A_741 : memref<1000000x64xf32, #tpu.memory_space<hbm>>) target(%dma_start3A_736 : memref<200x64xf32, #tpu.memory_space<vmem>>) offsets(%dma_start3A_738 : memref<200xi32, #tpu.memory_space<vmem>>) semaphore(%arg10 : memref<!tpu.dma_semaphore, #tpu.memory_space<semaphore_mem>>) {add = true}
    %dma_wait3A_742 = arith.constant 3 : i32
    %dma_wait3A_743 = arith.constant 0 : i32
    %dma_wait3A_744 = arith.constant 0 : i32
    %dma_wait3A_745 = tpu.memref_slice %arg8[%dma_wait3A_742, %dma_wait3A_743, %dma_wait3A_744] : memref<6x200x64xf32, #tpu.memory_space<vmem>> -> memref<1x200x64xf32, #tpu.memory_space<vmem>>
    %dma_wait3A_746 = tpu.memref_squeeze %dma_wait3A_745 : memref<1x200x64xf32, #tpu.memory_space<vmem>> -> memref<200x64xf32, #tpu.memory_space<vmem>>
    %dma_wait3A_747 = arith.constant 0 : i32
    %dma_wait3A_748 = tpu.memref_slice %arg7[%dma_wait3A_747] : memref<25600xi32, #tpu.memory_space<vmem>> -> memref<200xi32, #tpu.memory_space<vmem>>
    %dma_wait3A_749 = arith.constant 0 : i32
    %dma_wait3A_750 = arith.constant 0 : i32
    %dma_wait3A_751 = tpu.memref_slice %arg3[%dma_wait3A_749, %dma_wait3A_750] : memref<1000000x64xf32, #tpu.memory_space<hbm>> -> memref<1000000x64xf32, #tpu.memory_space<hbm>>
    tpu.wait_indirect_dma semaphore(%arg13 : memref<!tpu.dma_semaphore, #tpu.memory_space<semaphore_mem>>) src(%dma_wait3A_751 : memref<1000000x64xf32, #tpu.memory_space<hbm>>) dst(%dma_wait3A_746 : memref<200x64xf32, #tpu.memory_space<vmem>>)
    %add3A_752 = arith.constant 24600 : i32
    %add3A_753 = arith.addi %mul3A_2, %add3A_752 : i32
    %dma_start3A_754 = arith.constant 3 : i32
    %dma_start3A_755 = arith.constant 0 : i32
    %dma_start3A_756 = arith.constant 0 : i32
    %dma_start3A_757 = tpu.memref_slice %arg8[%dma_start3A_754, %dma_start3A_755, %dma_start3A_756] : memref<6x200x64xf32, #tpu.memory_space<vmem>> -> memref<1x200x64xf32, #tpu.memory_space<vmem>>
    %dma_start3A_758 = tpu.memref_squeeze %dma_start3A_757 : memref<1x200x64xf32, #tpu.memory_space<vmem>> -> memref<200x64xf32, #tpu.memory_space<vmem>>
    %dma_start3A_759 = arith.constant 0 : i32
    %dma_start3A_760 = tpu.memref_slice %arg5[%add3A_753, %dma_start3A_759] : memref<819200x64xf32, #tpu.memory_space<hbm>> -> memref<200x64xf32, #tpu.memory_space<hbm>>
    %dma_start3A_761 = arith.constant 0 : i32
    %dma_start3A_762 = tpu.memref_slice %arg5[%add3A_753, %dma_start3A_761] : memref<819200x64xf32, #tpu.memory_space<hbm>> -> memref<200x64xf32, #tpu.memory_space<hbm>>
    %dma_start3A_763 = arith.constant 0 : i32
    %dma_start3A_764 = arith.constant 0 : i32
    %dma_start3A_765 = tpu.memref_slice %arg8[%dma_start3A_754, %dma_start3A_763, %dma_start3A_764] : memref<6x200x64xf32, #tpu.memory_space<vmem>> -> memref<1x200x64xf32, #tpu.memory_space<vmem>>
    %dma_start3A_766 = tpu.memref_squeeze %dma_start3A_765 : memref<1x200x64xf32, #tpu.memory_space<vmem>> -> memref<200x64xf32, #tpu.memory_space<vmem>>
    tpu.enqueue_dma source(%dma_start3A_766 : memref<200x64xf32, #tpu.memory_space<vmem>>) target(%dma_start3A_762 : memref<200x64xf32, #tpu.memory_space<hbm>>) target_semaphore(%arg19 : memref<!tpu.dma_semaphore, #tpu.memory_space<semaphore_mem>>)
    %dma_wait3A_767 = arith.constant 1 : i32
    %dma_wait3A_768 = arith.constant 0 : i32
    %dma_wait3A_769 = arith.constant 0 : i32
    %dma_wait3A_770 = tpu.memref_slice %arg8[%dma_wait3A_767, %dma_wait3A_768, %dma_wait3A_769] : memref<6x200x64xf32, #tpu.memory_space<vmem>> -> memref<1x200x64xf32, #tpu.memory_space<vmem>>
    %dma_wait3A_771 = tpu.memref_squeeze %dma_wait3A_770 : memref<1x200x64xf32, #tpu.memory_space<vmem>> -> memref<200x64xf32, #tpu.memory_space<vmem>>
    %dma_wait3A_772 = arith.constant 0 : i32
    %dma_wait3A_773 = arith.constant 0 : i32
    %dma_wait3A_774 = tpu.memref_slice %arg8[%dma_wait3A_767, %dma_wait3A_772, %dma_wait3A_773] : memref<6x200x64xf32, #tpu.memory_space<vmem>> -> memref<1x200x64xf32, #tpu.memory_space<vmem>>
    %dma_wait3A_775 = tpu.memref_squeeze %dma_wait3A_774 : memref<1x200x64xf32, #tpu.memory_space<vmem>> -> memref<200x64xf32, #tpu.memory_space<vmem>>
    tpu.wait_dma2 semaphore(%arg23 : memref<!tpu.dma_semaphore, #tpu.memory_space<semaphore_mem>>) src(%arg6 : memref<200x64xf32, #tpu.memory_space<vmem_shared>>) dst(%dma_wait3A_775 : memref<200x64xf32, #tpu.memory_space<vmem>>)
    %dma_start3A_776 = arith.constant 1 : i32
    %dma_start3A_777 = arith.constant 0 : i32
    %dma_start3A_778 = arith.constant 0 : i32
    %dma_start3A_779 = tpu.memref_slice %arg8[%dma_start3A_776, %dma_start3A_777, %dma_start3A_778] : memref<6x200x64xf32, #tpu.memory_space<vmem>> -> memref<1x200x64xf32, #tpu.memory_space<vmem>>
    %dma_start3A_780 = tpu.memref_squeeze %dma_start3A_779 : memref<1x200x64xf32, #tpu.memory_space<vmem>> -> memref<200x64xf32, #tpu.memory_space<vmem>>
    %dma_start3A_781 = arith.constant 25400 : i32
    %dma_start3A_782 = tpu.memref_slice %arg7[%dma_start3A_781] : memref<25600xi32, #tpu.memory_space<vmem>> -> memref<200xi32, #tpu.memory_space<vmem>>
    %dma_start3A_783 = arith.constant 0 : i32
    %dma_start3A_784 = arith.constant 0 : i32
    %dma_start3A_785 = tpu.memref_slice %arg3[%dma_start3A_783, %dma_start3A_784] : memref<1000000x64xf32, #tpu.memory_space<hbm>> -> memref<1000000x64xf32, #tpu.memory_space<hbm>>
    tpu.enqueue_indirect_dma source(%dma_start3A_785 : memref<1000000x64xf32, #tpu.memory_space<hbm>>) target(%dma_start3A_780 : memref<200x64xf32, #tpu.memory_space<vmem>>) offsets(%dma_start3A_782 : memref<200xi32, #tpu.memory_space<vmem>>) semaphore(%arg11 : memref<!tpu.dma_semaphore, #tpu.memory_space<semaphore_mem>>) {add = true}
    %dma_wait3A_786 = arith.constant 4 : i32
    %dma_wait3A_787 = arith.constant 0 : i32
    %dma_wait3A_788 = arith.constant 0 : i32
    %dma_wait3A_789 = tpu.memref_slice %arg8[%dma_wait3A_786, %dma_wait3A_787, %dma_wait3A_788] : memref<6x200x64xf32, #tpu.memory_space<vmem>> -> memref<1x200x64xf32, #tpu.memory_space<vmem>>
    %dma_wait3A_790 = tpu.memref_squeeze %dma_wait3A_789 : memref<1x200x64xf32, #tpu.memory_space<vmem>> -> memref<200x64xf32, #tpu.memory_space<vmem>>
    %dma_wait3A_791 = arith.constant 0 : i32
    %dma_wait3A_792 = tpu.memref_slice %arg7[%dma_wait3A_791] : memref<25600xi32, #tpu.memory_space<vmem>> -> memref<200xi32, #tpu.memory_space<vmem>>
    %dma_wait3A_793 = arith.constant 0 : i32
    %dma_wait3A_794 = arith.constant 0 : i32
    %dma_wait3A_795 = tpu.memref_slice %arg3[%dma_wait3A_793, %dma_wait3A_794] : memref<1000000x64xf32, #tpu.memory_space<hbm>> -> memref<1000000x64xf32, #tpu.memory_space<hbm>>
    tpu.wait_indirect_dma semaphore(%arg14 : memref<!tpu.dma_semaphore, #tpu.memory_space<semaphore_mem>>) src(%dma_wait3A_795 : memref<1000000x64xf32, #tpu.memory_space<hbm>>) dst(%dma_wait3A_790 : memref<200x64xf32, #tpu.memory_space<vmem>>)
    %add3A_796 = arith.constant 24800 : i32
    %add3A_797 = arith.addi %mul3A_2, %add3A_796 : i32
    %dma_start3A_798 = arith.constant 4 : i32
    %dma_start3A_799 = arith.constant 0 : i32
    %dma_start3A_800 = arith.constant 0 : i32
    %dma_start3A_801 = tpu.memref_slice %arg8[%dma_start3A_798, %dma_start3A_799, %dma_start3A_800] : memref<6x200x64xf32, #tpu.memory_space<vmem>> -> memref<1x200x64xf32, #tpu.memory_space<vmem>>
    %dma_start3A_802 = tpu.memref_squeeze %dma_start3A_801 : memref<1x200x64xf32, #tpu.memory_space<vmem>> -> memref<200x64xf32, #tpu.memory_space<vmem>>
    %dma_start3A_803 = arith.constant 0 : i32
    %dma_start3A_804 = tpu.memref_slice %arg5[%add3A_797, %dma_start3A_803] : memref<819200x64xf32, #tpu.memory_space<hbm>> -> memref<200x64xf32, #tpu.memory_space<hbm>>
    %dma_start3A_805 = arith.constant 0 : i32
    %dma_start3A_806 = tpu.memref_slice %arg5[%add3A_797, %dma_start3A_805] : memref<819200x64xf32, #tpu.memory_space<hbm>> -> memref<200x64xf32, #tpu.memory_space<hbm>>
    %dma_start3A_807 = arith.constant 0 : i32
    %dma_start3A_808 = arith.constant 0 : i32
    %dma_start3A_809 = tpu.memref_slice %arg8[%dma_start3A_798, %dma_start3A_807, %dma_start3A_808] : memref<6x200x64xf32, #tpu.memory_space<vmem>> -> memref<1x200x64xf32, #tpu.memory_space<vmem>>
    %dma_start3A_810 = tpu.memref_squeeze %dma_start3A_809 : memref<1x200x64xf32, #tpu.memory_space<vmem>> -> memref<200x64xf32, #tpu.memory_space<vmem>>
    tpu.enqueue_dma source(%dma_start3A_810 : memref<200x64xf32, #tpu.memory_space<vmem>>) target(%dma_start3A_806 : memref<200x64xf32, #tpu.memory_space<hbm>>) target_semaphore(%arg20 : memref<!tpu.dma_semaphore, #tpu.memory_space<semaphore_mem>>)
    %dma_wait3A_811 = arith.constant 5 : i32
    %dma_wait3A_812 = arith.constant 0 : i32
    %dma_wait3A_813 = arith.constant 0 : i32
    %dma_wait3A_814 = tpu.memref_slice %arg8[%dma_wait3A_811, %dma_wait3A_812, %dma_wait3A_813] : memref<6x200x64xf32, #tpu.memory_space<vmem>> -> memref<1x200x64xf32, #tpu.memory_space<vmem>>
    %dma_wait3A_815 = tpu.memref_squeeze %dma_wait3A_814 : memref<1x200x64xf32, #tpu.memory_space<vmem>> -> memref<200x64xf32, #tpu.memory_space<vmem>>
    %dma_wait3A_816 = arith.constant 0 : i32
    %dma_wait3A_817 = tpu.memref_slice %arg7[%dma_wait3A_816] : memref<25600xi32, #tpu.memory_space<vmem>> -> memref<200xi32, #tpu.memory_space<vmem>>
    %dma_wait3A_818 = arith.constant 0 : i32
    %dma_wait3A_819 = arith.constant 0 : i32
    %dma_wait3A_820 = tpu.memref_slice %arg3[%dma_wait3A_818, %dma_wait3A_819] : memref<1000000x64xf32, #tpu.memory_space<hbm>> -> memref<1000000x64xf32, #tpu.memory_space<hbm>>
    tpu.wait_indirect_dma semaphore(%arg15 : memref<!tpu.dma_semaphore, #tpu.memory_space<semaphore_mem>>) src(%dma_wait3A_820 : memref<1000000x64xf32, #tpu.memory_space<hbm>>) dst(%dma_wait3A_815 : memref<200x64xf32, #tpu.memory_space<vmem>>)
    %add3A_821 = arith.constant 25000 : i32
    %add3A_822 = arith.addi %mul3A_2, %add3A_821 : i32
    %dma_start3A_823 = arith.constant 5 : i32
    %dma_start3A_824 = arith.constant 0 : i32
    %dma_start3A_825 = arith.constant 0 : i32
    %dma_start3A_826 = tpu.memref_slice %arg8[%dma_start3A_823, %dma_start3A_824, %dma_start3A_825] : memref<6x200x64xf32, #tpu.memory_space<vmem>> -> memref<1x200x64xf32, #tpu.memory_space<vmem>>
    %dma_start3A_827 = tpu.memref_squeeze %dma_start3A_826 : memref<1x200x64xf32, #tpu.memory_space<vmem>> -> memref<200x64xf32, #tpu.memory_space<vmem>>
    %dma_start3A_828 = arith.constant 0 : i32
    %dma_start3A_829 = tpu.memref_slice %arg5[%add3A_822, %dma_start3A_828] : memref<819200x64xf32, #tpu.memory_space<hbm>> -> memref<200x64xf32, #tpu.memory_space<hbm>>
    %dma_start3A_830 = arith.constant 0 : i32
    %dma_start3A_831 = tpu.memref_slice %arg5[%add3A_822, %dma_start3A_830] : memref<819200x64xf32, #tpu.memory_space<hbm>> -> memref<200x64xf32, #tpu.memory_space<hbm>>
    %dma_start3A_832 = arith.constant 0 : i32
    %dma_start3A_833 = arith.constant 0 : i32
    %dma_start3A_834 = tpu.memref_slice %arg8[%dma_start3A_823, %dma_start3A_832, %dma_start3A_833] : memref<6x200x64xf32, #tpu.memory_space<vmem>> -> memref<1x200x64xf32, #tpu.memory_space<vmem>>
    %dma_start3A_835 = tpu.memref_squeeze %dma_start3A_834 : memref<1x200x64xf32, #tpu.memory_space<vmem>> -> memref<200x64xf32, #tpu.memory_space<vmem>>
    tpu.enqueue_dma source(%dma_start3A_835 : memref<200x64xf32, #tpu.memory_space<vmem>>) target(%dma_start3A_831 : memref<200x64xf32, #tpu.memory_space<hbm>>) target_semaphore(%arg21 : memref<!tpu.dma_semaphore, #tpu.memory_space<semaphore_mem>>)
    %dma_wait3A_836 = arith.constant 0 : i32
    %dma_wait3A_837 = arith.constant 0 : i32
    %dma_wait3A_838 = arith.constant 0 : i32
    %dma_wait3A_839 = tpu.memref_slice %arg8[%dma_wait3A_836, %dma_wait3A_837, %dma_wait3A_838] : memref<6x200x64xf32, #tpu.memory_space<vmem>> -> memref<1x200x64xf32, #tpu.memory_space<vmem>>
    %dma_wait3A_840 = tpu.memref_squeeze %dma_wait3A_839 : memref<1x200x64xf32, #tpu.memory_space<vmem>> -> memref<200x64xf32, #tpu.memory_space<vmem>>
    %dma_wait3A_841 = arith.constant 0 : i32
    %dma_wait3A_842 = tpu.memref_slice %arg7[%dma_wait3A_841] : memref<25600xi32, #tpu.memory_space<vmem>> -> memref<200xi32, #tpu.memory_space<vmem>>
    %dma_wait3A_843 = arith.constant 0 : i32
    %dma_wait3A_844 = arith.constant 0 : i32
    %dma_wait3A_845 = tpu.memref_slice %arg3[%dma_wait3A_843, %dma_wait3A_844] : memref<1000000x64xf32, #tpu.memory_space<hbm>> -> memref<1000000x64xf32, #tpu.memory_space<hbm>>
    tpu.wait_indirect_dma semaphore(%arg10 : memref<!tpu.dma_semaphore, #tpu.memory_space<semaphore_mem>>) src(%dma_wait3A_845 : memref<1000000x64xf32, #tpu.memory_space<hbm>>) dst(%dma_wait3A_840 : memref<200x64xf32, #tpu.memory_space<vmem>>)
    %add3A_846 = arith.constant 25200 : i32
    %add3A_847 = arith.addi %mul3A_2, %add3A_846 : i32
    %dma_start3A_848 = arith.constant 0 : i32
    %dma_start3A_849 = arith.constant 0 : i32
    %dma_start3A_850 = arith.constant 0 : i32
    %dma_start3A_851 = tpu.memref_slice %arg8[%dma_start3A_848, %dma_start3A_849, %dma_start3A_850] : memref<6x200x64xf32, #tpu.memory_space<vmem>> -> memref<1x200x64xf32, #tpu.memory_space<vmem>>
    %dma_start3A_852 = tpu.memref_squeeze %dma_start3A_851 : memref<1x200x64xf32, #tpu.memory_space<vmem>> -> memref<200x64xf32, #tpu.memory_space<vmem>>
    %dma_start3A_853 = arith.constant 0 : i32
    %dma_start3A_854 = tpu.memref_slice %arg5[%add3A_847, %dma_start3A_853] : memref<819200x64xf32, #tpu.memory_space<hbm>> -> memref<200x64xf32, #tpu.memory_space<hbm>>
    %dma_start3A_855 = arith.constant 0 : i32
    %dma_start3A_856 = tpu.memref_slice %arg5[%add3A_847, %dma_start3A_855] : memref<819200x64xf32, #tpu.memory_space<hbm>> -> memref<200x64xf32, #tpu.memory_space<hbm>>
    %dma_start3A_857 = arith.constant 0 : i32
    %dma_start3A_858 = arith.constant 0 : i32
    %dma_start3A_859 = tpu.memref_slice %arg8[%dma_start3A_848, %dma_start3A_857, %dma_start3A_858] : memref<6x200x64xf32, #tpu.memory_space<vmem>> -> memref<1x200x64xf32, #tpu.memory_space<vmem>>
    %dma_start3A_860 = tpu.memref_squeeze %dma_start3A_859 : memref<1x200x64xf32, #tpu.memory_space<vmem>> -> memref<200x64xf32, #tpu.memory_space<vmem>>
    tpu.enqueue_dma source(%dma_start3A_860 : memref<200x64xf32, #tpu.memory_space<vmem>>) target(%dma_start3A_856 : memref<200x64xf32, #tpu.memory_space<hbm>>) target_semaphore(%arg16 : memref<!tpu.dma_semaphore, #tpu.memory_space<semaphore_mem>>)
    %dma_wait3A_861 = arith.constant 1 : i32
    %dma_wait3A_862 = arith.constant 0 : i32
    %dma_wait3A_863 = arith.constant 0 : i32
    %dma_wait3A_864 = tpu.memref_slice %arg8[%dma_wait3A_861, %dma_wait3A_862, %dma_wait3A_863] : memref<6x200x64xf32, #tpu.memory_space<vmem>> -> memref<1x200x64xf32, #tpu.memory_space<vmem>>
    %dma_wait3A_865 = tpu.memref_squeeze %dma_wait3A_864 : memref<1x200x64xf32, #tpu.memory_space<vmem>> -> memref<200x64xf32, #tpu.memory_space<vmem>>
    %dma_wait3A_866 = arith.constant 0 : i32
    %dma_wait3A_867 = tpu.memref_slice %arg7[%dma_wait3A_866] : memref<25600xi32, #tpu.memory_space<vmem>> -> memref<200xi32, #tpu.memory_space<vmem>>
    %dma_wait3A_868 = arith.constant 0 : i32
    %dma_wait3A_869 = arith.constant 0 : i32
    %dma_wait3A_870 = tpu.memref_slice %arg3[%dma_wait3A_868, %dma_wait3A_869] : memref<1000000x64xf32, #tpu.memory_space<hbm>> -> memref<1000000x64xf32, #tpu.memory_space<hbm>>
    tpu.wait_indirect_dma semaphore(%arg11 : memref<!tpu.dma_semaphore, #tpu.memory_space<semaphore_mem>>) src(%dma_wait3A_870 : memref<1000000x64xf32, #tpu.memory_space<hbm>>) dst(%dma_wait3A_865 : memref<200x64xf32, #tpu.memory_space<vmem>>)
    %add3A_871 = arith.constant 25400 : i32
    %add3A_872 = arith.addi %mul3A_2, %add3A_871 : i32
    %dma_start3A_873 = arith.constant 1 : i32
    %dma_start3A_874 = arith.constant 0 : i32
    %dma_start3A_875 = arith.constant 0 : i32
    %dma_start3A_876 = tpu.memref_slice %arg8[%dma_start3A_873, %dma_start3A_874, %dma_start3A_875] : memref<6x200x64xf32, #tpu.memory_space<vmem>> -> memref<1x200x64xf32, #tpu.memory_space<vmem>>
    %dma_start3A_877 = tpu.memref_squeeze %dma_start3A_876 : memref<1x200x64xf32, #tpu.memory_space<vmem>> -> memref<200x64xf32, #tpu.memory_space<vmem>>
    %dma_start3A_878 = arith.constant 0 : i32
    %dma_start3A_879 = tpu.memref_slice %arg5[%add3A_872, %dma_start3A_878] : memref<819200x64xf32, #tpu.memory_space<hbm>> -> memref<200x64xf32, #tpu.memory_space<hbm>>
    %dma_start3A_880 = arith.constant 0 : i32
    %dma_start3A_881 = tpu.memref_slice %arg5[%add3A_872, %dma_start3A_880] : memref<819200x64xf32, #tpu.memory_space<hbm>> -> memref<200x64xf32, #tpu.memory_space<hbm>>
    %dma_start3A_882 = arith.constant 0 : i32
    %dma_start3A_883 = arith.constant 0 : i32
    %dma_start3A_884 = tpu.memref_slice %arg8[%dma_start3A_873, %dma_start3A_882, %dma_start3A_883] : memref<6x200x64xf32, #tpu.memory_space<vmem>> -> memref<1x200x64xf32, #tpu.memory_space<vmem>>
    %dma_start3A_885 = tpu.memref_squeeze %dma_start3A_884 : memref<1x200x64xf32, #tpu.memory_space<vmem>> -> memref<200x64xf32, #tpu.memory_space<vmem>>
    tpu.enqueue_dma source(%dma_start3A_885 : memref<200x64xf32, #tpu.memory_space<vmem>>) target(%dma_start3A_881 : memref<200x64xf32, #tpu.memory_space<hbm>>) target_semaphore(%arg17 : memref<!tpu.dma_semaphore, #tpu.memory_space<semaphore_mem>>)
    %dma_wait3A_886 = arith.constant 0 : i32
    %dma_wait3A_887 = arith.constant 0 : i32
    %dma_wait3A_888 = arith.constant 0 : i32
    %dma_wait3A_889 = tpu.memref_slice %arg8[%dma_wait3A_886, %dma_wait3A_887, %dma_wait3A_888] : memref<6x200x64xf32, #tpu.memory_space<vmem>> -> memref<1x200x64xf32, #tpu.memory_space<vmem>>
    %dma_wait3A_890 = tpu.memref_squeeze %dma_wait3A_889 : memref<1x200x64xf32, #tpu.memory_space<vmem>> -> memref<200x64xf32, #tpu.memory_space<vmem>>
    %dma_wait3A_891 = arith.constant 0 : i32
    %dma_wait3A_892 = arith.constant 0 : i32
    %dma_wait3A_893 = tpu.memref_slice %arg5[%dma_wait3A_891, %dma_wait3A_892] : memref<819200x64xf32, #tpu.memory_space<hbm>> -> memref<200x64xf32, #tpu.memory_space<hbm>>
    %dma_wait3A_894 = arith.constant 0 : i32
    %dma_wait3A_895 = arith.constant 0 : i32
    %dma_wait3A_896 = tpu.memref_slice %arg5[%dma_wait3A_894, %dma_wait3A_895] : memref<819200x64xf32, #tpu.memory_space<hbm>> -> memref<200x64xf32, #tpu.memory_space<hbm>>
    %dma_wait3A_897 = arith.constant 0 : i32
    %dma_wait3A_898 = arith.constant 0 : i32
    %dma_wait3A_899 = tpu.memref_slice %arg8[%dma_wait3A_886, %dma_wait3A_897, %dma_wait3A_898] : memref<6x200x64xf32, #tpu.memory_space<vmem>> -> memref<1x200x64xf32, #tpu.memory_space<vmem>>
    %dma_wait3A_900 = tpu.memref_squeeze %dma_wait3A_899 : memref<1x200x64xf32, #tpu.memory_space<vmem>> -> memref<200x64xf32, #tpu.memory_space<vmem>>
    tpu.wait_dma2 semaphore(%arg16 : memref<!tpu.dma_semaphore, #tpu.memory_space<semaphore_mem>>) src(%dma_wait3A_900 : memref<200x64xf32, #tpu.memory_space<vmem>>) dst(%dma_wait3A_896 : memref<200x64xf32, #tpu.memory_space<hbm>>)
    %dma_wait3A_901 = arith.constant 1 : i32
    %dma_wait3A_902 = arith.constant 0 : i32
    %dma_wait3A_903 = arith.constant 0 : i32
    %dma_wait3A_904 = tpu.memref_slice %arg8[%dma_wait3A_901, %dma_wait3A_902, %dma_wait3A_903] : memref<6x200x64xf32, #tpu.memory_space<vmem>> -> memref<1x200x64xf32, #tpu.memory_space<vmem>>
    %dma_wait3A_905 = tpu.memref_squeeze %dma_wait3A_904 : memref<1x200x64xf32, #tpu.memory_space<vmem>> -> memref<200x64xf32, #tpu.memory_space<vmem>>
    %dma_wait3A_906 = arith.constant 0 : i32
    %dma_wait3A_907 = arith.constant 0 : i32
    %dma_wait3A_908 = tpu.memref_slice %arg5[%dma_wait3A_906, %dma_wait3A_907] : memref<819200x64xf32, #tpu.memory_space<hbm>> -> memref<200x64xf32, #tpu.memory_space<hbm>>
    %dma_wait3A_909 = arith.constant 0 : i32
    %dma_wait3A_910 = arith.constant 0 : i32
    %dma_wait3A_911 = tpu.memref_slice %arg5[%dma_wait3A_909, %dma_wait3A_910] : memref<819200x64xf32, #tpu.memory_space<hbm>> -> memref<200x64xf32, #tpu.memory_space<hbm>>
    %dma_wait3A_912 = arith.constant 0 : i32
    %dma_wait3A_913 = arith.constant 0 : i32
    %dma_wait3A_914 = tpu.memref_slice %arg8[%dma_wait3A_901, %dma_wait3A_912, %dma_wait3A_913] : memref<6x200x64xf32, #tpu.memory_space<vmem>> -> memref<1x200x64xf32, #tpu.memory_space<vmem>>
    %dma_wait3A_915 = tpu.memref_squeeze %dma_wait3A_914 : memref<1x200x64xf32, #tpu.memory_space<vmem>> -> memref<200x64xf32, #tpu.memory_space<vmem>>
    tpu.wait_dma2 semaphore(%arg17 : memref<!tpu.dma_semaphore, #tpu.memory_space<semaphore_mem>>) src(%dma_wait3A_915 : memref<200x64xf32, #tpu.memory_space<vmem>>) dst(%dma_wait3A_911 : memref<200x64xf32, #tpu.memory_space<hbm>>)
    %dma_wait3A_916 = arith.constant 2 : i32
    %dma_wait3A_917 = arith.constant 0 : i32
    %dma_wait3A_918 = arith.constant 0 : i32
    %dma_wait3A_919 = tpu.memref_slice %arg8[%dma_wait3A_916, %dma_wait3A_917, %dma_wait3A_918] : memref<6x200x64xf32, #tpu.memory_space<vmem>> -> memref<1x200x64xf32, #tpu.memory_space<vmem>>
    %dma_wait3A_920 = tpu.memref_squeeze %dma_wait3A_919 : memref<1x200x64xf32, #tpu.memory_space<vmem>> -> memref<200x64xf32, #tpu.memory_space<vmem>>
    %dma_wait3A_921 = arith.constant 0 : i32
    %dma_wait3A_922 = arith.constant 0 : i32
    %dma_wait3A_923 = tpu.memref_slice %arg5[%dma_wait3A_921, %dma_wait3A_922] : memref<819200x64xf32, #tpu.memory_space<hbm>> -> memref<200x64xf32, #tpu.memory_space<hbm>>
    %dma_wait3A_924 = arith.constant 0 : i32
    %dma_wait3A_925 = arith.constant 0 : i32
    %dma_wait3A_926 = tpu.memref_slice %arg5[%dma_wait3A_924, %dma_wait3A_925] : memref<819200x64xf32, #tpu.memory_space<hbm>> -> memref<200x64xf32, #tpu.memory_space<hbm>>
    %dma_wait3A_927 = arith.constant 0 : i32
    %dma_wait3A_928 = arith.constant 0 : i32
    %dma_wait3A_929 = tpu.memref_slice %arg8[%dma_wait3A_916, %dma_wait3A_927, %dma_wait3A_928] : memref<6x200x64xf32, #tpu.memory_space<vmem>> -> memref<1x200x64xf32, #tpu.memory_space<vmem>>
    %dma_wait3A_930 = tpu.memref_squeeze %dma_wait3A_929 : memref<1x200x64xf32, #tpu.memory_space<vmem>> -> memref<200x64xf32, #tpu.memory_space<vmem>>
    tpu.wait_dma2 semaphore(%arg18 : memref<!tpu.dma_semaphore, #tpu.memory_space<semaphore_mem>>) src(%dma_wait3A_930 : memref<200x64xf32, #tpu.memory_space<vmem>>) dst(%dma_wait3A_926 : memref<200x64xf32, #tpu.memory_space<hbm>>)
    %dma_wait3A_931 = arith.constant 3 : i32
    %dma_wait3A_932 = arith.constant 0 : i32
    %dma_wait3A_933 = arith.constant 0 : i32
    %dma_wait3A_934 = tpu.memref_slice %arg8[%dma_wait3A_931, %dma_wait3A_932, %dma_wait3A_933] : memref<6x200x64xf32, #tpu.memory_space<vmem>> -> memref<1x200x64xf32, #tpu.memory_space<vmem>>
    %dma_wait3A_935 = tpu.memref_squeeze %dma_wait3A_934 : memref<1x200x64xf32, #tpu.memory_space<vmem>> -> memref<200x64xf32, #tpu.memory_space<vmem>>
    %dma_wait3A_936 = arith.constant 0 : i32
    %dma_wait3A_937 = arith.constant 0 : i32
    %dma_wait3A_938 = tpu.memref_slice %arg5[%dma_wait3A_936, %dma_wait3A_937] : memref<819200x64xf32, #tpu.memory_space<hbm>> -> memref<200x64xf32, #tpu.memory_space<hbm>>
    %dma_wait3A_939 = arith.constant 0 : i32
    %dma_wait3A_940 = arith.constant 0 : i32
    %dma_wait3A_941 = tpu.memref_slice %arg5[%dma_wait3A_939, %dma_wait3A_940] : memref<819200x64xf32, #tpu.memory_space<hbm>> -> memref<200x64xf32, #tpu.memory_space<hbm>>
    %dma_wait3A_942 = arith.constant 0 : i32
    %dma_wait3A_943 = arith.constant 0 : i32
    %dma_wait3A_944 = tpu.memref_slice %arg8[%dma_wait3A_931, %dma_wait3A_942, %dma_wait3A_943] : memref<6x200x64xf32, #tpu.memory_space<vmem>> -> memref<1x200x64xf32, #tpu.memory_space<vmem>>
    %dma_wait3A_945 = tpu.memref_squeeze %dma_wait3A_944 : memref<1x200x64xf32, #tpu.memory_space<vmem>> -> memref<200x64xf32, #tpu.memory_space<vmem>>
    tpu.wait_dma2 semaphore(%arg19 : memref<!tpu.dma_semaphore, #tpu.memory_space<semaphore_mem>>) src(%dma_wait3A_945 : memref<200x64xf32, #tpu.memory_space<vmem>>) dst(%dma_wait3A_941 : memref<200x64xf32, #tpu.memory_space<hbm>>)
    %dma_wait3A_946 = arith.constant 4 : i32
    %dma_wait3A_947 = arith.constant 0 : i32
    %dma_wait3A_948 = arith.constant 0 : i32
    %dma_wait3A_949 = tpu.memref_slice %arg8[%dma_wait3A_946, %dma_wait3A_947, %dma_wait3A_948] : memref<6x200x64xf32, #tpu.memory_space<vmem>> -> memref<1x200x64xf32, #tpu.memory_space<vmem>>
    %dma_wait3A_950 = tpu.memref_squeeze %dma_wait3A_949 : memref<1x200x64xf32, #tpu.memory_space<vmem>> -> memref<200x64xf32, #tpu.memory_space<vmem>>
    %dma_wait3A_951 = arith.constant 0 : i32
    %dma_wait3A_952 = arith.constant 0 : i32
    %dma_wait3A_953 = tpu.memref_slice %arg5[%dma_wait3A_951, %dma_wait3A_952] : memref<819200x64xf32, #tpu.memory_space<hbm>> -> memref<200x64xf32, #tpu.memory_space<hbm>>
    %dma_wait3A_954 = arith.constant 0 : i32
    %dma_wait3A_955 = arith.constant 0 : i32
    %dma_wait3A_956 = tpu.memref_slice %arg5[%dma_wait3A_954, %dma_wait3A_955] : memref<819200x64xf32, #tpu.memory_space<hbm>> -> memref<200x64xf32, #tpu.memory_space<hbm>>
    %dma_wait3A_957 = arith.constant 0 : i32
    %dma_wait3A_958 = arith.constant 0 : i32
    %dma_wait3A_959 = tpu.memref_slice %arg8[%dma_wait3A_946, %dma_wait3A_957, %dma_wait3A_958] : memref<6x200x64xf32, #tpu.memory_space<vmem>> -> memref<1x200x64xf32, #tpu.memory_space<vmem>>
    %dma_wait3A_960 = tpu.memref_squeeze %dma_wait3A_959 : memref<1x200x64xf32, #tpu.memory_space<vmem>> -> memref<200x64xf32, #tpu.memory_space<vmem>>
    tpu.wait_dma2 semaphore(%arg20 : memref<!tpu.dma_semaphore, #tpu.memory_space<semaphore_mem>>) src(%dma_wait3A_960 : memref<200x64xf32, #tpu.memory_space<vmem>>) dst(%dma_wait3A_956 : memref<200x64xf32, #tpu.memory_space<hbm>>)
    %dma_wait3A_961 = arith.constant 5 : i32
    %dma_wait3A_962 = arith.constant 0 : i32
    %dma_wait3A_963 = arith.constant 0 : i32
    %dma_wait3A_964 = tpu.memref_slice %arg8[%dma_wait3A_961, %dma_wait3A_962, %dma_wait3A_963] : memref<6x200x64xf32, #tpu.memory_space<vmem>> -> memref<1x200x64xf32, #tpu.memory_space<vmem>>
    %dma_wait3A_965 = tpu.memref_squeeze %dma_wait3A_964 : memref<1x200x64xf32, #tpu.memory_space<vmem>> -> memref<200x64xf32, #tpu.memory_space<vmem>>
    %dma_wait3A_966 = arith.constant 0 : i32
    %dma_wait3A_967 = arith.constant 0 : i32
    %dma_wait3A_968 = tpu.memref_slice %arg5[%dma_wait3A_966, %dma_wait3A_967] : memref<819200x64xf32, #tpu.memory_space<hbm>> -> memref<200x64xf32, #tpu.memory_space<hbm>>
    %dma_wait3A_969 = arith.constant 0 : i32
    %dma_wait3A_970 = arith.constant 0 : i32
    %dma_wait3A_971 = tpu.memref_slice %arg5[%dma_wait3A_969, %dma_wait3A_970] : memref<819200x64xf32, #tpu.memory_space<hbm>> -> memref<200x64xf32, #tpu.memory_space<hbm>>
    %dma_wait3A_972 = arith.constant 0 : i32
    %dma_wait3A_973 = arith.constant 0 : i32
    %dma_wait3A_974 = tpu.memref_slice %arg8[%dma_wait3A_961, %dma_wait3A_972, %dma_wait3A_973] : memref<6x200x64xf32, #tpu.memory_space<vmem>> -> memref<1x200x64xf32, #tpu.memory_space<vmem>>
    %dma_wait3A_975 = tpu.memref_squeeze %dma_wait3A_974 : memref<1x200x64xf32, #tpu.memory_space<vmem>> -> memref<200x64xf32, #tpu.memory_space<vmem>>
    tpu.wait_dma2 semaphore(%arg21 : memref<!tpu.dma_semaphore, #tpu.memory_space<semaphore_mem>>) src(%dma_wait3A_975 : memref<200x64xf32, #tpu.memory_space<vmem>>) dst(%dma_wait3A_971 : memref<200x64xf32, #tpu.memory_space<hbm>>)
    return
  }
}

</mosaic_0001>

<sc_bundles>
// kernel: _run.3.cloned.1.call-start
scs
__scs_entry_jumppad:
0x0: {  	(pc) =	sbr.rel $0x88, $3  }
0x1: {  	(tag) =	ssettag $0x0;
	lr =	simm.s32 $0x1  }
0x2: {  	[smem:$0x3F9E] =	sst lr;
	_ =	strace $0xD0000000  }
0x3: {  	_ = 	snop  }
0x4: {  	_ = 	snop  }
0x5: {  	_ = 	snop  }
0x6: {  	_ = 	snop  }
0x7: {  	_ = 	snop  }
__scs_overlays_trampoline_lowered:
0x8: {  	[smem:$0x3FAD] =	sst s0  }
0x9: {  	[smem:$0x3FAE] =	sst s1  }
0xa: {  	[smem:$0x3FAF] =	sst s2  }
0xb: {  	[smem:$0x3FB0] =	sst s3  }
0xc: {  	[smem:$0x3FB1] =	sst s4  }
0xd: {  	[smem:$0x3FB2] =	sst s5  }
0xe: {  	[smem:$0x3FB3] =	sst s6  }
0xf: {  	[smem:$0x3FB4] =	sst s7  }
0x10: {  	[smem:$0x3FB5] =	sst s8  }
0x11: {  	[smem:$0x3FB6] =	sst s9;
	s0 =	simm.s32 @!p0 $0x0  }
0x12: {  	s1 =	sld [smem:$0x3F9C];
	s0 =	simm.s32 @p0 $0x1  }
0x13: {  	[smem:$0x3FB7] =	sst s0;
	s0 =	simm.s32 @!p1 $0x0  }
0x14: {  	s2 =	sld [smem:$0x3F9B];
	s0 =	simm.s32 @p1 $0x1  }
0x15: {  	[smem:$0x3FB8] =	sst s0;
	s0 =	simm.s32 @!p2 $0x0  }
0x16: {  	s3 =	sld [smem:$0x3FDB];
	s0 =	simm.s32 @p2 $0x1  }
0x17: {  	s4 =	simm.s32 $0x1BF5;
	[smem:$0x3FBA] =	sst s0  }
0x18: {  	s0 =	sld [smem:$0x3F9D];
	_ =	swait.ge [sflag:s4], $0x0  }
0x19: {  	s7 =	sld [smem:$0x3F9E]  }
0x1a: {  	s8 =	sadd.s32 $0xFFFFE003, lr  }
0x1b: {  	s9 =	sadd.s32 $0xFFFFFEF7, lr;
	s5 =	simm.s32 $0xFFFFFFFF;
	p2 =	slt.u32 s8, $0xFFFFF086  }
0x1c: {  	p1 =	slt.u32 s9, $0xF7A;
	s5 =	simm.s32 @!p2 $0x0  }
0x1d: {  	s5 =	simm.s32 @p1 $0x1;
	p0 =	seq.s32 s7, s2  }
0x1e: {  	s7 =	smul.u32 @!p0 $0xF7A, s2;
	p2 =	seq.s32 @!p0 s5, $0x0  }
0x1f: {  	s9 =	smul.u32 $0xF7A, s1;
	s8 =	simm.s32 @!p0 $0x1BF5;
	p2 =	por !p2, p0  }
0x20: {  	[sflag:s8] =	ssyncset.s32 @!p0 $0xFFFFF086;
	s6 =	sadd.s32 @!p0 s3, s7;
	s7 =	simm.s32 @!p0 $0x108  }
0x21: {  	s3 =	sadd.s32 s3, s9;
	s6 =	sadd.s32 @!p0 $0x88, s6;
	s7 =	simm.s32 @p2 $0x1082  }
0x22: {  	[simem:s7], [sflag:s8] =	dma.local @!p0 [hbm:s6], $0xF7A  }
0x23: {  	s9 =	sor.u32 $0xD0000000, s2;
	s6 =	simm.s32 $0x108;
	_ =	swait.ge @!p0 [sflag:s8], $0x0  }
0x24: {  	s3 =	sadd.s32 $0x88, s3;
	s6 =	simm.s32 @!p1 $0x1082;
	[sflag:s4] =	ssyncset.s32 $0xFFFFF086  }
0x25: {  	[simem:s6], [sflag:s4] =	dma.local [hbm:s3], $0xF7A  }
0x26: {  	[smem:$0x3F9E] =	sst s1;
	(tag) =	ssettag s2;
	_ =	strace s9  }
0x27: {  	s1 =	sld [smem:$0x3FAE]  }
0x28: {  	s2 =	sld [smem:$0x3FAF]  }
0x29: {  	s4 =	sld [smem:$0x3FB1]  }
0x2a: {  	p0 =	seq.s32 s5, $0x0;
	s5 =	sld [smem:$0x3FB2]  }
0x2b: {  	s6 =	sld [smem:$0x3FB3]  }
0x2c: {  	s7 =	sld [smem:$0x3FB4]  }
0x2d: {  	s3 =	simm.s32 $0x108;
	s8 =	sld [smem:$0x3FB5]  }
0x2e: {  	s3 =	simm.s32 @!p0 $0x1082;
	s9 =	sld [smem:$0x3FB6]  }
0x2f: {  	lr =	sadd.s32 s0, s3;
	s0 =	sld [smem:$0x3FAD]  }
0x30: {  	s3 =	sld [smem:$0x3FB0]  }
0x31: {  	[smem:$0x3FB9] =	sst s10  }
0x32: {  	s10 =	sld [smem:$0x3FB7];
	_ =	sdelay $0x3  }
0x33: {  	p0 =	seq.s32 s10, $0x1;
	s10 =	sld [smem:$0x3FB9];
	_ =	sdelay $0x3  }
0x34: {  	[smem:$0x3FB9] =	sst s10  }
0x35: {  	s10 =	sld [smem:$0x3FB8];
	_ =	sdelay $0x3  }
0x36: {  	p1 =	seq.s32 s10, $0x1;
	s10 =	sld [smem:$0x3FB9];
	_ =	sdelay $0x3  }
0x37: {  	[smem:$0x3FB9] =	sst s10  }
0x38: {  	s10 =	sld [smem:$0x3FBA]  }
0x39: {  	_ = 	snop;
	(pc) =	sbr.ind lr, $3  }
0x3a: {  	_ = 	snop  }
0x3b: {  	_ = 	snop  }
0x3c: {  	p2 =	seq.s32 s10, $0x1;
	s10 =	sld [smem:$0x3FB9]  }
0x3d: {  	_ =	shalt  }
0x3e: {  	_ =	shalt  }
0x3f: {  	_ =	shalt  }
0x40: {  	_ =	shalt  }
0x41: {  	_ =	shalt  }
0x42: {  	_ =	shalt  }
0x43: {  	_ =	shalt  }
0x44: {  	_ =	shalt  }
0x45: {  	_ =	shalt  }
0x46: {  	_ =	shalt  }
0x47: {  	_ =	shalt  }
0x48: {  	_ =	shalt  }
0x49: {  	_ =	shalt  }
0x4a: {  	_ =	shalt  }
0x4b: {  	_ =	shalt  }
0x4c: {  	_ =	shalt  }
0x4d: {  	_ =	shalt  }
0x4e: {  	_ =	shalt  }
0x4f: {  	_ =	shalt  }
0x50: {  	_ =	shalt  }
0x51: {  	_ =	shalt  }
0x52: {  	_ =	shalt  }
0x53: {  	_ =	shalt  }
0x54: {  	_ =	shalt  }
0x55: {  	_ =	shalt  }
0x56: {  	_ =	shalt  }
0x57: {  	_ =	shalt  }
0x58: {  	_ =	shalt  }
0x59: {  	_ =	shalt  }
0x5a: {  	_ =	shalt  }
0x5b: {  	_ =	shalt  }
0x5c: {  	_ =	shalt  }
0x5d: {  	_ =	shalt  }
0x5e: {  	_ =	shalt  }
0x5f: {  	_ =	shalt  }
0x60: {  	_ =	shalt  }
0x61: {  	_ =	shalt  }
0x62: {  	_ =	shalt  }
0x63: {  	_ =	shalt  }
0x64: {  	_ =	shalt  }
0x65: {  	_ =	shalt  }
0x66: {  	_ =	shalt  }
0x67: {  	_ =	shalt  }
0x68: {  	_ =	shalt  }
0x69: {  	_ =	shalt  }
0x6a: {  	_ =	shalt  }
0x6b: {  	_ =	shalt  }
0x6c: {  	_ =	shalt  }
0x6d: {  	_ =	shalt  }
0x6e: {  	_ =	shalt  }
0x6f: {  	_ =	shalt  }
0x70: {  	_ =	shalt  }
0x71: {  	_ =	shalt  }
0x72: {  	_ =	shalt  }
0x73: {  	_ =	shalt  }
0x74: {  	_ =	shalt  }
0x75: {  	_ =	shalt  }
0x76: {  	_ =	shalt  }
0x77: {  	_ =	shalt  }
0x78: {  	_ =	shalt  }
0x79: {  	_ =	shalt  }
0x7a: {  	_ =	shalt  }
0x7b: {  	_ =	shalt  }
0x7c: {  	_ =	shalt  }
0x7d: {  	_ =	shalt  }
0x7e: {  	_ =	shalt  }
0x7f: {  	_ =	shalt  }
0x80: {  	_ =	shalt  }
0x81: {  	_ =	shalt  }
0x82: {  	_ =	shalt  }
0x83: {  	_ =	shalt  }
0x84: {  	_ =	shalt  }
0x85: {  	_ =	shalt  }
0x86: {  	_ =	shalt  }
0x87: {  	_ =	shalt  }
.Lfunc_end0:
.L_simem_size_0:
called_computation.1_lowered:
.L_overlay_start_0:
0x88: {  	s2 =	sld [smem:$0x3FD9]  }
0x89: {  	s3 =	sld [smem:$0x3FFE];
	_ =	sdelay $0x1  }
0x8a: {  	s1 =	srdreg.scid  }
0x8b: {  	s0 =	sand.u32 $0x1, s1  }
0x8c: {  	s17 =	sshll.u32 s0, $0xA;
	s2 =	sadd.s32 s3, s2  }
0x8d: {  	s2 =	sadd.s32 s2, s17  }
0x8e: {  	[smem:$0x3FC5] =	sst s2  }
0x8f: {  	_ = 	snop  }
0x90: {  	s2 =	sld [smem:$0x3FC9]  }
0x91: {  	s18 =	sld [smem:$0x3FD0];
	(tm) =	ssettm $0x1  }
0x92: {  	s4 =	sld [smem:$0x3FFB];
	_ =	sdelay $0x3  }
0x93: {  	_ =	strace s4  }
0x94: {  	s4 =	sld [smem:$0x3FFC];
	_ =	sdelay $0x3  }
0x95: {  	_ =	strace s4  }
0x96: {  	s4 =	sld [smem:$0x3FFD];
	_ =	sdelay $0x3  }
0x97: {  	_ =	strace s4  }
0x98: {  	_ =	strace $0x8FFFFFFF  }
0x99: {  	s19 =	sld [smem:$0x3FDB];
	_ =	sdelay $0x1  }
0x9a: {  	s5 =	simm.s32 $_scs_section_size  }
0x9b: {  	s6 =	simm.s32 $_size__tile_overlayer_lowered;
	s7 =	simm.s32 $_tile_overlayer_lowered  }
0x9c: {  	s22 =	simm.s32 $0x1BFF;
	s21 =	sshll.u32 s7, $0x1;
	s4 =	sadd.s32 s5, s19  }
0x9d: {  	s8 =	simm.s32 $0x0;
	s20 =	sshll.u32 s6, $0x1;
	s6 =	sadd.s32 s21, s4  }
0x9e: {  	[timem:s8], [sflag:s22] =	dma.local [hbm:s6], s20  }
0x9f: {  	_ =	swait.ge [sflag:s22], s20  }
0xa0: {  	s5 =	ssub.s32 $0x0, s20;
	[sflag:s22] =	ssyncset.done $0x0  }
0xa1: {  	[sflag:s22] =	ssyncadd.s32 s5;
	_ =	sdelay $0x1  }
0xa2: {  	s23 =	simm.s32 $0x1B8B  }
0xa3: {  	_ =	swait.ge [sflag:s23], $0x1  }
0xa4: {  	[sflag:s23] =	ssyncset.done $0x0  }
0xa5: {  	s25 =	simm.s32 $0x1B8E;
	s24 =	sld [smem:$0x3FFE];
	[sflag:s23] =	ssyncadd.s32 $0xFFFFFFFF  }
0xa6: {  	s26 =	simm.s32 $execute0_lowered;
	[smem:$0x3FD2] =	sst s25  }
0xa7: {  	s6 =	sshll.u32 s26, $0x1;
	_ =	strace $0x80000046;
	[dreg:$0x1] =	wrdreg $0xFFFFFFFF  }
0xa8: {  	s28 =	simm.s32 $_size_execute0_lowered;
	s4 =	sadd.s32 s4, s6;
	[dreg:$0x0] =	wrdreg $0x0  }
0xa9: {  	s6 =	sshll.u32 s28, $0x1;
	[dreg:$0x2] =	wrdreg s4  }
0xaa: {  	[dreg:$0x3] =	wrdreg s6  }
0xab: {  	[dreg:$0x4] =	wrdreg $0xC0  }
0xac: {  	_ =	task [dreg:s8], $0x5FFFF  }
0xad: {  	[dreg:$0x1] =	wrdreg $0xFFFFFFFF  }
0xae: {  	[dreg:$0x0] =	wrdreg $0x60  }
0xaf: {  	[dreg:$0x2] =	wrdreg s2  }
0xb0: {  	[dreg:$0x3] =	wrdreg s24  }
0xb1: {  	[dreg:$0x4] =	wrdreg s18  }
0xb2: {  	[dreg:$0x5] =	wrdreg $0x0  }
0xb3: {  	[dreg:$0x6] =	wrdreg $0x9  }
0xb4: {  	_ =	task.clear_ibuf [dreg:s8], $0x7FFFF;
	_ =	strace $0x90000046  }
0xb5: {  	s29 =	simm.s32 $0x9;
	_ =	strace $0x80000048  }
0xb6: {  	_ =	swait.ge [sflag:s29], $0x1  }
0xb7: {  	[sflag:s29] =	ssyncadd.s32 $0xFFFFFFFF  }
0xb8: {  	_ =	strace $0x90000048  }
0xb9: {  	_ =	sfence  }
0xba: {  	s30 =	sld [smem:$0x0];
	_ =	sdelay $0x2  }
0xbb: {  	s31 =	sshll.u32 s1, $0xD;
	s1 =	sshrl.u32 s1, $0x2  }
0xbc: {  	s3 =	sand.u32 $0x4000, s31;
	s1 =	sadd.s32 s1, s30  }
0xbd: {  	s0 =	sor.u32 s3, s0;
	s1 =	sshll.u32 s1, $0x11  }
0xbe: {  	s0 =	sor.u32 s1, s0  }
0xbf: {  	s0 =	sadd.s32 $0x8F2B, s0  }
0xc0: {  	[sflag:s0] =	ssyncadd.remote.s32 $0x1  }
0xc1: {  	_ =	sfence.sel $0xFFFF  }
0xc2: {  	[dreg:$0x0] =	wrdreg $0xFFFFFFFF;
	(pc) =	sbr.abs _section_cstart, $3  }
0xc3: {  	[dreg:$0x1] =	wrdreg $0xFFFFFFFF  }
0xc4: {  	_ =	task.clear_ibuf [dreg:s8], $0x2FFFF;
	_ =	strace $0x9FFFFFFF  }
0xc5: {  	(tm) =	ssettm $0x7FFFFFFF  }
tec
execute0_lowered:
.L_overlay_start_1:
0x0: {  	(tag) =	ssettag $0x1  }
0x1: {  	s0 =	rddreg [dreg:$0x0]  }
0x2: {  	s4 =	rddreg [dreg:$0x1]  }
0x3: {  	s5 =	rddreg [dreg:$0x2]  }
0x4: {  	s1 =	rddreg [dreg:$0x3];
	s3 =	srdreg.scid  }
0x5: {  	s6 =	stileid.u32;
	s2 =	simm.s32 $0x0;
	s7 =	sand.u32 $0x1, s3  }
0x6: {  	s19 =	sshll.u32 s6, $0x1;
	[smem:$0x7FF] =	sst s2;
	s3 =	sadd.s32 $0xF42E00, s4  }
0x7: {  	s4 =	sadd.s32 $0xA00, s4;
	s8 =	sor.u32 s7, s19;
	s10 =	ssub.s32 $0x2, s7  }
0x8: {  	_ =	strace $0x80000047;
	s9 =	smul.u32 $0x6400, s8;
	s20 =	sshrl.u32 s10, $0x1  }
0x9: {  	[dreg:$0x5] =	wrdreg s4;
	s11 =	smul.u32 $0x32000, s8;
	s4 =	ssub.s32 s10, s20  }
0xa: {  	s29 =	simm.s32 $0x4;
	s18 =	smax.u32 s4, $0x1  }
0xb: {  	s9 =	sshrl.u32 s9, $0x3;
	s11 =	sadd.s32 s5, s11;
	[dreg:$0x14] =	wrdreg s18  }
0xc: {  	s25 =	smul.u32 $0xC800, s6;
	s9 =	sadd.s32 s0, s9;
	[dreg:$0x7] =	wrdreg s11  }
0xd: {  	s7 =	smul.u32 $0x6400, s7;
	s23 =	sadd.s32 $0x640, s11;
	[dreg:$0x6] =	wrdreg s9  }
0xe: {  	s21 =	smul.u32 $0x190000, s8;
	s24 =	sadd.s32 $0xC80, s11;
	[dreg:$0x9] =	wrdreg s23  }
0xf: {  	s7 =	sadd.s32 s7, s25;
	s26 =	sadd.s32 $0x12C0, s11;
	[dreg:$0xa] =	wrdreg s24  }
0x10: {  	s7 =	sshll.u32 s7, $0x3;
	s25 =	sadd.s32 $0x1900, s11;
	[dreg:$0xb] =	wrdreg s26  }
0x11: {  	s19 =	sadd.s32 s5, s7;
	s22 =	sadd.s32 $0xC8, s9;
	[dreg:$0x1b] =	wrdreg s25  }
0x12: {  	s31 =	simm.s32 $0x9;
	s20 =	sadd.s32 $0x3840, s19;
	[dreg:$0x8] =	wrdreg s22  }
0x13: {  	s0 =	sshrl.u32 s21, $0x3;
	s21 =	sadd.s32 $0x3200, s19;
	[dreg:$0x15] =	wrdreg s20  }
0x14: {  	s30 =	simm.s32 $0x6;
	s23 =	sadd.s32 $0x44C0, s19;
	[dreg:$0x16] =	wrdreg s21  }
0x15: {  	s28 =	simm.s32 $0xB;
	s24 =	sadd.s32 $0x3E80, s19;
	[dreg:$0x18] =	wrdreg s23  }
0x16: {  	s0 =	sadd.s32 s5, s0;
	s26 =	sadd.s32 $0x1F40, s11;
	[dreg:$0x19] =	wrdreg s24  }
0x17: {  	p0 =	sne.s32 s6, $0x0;
	s10 =	sadd.s32 $0x2EE00, s0;
	[dreg:$0x1c] =	wrdreg s26  }
0x18: {  	s6 =	simm.s32 $0xA;
	s12 =	sadd.s32 $0x2F440, s0;
	[dreg:$0xc] =	wrdreg s10  }
0x19: {  	s4 =	simm.s32 $0x0;
	s13 =	sadd.s32 $0x2FA80, s0;
	[dreg:$0xd] =	wrdreg s12  }
0x1a: {  	s18 =	simm.s32 $0x8;
	s14 =	sadd.s32 $0x300C0, s0;
	[dreg:$0xe] =	wrdreg s13  }
0x1b: {  	s11 =	simm.s32 $0xC8;
	s15 =	sadd.s32 $0x30700, s0;
	[dreg:$0xf] =	wrdreg s14  }
0x1c: {  	s16 =	sadd.s32 $0x30D40, s0;
	s17 =	sadd.s32 $0x31380, s0;
	[dreg:$0x10] =	wrdreg s15  }
0x1d: {  	s0 =	sadd.s32 $0x319C0, s0;
	s22 =	sadd.s32 $0x2BC0, s19;
	[dreg:$0x11] =	wrdreg s16  }
0x1e: {  	s23 =	simm.s32 $0x10;
	s26 =	simm.s32 $0x5;
	[dreg:$0x12] =	wrdreg s17  }
0x1f: {  	s20 =	simm.s32 $0x7;
	s21 =	simm.s32 $0xC;
	[dreg:$0x13] =	wrdreg s0  }
0x20: {  	[dreg:$0x17] =	wrdreg s22;
	s0 =	sadd.s32 $0x2580, s19;
	s10 =	simm.s32 $0x11  }
0x21: {  	s19 =	simm.s32 $0x13;
	s22 =	simm.s32 $0xD;
	[dreg:$0x1a] =	wrdreg s0  }
.LBB2_1:
0x22: {  	[dreg:$0x1d] =	wrdreg s4  }
0x23: {  	s0 =	sshrl.u32 @!p0 s1, $0x3;
	s4 =	simm.s32 @!p0 $0x1C14;
	s7 =	rddreg [dreg:$0x5]  }
0x24: {  	[spmem:s0], [sflag:s4] =	dma.local @!p0 [hbm:s7], $0x640  }
0x25: {  	s0 =	simm.s32 @!p0 $0x14  }
0x26: {  	_ =	swait.ge @!p0 [sflag:s0], $0x640  }
0x27: {  	s16 =	simm.s32 $0x320;
	[sflag:s0] =	ssyncset.done @!p0 $0x0  }
0x28: {  	s17 =	simm.s32 $0x14;
	s15 =	rddreg [dreg:$0x6];
	[sflag:s0] =	ssyncadd.s32 @!p0 $0xFFFFF9C0  }
0x29: {  	[tilespmem:s16], [sflag:$0x14] =	stream.linear.gather [hbm4b:s15+s2], $0x640, $0x38;
	[tilespmem:$0x19320] =	vst v63  }
0x2a: {  	_ =	swait.ge [sflag:s17], $0x640  }
0x2b: {  	[sflag:s17] =	ssyncset.done $0x0  }
0x2c: {  	s7 =	simm.s32 $0x960;
	s24 =	rddreg [dreg:$0x8];
	[sflag:s17] =	ssyncadd.s32 $0xFFFFF9C0  }
0x2d: {  	[tilespmem:s7], [sflag:$0x1] =	stream.linear.gather [hbm4b:s24+s2], $0x5DC0, $0x38;
	[tilespmem:$0x19320] =	vst v63  }
0x2e: {  	s8 =	simm.s32 $0x6720;
	[bflag:$0x0] =	sbarrier.arrive $0xFFFF  }
0x2f: {  	[tilespmem:s8], [sflag:$0xE] =	stream.linear.gather [spmem:s1], $0x3200, $0x38;
	[tilespmem:$0x19320] =	vst v63  }
0x30: {  	s9 =	simm.s32 $0x9920  }
0x31: {  	[tilespmem:s9], [sflag:$0xF] =	stream.linear.gather [spmem:s1], $0x3200, $0x38;
	[tilespmem:$0x19320] =	vst v63  }
0x32: {  	s12 =	simm.s32 $0xCB20  }
0x33: {  	[tilespmem:s12], [sflag:$0x10] =	stream.linear.gather [spmem:s1], $0x3200, $0x38;
	[tilespmem:$0x19320] =	vst v63  }
0x34: {  	s13 =	simm.s32 $0xFD20  }
0x35: {  	[tilespmem:s13], [sflag:$0x11] =	stream.linear.gather [spmem:s1], $0x3200, $0x38;
	[tilespmem:$0x19320] =	vst v63  }
0x36: {  	s5 =	simm.s32 $0x12F20;
	s14 =	simm.s32 $0xE  }
0x37: {  	[tilespmem:s5], [sflag:$0x12] =	stream.linear.gather [spmem:s1], $0x3200, $0x38;
	[tilespmem:$0x19320] =	vst v63  }
0x38: {  	_ =	swait.ge [sflag:s14], $0x3200  }
0x39: {  	[sflag:s14] =	ssyncset.done $0x0  }
0x3a: {  	s15 =	simm.s32 $0xF;
	[sflag:s14] =	ssyncadd.s32 $0xFFFFCE00  }
0x3b: {  	[tilespmem:s8], [sflag:$0x2] =	stream.indirect.gather.add.f32 [hbm:s3], $0x40, s16, s11, $0xb8;
	[tilespmem:$0x19320] =	vst v63  }
0x3c: {  	_ =	swait.ge [sflag:s15], $0x3200  }
0x3d: {  	[sflag:s15] =	ssyncset.done $0x0  }
0x3e: {  	s25 =	simm.s32 $0x3E8;
	[sflag:s15] =	ssyncadd.s32 $0xFFFFCE00  }
0x3f: {  	[tilespmem:s9], [sflag:$0x3] =	stream.indirect.gather.add.f32 [hbm:s3], $0x40, s25, s11, $0xb8;
	[tilespmem:$0x19320] =	vst v63  }
0x40: {  	_ =	swait.ge [sflag:s23], $0x3200  }
0x41: {  	[sflag:s23] =	ssyncset.done $0x0  }
0x42: {  	s4 =	simm.s32 $0x4B0;
	[sflag:s23] =	ssyncadd.s32 $0xFFFFCE00  }
0x43: {  	[tilespmem:s12], [sflag:$0x4] =	stream.indirect.gather.add.f32 [hbm:s3], $0x40, s4, s11, $0xb8;
	[tilespmem:$0x19320] =	vst v63  }
0x44: {  	_ =	swait.ge [sflag:s10], $0x3200  }
0x45: {  	[sflag:s10] =	ssyncset.done $0x0  }
0x46: {  	s16 =	simm.s32 $0x578;
	s4 =	simm.s32 $0x2;
	[sflag:s10] =	ssyncadd.s32 $0xFFFFCE00  }
0x47: {  	[tilespmem:s13], [sflag:$0x5] =	stream.indirect.gather.add.f32 [hbm:s3], $0x40, s16, s11, $0xb8;
	[tilespmem:$0x19320] =	vst v63  }
0x48: {  	_ =	swait.ge [sflag:s4], $0x3200  }
0x49: {  	[sflag:s4] =	ssyncset.done $0x0  }
0x4a: {  	s17 =	rddreg [dreg:$0x7];
	[sflag:s4] =	ssyncadd.s32 $0xFFFFCE00  }
0x4b: {  	[hbm4b:s17+s2] =	stream.linear.scatter [tilespmem:s8], [sflag:$0x8], $0x3200, $0x38;
	[tilespmem:$0x19320] =	vst v63  }
0x4c: {  	s16 =	simm.s32 $0x16120;
	s17 =	simm.s32 $0x12  }
0x4d: {  	[tilespmem:s16], [sflag:$0x13] =	stream.linear.gather [spmem:s1], $0x3200, $0x38;
	[tilespmem:$0x19320] =	vst v63  }
0x4e: {  	_ =	swait.ge [sflag:s17], $0x3200  }
0x4f: {  	[sflag:s17] =	ssyncset.done $0x0  }
0x50: {  	s24 =	simm.s32 $0x640;
	[sflag:s17] =	ssyncadd.s32 $0xFFFFCE00  }
0x51: {  	[tilespmem:s5], [sflag:$0x6] =	stream.indirect.gather.add.f32 [hbm:s3], $0x40, s24, s11, $0xb8;
	[tilespmem:$0x19320] =	vst v63  }
0x52: {  	s24 =	simm.s32 $0x3  }
0x53: {  	_ =	swait.ge [sflag:s24], $0x3200  }
0x54: {  	[sflag:s24] =	ssyncset.done $0x0  }
0x55: {  	s25 =	rddreg [dreg:$0x9];
	[sflag:s24] =	ssyncadd.s32 $0xFFFFCE00  }
0x56: {  	[hbm4b:s25+s2] =	stream.linear.scatter [tilespmem:s9], [sflag:$0x9], $0x3200, $0x38;
	[tilespmem:$0x19320] =	vst v63  }
0x57: {  	_ =	swait.ge [sflag:s18], $0x3200  }
0x58: {  	[sflag:s18] =	ssyncset.done $0x0  }
0x59: {  	[sflag:s18] =	ssyncadd.s32 $0xFFFFCE00  }
0x5a: {  	[tilespmem:s8], [sflag:$0xE] =	stream.linear.gather [spmem:s1], $0x3200, $0x38;
	[tilespmem:$0x19320] =	vst v63  }
0x5b: {  	_ =	swait.ge [sflag:s19], $0x3200  }
0x5c: {  	[sflag:s19] =	ssyncset.done $0x0  }
0x5d: {  	s25 =	simm.s32 $0x708;
	[sflag:s19] =	ssyncadd.s32 $0xFFFFCE00  }
0x5e: {  	[tilespmem:s16], [sflag:$0x7] =	stream.indirect.gather.add.f32 [hbm:s3], $0x40, s25, s11, $0xb8;
	[tilespmem:$0x19320] =	vst v63  }
0x5f: {  	_ =	swait.ge [sflag:s29], $0x3200  }
0x60: {  	[sflag:s29] =	ssyncset.done $0x0  }
0x61: {  	s25 =	rddreg [dreg:$0xa];
	[sflag:s29] =	ssyncadd.s32 $0xFFFFCE00  }
0x62: {  	[hbm4b:s25+s2] =	stream.linear.scatter [tilespmem:s12], [sflag:$0xA], $0x3200, $0x38;
	[tilespmem:$0x19320] =	vst v63  }
0x63: {  	_ =	swait.ge [sflag:s31], $0x3200  }
0x64: {  	[sflag:s31] =	ssyncset.done $0x0  }
0x65: {  	[sflag:s31] =	ssyncadd.s32 $0xFFFFCE00  }
0x66: {  	[tilespmem:s9], [sflag:$0xF] =	stream.linear.gather [spmem:s1], $0x3200, $0x38;
	[tilespmem:$0x19320] =	vst v63  }
0x67: {  	_ =	swait.ge [sflag:s14], $0x3200  }
0x68: {  	[sflag:s14] =	ssyncset.done $0x0  }
0x69: {  	s25 =	simm.s32 $0x7D0;
	[sflag:s14] =	ssyncadd.s32 $0xFFFFCE00  }
0x6a: {  	[tilespmem:s8], [sflag:$0x2] =	stream.indirect.gather.add.f32 [hbm:s3], $0x40, s25, s11, $0xb8;
	[tilespmem:$0x19320] =	vst v63  }
0x6b: {  	_ =	swait.ge [sflag:s26], $0x3200  }
0x6c: {  	[sflag:s26] =	ssyncset.done $0x0  }
0x6d: {  	s25 =	rddreg [dreg:$0xb];
	[sflag:s26] =	ssyncadd.s32 $0xFFFFCE00  }
0x6e: {  	[hbm4b:s25+s2] =	stream.linear.scatter [tilespmem:s13], [sflag:$0xB], $0x3200, $0x38;
	[tilespmem:$0x19320] =	vst v63  }
0x6f: {  	s25 =	simm.s32 $0x1  }
0x70: {  	_ =	swait.ge [sflag:s25], $0x5DC0  }
0x71: {  	[sflag:s25] =	ssyncset.done $0x0  }
0x72: {  	[sflag:s25] =	ssyncadd.s32 $0xFFFFA240  }
0x73: {  	_ =	swait.ge [sflag:s6], $0x3200  }
0x74: {  	[sflag:s6] =	ssyncset.done $0x0  }
0x75: {  	[sflag:s6] =	ssyncadd.s32 $0xFFFFCE00  }
0x76: {  	[tilespmem:s12], [sflag:$0x10] =	stream.linear.gather [spmem:s1], $0x3200, $0x38;
	[tilespmem:$0x19320] =	vst v63  }
0x77: {  	_ =	swait.ge [sflag:s15], $0x3200  }
0x78: {  	[sflag:s15] =	ssyncset.done $0x0  }
0x79: {  	s25 =	simm.s32 $0x898;
	[sflag:s15] =	ssyncadd.s32 $0xFFFFCE00  }
0x7a: {  	[tilespmem:s9], [sflag:$0x3] =	stream.indirect.gather.add.f32 [hbm:s3], $0x40, s25, s11, $0xb8;
	[tilespmem:$0x19320] =	vst v63  }
0x7b: {  	_ =	swait.ge [sflag:s30], $0x3200  }
0x7c: {  	[sflag:s30] =	ssyncset.done $0x0  }
0x7d: {  	s25 =	rddreg [dreg:$0x1b];
	[sflag:s30] =	ssyncadd.s32 $0xFFFFCE00  }
0x7e: {  	[hbm4b:s25+s2] =	stream.linear.scatter [tilespmem:s5], [sflag:$0xC], $0x3200, $0x38;
	[tilespmem:$0x19320] =	vst v63  }
0x7f: {  	_ =	swait.ge [sflag:s28], $0x3200  }
0x80: {  	[sflag:s28] =	ssyncset.done $0x0  }
0x81: {  	[sflag:s28] =	ssyncadd.s32 $0xFFFFCE00  }
0x82: {  	[tilespmem:s13], [sflag:$0x11] =	stream.linear.gather [spmem:s1], $0x3200, $0x38;
	[tilespmem:$0x19320] =	vst v63  }
0x83: {  	_ =	swait.ge [sflag:s23], $0x3200  }
0x84: {  	[sflag:s23] =	ssyncset.done $0x0  }
0x85: {  	[sflag:s23] =	ssyncadd.s32 $0xFFFFCE00  }
0x86: {  	[tilespmem:s12], [sflag:$0x4] =	stream.indirect.gather.add.f32 [hbm:s3], $0x40, s7, s11, $0xb8;
	[tilespmem:$0x19320] =	vst v63  }
0x87: {  	_ =	swait.ge [sflag:s20], $0x3200  }
0x88: {  	[sflag:s20] =	ssyncset.done $0x0  }
0x89: {  	s7 =	rddreg [dreg:$0x1c];
	[sflag:s20] =	ssyncadd.s32 $0xFFFFCE00  }
0x8a: {  	[hbm4b:s7+s2] =	stream.linear.scatter [tilespmem:s16], [sflag:$0xD], $0x3200, $0x38;
	[tilespmem:$0x19320] =	vst v63  }
0x8b: {  	_ =	swait.ge [sflag:s21], $0x3200  }
0x8c: {  	[sflag:s21] =	ssyncset.done $0x0  }
0x8d: {  	[sflag:s21] =	ssyncadd.s32 $0xFFFFCE00  }
0x8e: {  	[tilespmem:s5], [sflag:$0x12] =	stream.linear.gather [spmem:s1], $0x3200, $0x38;
	[tilespmem:$0x19320] =	vst v63  }
0x8f: {  	_ =	swait.ge [sflag:s10], $0x3200  }
0x90: {  	[sflag:s10] =	ssyncset.done $0x0  }
0x91: {  	s25 =	simm.s32 $0xA28;
	[sflag:s10] =	ssyncadd.s32 $0xFFFFCE00  }
0x92: {  	[tilespmem:s13], [sflag:$0x5] =	stream.indirect.gather.add.f32 [hbm:s3], $0x40, s25, s11, $0xb8;
	[tilespmem:$0x19320] =	vst v63  }
0x93: {  	_ =	swait.ge [sflag:s4], $0x3200  }
0x94: {  	[sflag:s4] =	ssyncset.done $0x0  }
0x95: {  	s10 =	rddreg [dreg:$0x1a];
	[sflag:s4] =	ssyncadd.s32 $0xFFFFCE00  }
0x96: {  	[hbm4b:s10+s2] =	stream.linear.scatter [tilespmem:s8], [sflag:$0x8], $0x3200, $0x38;
	[tilespmem:$0x19320] =	vst v63  }
0x97: {  	_ =	swait.ge [sflag:s22], $0x3200  }
0x98: {  	[sflag:s22] =	ssyncset.done $0x0  }
0x99: {  	[sflag:s22] =	ssyncadd.s32 $0xFFFFCE00  }
0x9a: {  	[tilespmem:s16], [sflag:$0x13] =	stream.linear.gather [spmem:s1], $0x3200, $0x38;
	[tilespmem:$0x19320] =	vst v63  }
0x9b: {  	_ =	swait.ge [sflag:s17], $0x3200  }
0x9c: {  	[sflag:s17] =	ssyncset.done $0x0  }
0x9d: {  	s7 =	simm.s32 $0xAF0;
	[sflag:s17] =	ssyncadd.s32 $0xFFFFCE00  }
0x9e: {  	[tilespmem:s5], [sflag:$0x6] =	stream.indirect.gather.add.f32 [hbm:s3], $0x40, s7, s11, $0xb8;
	[tilespmem:$0x19320] =	vst v63  }
0x9f: {  	_ =	swait.ge [sflag:s24], $0x3200  }
0xa0: {  	[sflag:s24] =	ssyncset.done $0x0  }
0xa1: {  	s7 =	rddreg [dreg:$0x17];
	[sflag:s24] =	ssyncadd.s32 $0xFFFFCE00  }
0xa2: {  	[hbm4b:s7+s2] =	stream.linear.scatter [tilespmem:s9], [sflag:$0x9], $0x3200, $0x38;
	[tilespmem:$0x19320] =	vst v63  }
0xa3: {  	_ =	swait.ge [sflag:s18], $0x3200  }
0xa4: {  	[sflag:s18] =	ssyncset.done $0x0  }
0xa5: {  	[sflag:s18] =	ssyncadd.s32 $0xFFFFCE00  }
0xa6: {  	[tilespmem:s8], [sflag:$0xE] =	stream.linear.gather [spmem:s1], $0x3200, $0x38;
	[tilespmem:$0x19320] =	vst v63  }
0xa7: {  	_ =	swait.ge [sflag:s19], $0x3200  }
0xa8: {  	[sflag:s19] =	ssyncset.done $0x0  }
0xa9: {  	s17 =	simm.s32 $0xBB8;
	[sflag:s19] =	ssyncadd.s32 $0xFFFFCE00  }
0xaa: {  	[tilespmem:s16], [sflag:$0x7] =	stream.indirect.gather.add.f32 [hbm:s3], $0x40, s17, s11, $0xb8;
	[tilespmem:$0x19320] =	vst v63  }
0xab: {  	_ =	swait.ge [sflag:s29], $0x3200  }
0xac: {  	[sflag:s29] =	ssyncset.done $0x0  }
0xad: {  	s4 =	rddreg [dreg:$0x16];
	[sflag:s29] =	ssyncadd.s32 $0xFFFFCE00  }
0xae: {  	[hbm4b:s4+s2] =	stream.linear.scatter [tilespmem:s12], [sflag:$0xA], $0x3200, $0x38;
	[tilespmem:$0x19320] =	vst v63  }
0xaf: {  	_ =	swait.ge [sflag:s31], $0x3200  }
0xb0: {  	[sflag:s31] =	ssyncset.done $0x0  }
0xb1: {  	[sflag:s31] =	ssyncadd.s32 $0xFFFFCE00  }
0xb2: {  	[tilespmem:s9], [sflag:$0xF] =	stream.linear.gather [spmem:s1], $0x3200, $0x38;
	[tilespmem:$0x19320] =	vst v63  }
0xb3: {  	_ =	swait.ge [sflag:s14], $0x3200  }
0xb4: {  	[sflag:s14] =	ssyncset.done $0x0  }
0xb5: {  	s24 =	simm.s32 $0xC80;
	[sflag:s14] =	ssyncadd.s32 $0xFFFFCE00  }
0xb6: {  	[tilespmem:s8], [sflag:$0x2] =	stream.indirect.gather.add.f32 [hbm:s3], $0x40, s24, s11, $0xb8;
	[tilespmem:$0x19320] =	vst v63  }
0xb7: {  	_ =	swait.ge [sflag:s26], $0x3200  }
0xb8: {  	[sflag:s26] =	ssyncset.done $0x0  }
0xb9: {  	s8 =	rddreg [dreg:$0x15];
	[sflag:s26] =	ssyncadd.s32 $0xFFFFCE00  }
0xba: {  	[hbm4b:s8+s2] =	stream.linear.scatter [tilespmem:s13], [sflag:$0xB], $0x3200, $0x38;
	[tilespmem:$0x19320] =	vst v63  }
0xbb: {  	_ =	swait.ge [sflag:s6], $0x3200  }
0xbc: {  	[sflag:s6] =	ssyncset.done $0x0  }
0xbd: {  	[sflag:s6] =	ssyncadd.s32 $0xFFFFCE00  }
0xbe: {  	[tilespmem:s12], [sflag:$0x10] =	stream.linear.gather [spmem:s1], $0x3200, $0x38;
	[tilespmem:$0x19320] =	vst v63  }
0xbf: {  	_ =	swait.ge [sflag:s15], $0x3200  }
0xc0: {  	[sflag:s15] =	ssyncset.done $0x0  }
0xc1: {  	s25 =	simm.s32 $0xD48;
	[sflag:s15] =	ssyncadd.s32 $0xFFFFCE00  }
0xc2: {  	[tilespmem:s9], [sflag:$0x3] =	stream.indirect.gather.add.f32 [hbm:s3], $0x40, s25, s11, $0xb8;
	[tilespmem:$0x19320] =	vst v63  }
0xc3: {  	_ =	swait.ge [sflag:s30], $0x3200  }
0xc4: {  	[sflag:s30] =	ssyncset.done $0x0  }
0xc5: {  	s9 =	rddreg [dreg:$0x19];
	[sflag:s30] =	ssyncadd.s32 $0xFFFFCE00  }
0xc6: {  	[hbm4b:s9+s2] =	stream.linear.scatter [tilespmem:s5], [sflag:$0xC], $0x3200, $0x38;
	[tilespmem:$0x19320] =	vst v63  }
0xc7: {  	_ =	swait.ge [sflag:s28], $0x3200  }
0xc8: {  	[sflag:s28] =	ssyncset.done $0x0  }
0xc9: {  	[sflag:s28] =	ssyncadd.s32 $0xFFFFCE00  }
0xca: {  	[tilespmem:s13], [sflag:$0x11] =	stream.linear.gather [spmem:s1], $0x3200, $0x38;
	[tilespmem:$0x19320] =	vst v63  }
0xcb: {  	_ =	swait.ge [sflag:s23], $0x3200  }
0xcc: {  	[sflag:s23] =	ssyncset.done $0x0  }
0xcd: {  	s14 =	simm.s32 $0xE10;
	[sflag:s23] =	ssyncadd.s32 $0xFFFFCE00  }
0xce: {  	[tilespmem:s12], [sflag:$0x4] =	stream.indirect.gather.add.f32 [hbm:s3], $0x40, s14, s11, $0xb8;
	[tilespmem:$0x19320] =	vst v63  }
0xcf: {  	_ =	swait.ge [sflag:s20], $0x3200  }
0xd0: {  	[sflag:s20] =	ssyncset.done $0x0  }
0xd1: {  	s15 =	rddreg [dreg:$0x18];
	[sflag:s20] =	ssyncadd.s32 $0xFFFFCE00  }
0xd2: {  	[hbm4b:s15+s2] =	stream.linear.scatter [tilespmem:s16], [sflag:$0xD], $0x3200, $0x38;
	[tilespmem:$0x19320] =	vst v63  }
0xd3: {  	_ =	swait.ge [sflag:s21], $0x3200  }
0xd4: {  	s7 =	sadd.s32 $0x2580, s7;
	s17 =	simm.s32 $0x11;
	[sflag:s21] =	ssyncset.done $0x0  }
0xd5: {  	s4 =	sadd.s32 $0x2580, s4;
	s24 =	simm.s32 $0x12C0;
	[sflag:s21] =	ssyncadd.s32 $0xFFFFCE00  }
0xd6: {  	[tilespmem:s5], [sflag:$0x12] =	stream.linear.gather [spmem:s1], $0x3200, $0x38;
	[tilespmem:$0x19320] =	vst v63  }
0xd7: {  	s8 =	sadd.s32 $0x2580, s8;
	s25 =	sadd.s32 $0x2580, s10;
	_ =	swait.ge [sflag:s17], $0x3200  }
0xd8: {  	s0 =	sadd.s32 $0x2580, s9;
	s9 =	simm.s32 $0xED8;
	[sflag:s17] =	ssyncset.done $0x0  }
0xd9: {  	s23 =	sadd.s32 $0x2580, s15;
	s16 =	simm.s32 $0x10;
	[sflag:s17] =	ssyncadd.s32 $0xFFFFCE00  }
.LBB2_2:
0xda: {  	s5 =	simm.s32 $0xFD20  }
0xdb: {  	[tilespmem:s5], [sflag:$0x5] =	stream.indirect.gather.add.f32 [hbm:s3], $0x40, s9, s11, $0xb8;
	[tilespmem:$0x19320] =	vst v63  }
0xdc: {  	s10 =	simm.s32 $0x2;
	s9 =	smov.u32 s24  }
0xdd: {  	p1 =	sne.s32 s24, $0x15180;
	s24 =	sadd.s32 $0x12C0, s24;
	_ =	swait.ge [sflag:s10], $0x3200  }
0xde: {  	[sflag:s10] =	ssyncset.done $0x0  }
0xdf: {  	s12 =	simm.s32 $0x6720;
	[sflag:s10] =	ssyncadd.s32 $0xFFFFCE00  }
0xe0: {  	[hbm4b:s25+s2] =	stream.linear.scatter [tilespmem:s12], [sflag:$0x8], $0x3200, $0x38;
	[tilespmem:$0x19320] =	vst v63  }
0xe1: {  	_ =	swait.ge [sflag:s22], $0x3200  }
0xe2: {  	[sflag:s22] =	ssyncset.done $0x0  }
0xe3: {  	s17 =	simm.s32 $0x16120;
	s10 =	simm.s32 $0x12;
	[sflag:s22] =	ssyncadd.s32 $0xFFFFCE00  }
0xe4: {  	[tilespmem:s17], [sflag:$0x13] =	stream.linear.gather [spmem:s1], $0x3200, $0x38;
	[tilespmem:$0x19320] =	vst v63  }
0xe5: {  	_ =	swait.ge [sflag:s10], $0x3200  }
0xe6: {  	s9 =	sshra.s32 s9, $0x2;
	[sflag:s10] =	ssyncset.done $0x0  }
0xe7: {  	s15 =	simm.s32 $0x12F20;
	[sflag:s10] =	ssyncadd.s32 $0xFFFFCE00;
	s10 =	sadd.s32 $0xAF0, s9  }
0xe8: {  	[tilespmem:s15], [sflag:$0x6] =	stream.indirect.gather.add.f32 [hbm:s3], $0x40, s10, s11, $0xb8;
	[tilespmem:$0x19320] =	vst v63  }
0xe9: {  	s10 =	simm.s32 $0x3  }
0xea: {  	_ =	swait.ge [sflag:s10], $0x3200  }
0xeb: {  	[sflag:s10] =	ssyncset.done $0x0  }
0xec: {  	s13 =	simm.s32 $0x9920;
	[sflag:s10] =	ssyncadd.s32 $0xFFFFCE00  }
0xed: {  	[hbm4b:s7+s2] =	stream.linear.scatter [tilespmem:s13], [sflag:$0x9], $0x3200, $0x38;
	[tilespmem:$0x19320] =	vst v63  }
0xee: {  	_ =	swait.ge [sflag:s18], $0x3200  }
0xef: {  	[sflag:s18] =	ssyncset.done $0x0  }
0xf0: {  	[sflag:s18] =	ssyncadd.s32 $0xFFFFCE00  }
0xf1: {  	[tilespmem:s12], [sflag:$0xE] =	stream.linear.gather [spmem:s1], $0x3200, $0x38;
	[tilespmem:$0x19320] =	vst v63  }
0xf2: {  	_ =	swait.ge [sflag:s19], $0x3200  }
0xf3: {  	[sflag:s19] =	ssyncset.done $0x0  }
0xf4: {  	s10 =	sadd.s32 $0xBB8, s9;
	[sflag:s19] =	ssyncadd.s32 $0xFFFFCE00  }
0xf5: {  	[tilespmem:s17], [sflag:$0x7] =	stream.indirect.gather.add.f32 [hbm:s3], $0x40, s10, s11, $0xb8;
	[tilespmem:$0x19320] =	vst v63  }
0xf6: {  	_ =	swait.ge [sflag:s29], $0x3200  }
0xf7: {  	[sflag:s29] =	ssyncset.done $0x0  }
0xf8: {  	s14 =	simm.s32 $0xCB20;
	[sflag:s29] =	ssyncadd.s32 $0xFFFFCE00  }
0xf9: {  	[hbm4b:s4+s2] =	stream.linear.scatter [tilespmem:s14], [sflag:$0xA], $0x3200, $0x38;
	[tilespmem:$0x19320] =	vst v63  }
0xfa: {  	_ =	swait.ge [sflag:s31], $0x3200  }
0xfb: {  	[sflag:s31] =	ssyncset.done $0x0  }
0xfc: {  	s10 =	simm.s32 $0xE;
	[sflag:s31] =	ssyncadd.s32 $0xFFFFCE00  }
0xfd: {  	[tilespmem:s13], [sflag:$0xF] =	stream.linear.gather [spmem:s1], $0x3200, $0x38;
	[tilespmem:$0x19320] =	vst v63  }
0xfe: {  	_ =	swait.ge [sflag:s10], $0x3200  }
0xff: {  	[sflag:s10] =	ssyncset.done $0x0  }
0x100: {  	[sflag:s10] =	ssyncadd.s32 $0xFFFFCE00;
	s10 =	sadd.s32 $0xC80, s9  }
0x101: {  	[tilespmem:s12], [sflag:$0x2] =	stream.indirect.gather.add.f32 [hbm:s3], $0x40, s10, s11, $0xb8;
	[tilespmem:$0x19320] =	vst v63  }
0x102: {  	_ =	swait.ge [sflag:s26], $0x3200  }
0x103: {  	[sflag:s26] =	ssyncset.done $0x0  }
0x104: {  	[sflag:s26] =	ssyncadd.s32 $0xFFFFCE00  }
0x105: {  	[hbm4b:s8+s2] =	stream.linear.scatter [tilespmem:s5], [sflag:$0xB], $0x3200, $0x38;
	[tilespmem:$0x19320] =	vst v63  }
0x106: {  	_ =	swait.ge [sflag:s6], $0x3200  }
0x107: {  	[sflag:s6] =	ssyncset.done $0x0  }
0x108: {  	s10 =	simm.s32 $0xF;
	[sflag:s6] =	ssyncadd.s32 $0xFFFFCE00  }
0x109: {  	[tilespmem:s14], [sflag:$0x10] =	stream.linear.gather [spmem:s1], $0x3200, $0x38;
	[tilespmem:$0x19320] =	vst v63  }
0x10a: {  	_ =	swait.ge [sflag:s10], $0x3200  }
0x10b: {  	[sflag:s10] =	ssyncset.done $0x0  }
0x10c: {  	[sflag:s10] =	ssyncadd.s32 $0xFFFFCE00;
	s10 =	sadd.s32 $0xD48, s9  }
0x10d: {  	[tilespmem:s13], [sflag:$0x3] =	stream.indirect.gather.add.f32 [hbm:s3], $0x40, s10, s11, $0xb8;
	[tilespmem:$0x19320] =	vst v63  }
0x10e: {  	_ =	swait.ge [sflag:s30], $0x3200  }
0x10f: {  	[sflag:s30] =	ssyncset.done $0x0  }
0x110: {  	[sflag:s30] =	ssyncadd.s32 $0xFFFFCE00  }
0x111: {  	[hbm4b:s0+s2] =	stream.linear.scatter [tilespmem:s15], [sflag:$0xC], $0x3200, $0x38;
	[tilespmem:$0x19320] =	vst v63  }
0x112: {  	_ =	swait.ge [sflag:s28], $0x3200  }
0x113: {  	[sflag:s28] =	ssyncset.done $0x0  }
0x114: {  	[sflag:s28] =	ssyncadd.s32 $0xFFFFCE00  }
0x115: {  	[tilespmem:s5], [sflag:$0x11] =	stream.linear.gather [spmem:s1], $0x3200, $0x38;
	[tilespmem:$0x19320] =	vst v63  }
0x116: {  	_ =	swait.ge [sflag:s16], $0x3200  }
0x117: {  	[sflag:s16] =	ssyncset.done $0x0  }
0x118: {  	s10 =	sadd.s32 $0xE10, s9;
	[sflag:s16] =	ssyncadd.s32 $0xFFFFCE00  }
0x119: {  	[tilespmem:s14], [sflag:$0x4] =	stream.indirect.gather.add.f32 [hbm:s3], $0x40, s10, s11, $0xb8;
	[tilespmem:$0x19320] =	vst v63  }
0x11a: {  	s12 =	simm.s32 $0xCB20;
	s10 =	simm.s32 $0x11  }
0x11b: {  	_ =	swait.ge [sflag:s20], $0x3200  }
0x11c: {  	[sflag:s20] =	ssyncset.done $0x0  }
0x11d: {  	[sflag:s20] =	ssyncadd.s32 $0xFFFFCE00  }
0x11e: {  	[hbm4b:s23+s2] =	stream.linear.scatter [tilespmem:s17], [sflag:$0xD], $0x3200, $0x38;
	[tilespmem:$0x19320] =	vst v63  }
0x11f: {  	_ =	swait.ge [sflag:s21], $0x3200  }
0x120: {  	[sflag:s21] =	ssyncset.done $0x0  }
.Ltmp0:
0x121: {  	s25 =	sadd.s32 $0x2580, s25;
	[sflag:s21] =	ssyncadd.s32 $0xFFFFCE00;
	(pc) =	sbr.rel @p1 .LBB2_2-.Ltmp0, $4  }
0x122: {  	[tilespmem:s15], [sflag:$0x12] =	stream.linear.gather [spmem:s1], $0x3200, $0x38;
	[tilespmem:$0x19320] =	vst v63  }
0x123: {  	s0 =	sadd.s32 $0x2580, s0;
	s23 =	sadd.s32 $0x2580, s23;
	_ =	swait.ge [sflag:s10], $0x3200  }
0x124: {  	s7 =	sadd.s32 $0x2580, s7;
	s4 =	sadd.s32 $0x2580, s4;
	[sflag:s10] =	ssyncset.done $0x0  }
0x125: {  	s8 =	sadd.s32 $0x2580, s8;
	s9 =	sadd.s32 $0xED8, s9;
	[sflag:s10] =	ssyncadd.s32 $0xFFFFCE00  }
0x126: {  	s5 =	simm.s32 $0xFD20  }
0x127: {  	[tilespmem:s5], [sflag:$0x5] =	stream.indirect.gather.add.f32 [hbm:s3], $0x40, s9, s11, $0xb8;
	[tilespmem:$0x19320] =	vst v63  }
0x128: {  	s9 =	simm.s32 $0x2  }
0x129: {  	_ =	swait.ge [sflag:s9], $0x3200  }
0x12a: {  	[sflag:s9] =	ssyncset.done $0x0  }
0x12b: {  	s4 =	simm.s32 $0x6720;
	s0 =	rddreg [dreg:$0xc];
	[sflag:s9] =	ssyncadd.s32 $0xFFFFCE00  }
0x12c: {  	[hbm4b:s0+s2] =	stream.linear.scatter [tilespmem:s4], [sflag:$0x8], $0x3200, $0x38;
	[tilespmem:$0x19320] =	vst v63  }
0x12d: {  	_ =	swait.ge [sflag:s22], $0x3200  }
0x12e: {  	[sflag:s22] =	ssyncset.done $0x0  }
0x12f: {  	s13 =	simm.s32 $0x16120;
	s8 =	simm.s32 $0x12;
	[sflag:s22] =	ssyncadd.s32 $0xFFFFCE00  }
0x130: {  	[tilespmem:s13], [sflag:$0x13] =	stream.linear.gather [spmem:s1], $0x3200, $0x38;
	[tilespmem:$0x19320] =	vst v63  }
0x131: {  	_ =	swait.ge [sflag:s8], $0x3200  }
0x132: {  	[sflag:s8] =	ssyncset.done $0x0  }
0x133: {  	s14 =	simm.s32 $0x6400;
	[sflag:s8] =	ssyncadd.s32 $0xFFFFCE00;
	s8 =	simm.s32 $0x12F20  }
0x134: {  	[tilespmem:s8], [sflag:$0x6] =	stream.indirect.gather.add.f32 [hbm:s3], $0x40, s14, s11, $0xb8;
	[tilespmem:$0x19320] =	vst v63  }
0x135: {  	s14 =	simm.s32 $0x3  }
0x136: {  	_ =	swait.ge [sflag:s14], $0x3200  }
0x137: {  	[sflag:s14] =	ssyncset.done $0x0  }
0x138: {  	s7 =	simm.s32 $0x9920;
	s15 =	rddreg [dreg:$0xd];
	[sflag:s14] =	ssyncadd.s32 $0xFFFFCE00  }
0x139: {  	[hbm4b:s15+s2] =	stream.linear.scatter [tilespmem:s7], [sflag:$0x9], $0x3200, $0x38;
	[tilespmem:$0x19320] =	vst v63  }
0x13a: {  	_ =	swait.ge [sflag:s18], $0x3200  }
0x13b: {  	[sflag:s18] =	ssyncset.done $0x0  }
0x13c: {  	[sflag:s18] =	ssyncadd.s32 $0xFFFFCE00  }
0x13d: {  	[tilespmem:s4], [sflag:$0xE] =	stream.linear.gather [spmem:s1], $0x3200, $0x38;
	[tilespmem:$0x19320] =	vst v63  }
0x13e: {  	_ =	swait.ge [sflag:s19], $0x3200  }
0x13f: {  	[sflag:s19] =	ssyncset.done $0x0  }
0x140: {  	s16 =	simm.s32 $0x64C8;
	[sflag:s19] =	ssyncadd.s32 $0xFFFFCE00  }
0x141: {  	[tilespmem:s13], [sflag:$0x7] =	stream.indirect.gather.add.f32 [hbm:s3], $0x40, s16, s11, $0xb8;
	[tilespmem:$0x19320] =	vst v63  }
0x142: {  	_ =	swait.ge [sflag:s29], $0x3200  }
0x143: {  	[sflag:s29] =	ssyncset.done $0x0  }
0x144: {  	s17 =	rddreg [dreg:$0xe];
	[sflag:s29] =	ssyncadd.s32 $0xFFFFCE00  }
0x145: {  	[hbm4b:s17+s2] =	stream.linear.scatter [tilespmem:s12], [sflag:$0xA], $0x3200, $0x38;
	[tilespmem:$0x19320] =	vst v63  }
0x146: {  	_ =	swait.ge [sflag:s31], $0x3200  }
0x147: {  	[sflag:s31] =	ssyncset.done $0x0  }
0x148: {  	s23 =	simm.s32 $0xE;
	[sflag:s31] =	ssyncadd.s32 $0xFFFFCE00  }
0x149: {  	[tilespmem:s7], [sflag:$0xF] =	stream.linear.gather [spmem:s1], $0x3200, $0x38;
	[tilespmem:$0x19320] =	vst v63  }
0x14a: {  	_ =	swait.ge [sflag:s23], $0x3200  }
0x14b: {  	[sflag:s23] =	ssyncset.done $0x0  }
0x14c: {  	s24 =	simm.s32 $0x6590;
	[sflag:s23] =	ssyncadd.s32 $0xFFFFCE00  }
0x14d: {  	[tilespmem:s4], [sflag:$0x2] =	stream.indirect.gather.add.f32 [hbm:s3], $0x40, s24, s11, $0xb8;
	[tilespmem:$0x19320] =	vst v63  }
0x14e: {  	_ =	swait.ge [sflag:s26], $0x3200  }
0x14f: {  	[sflag:s26] =	ssyncset.done $0x0  }
0x150: {  	s25 =	rddreg [dreg:$0xf];
	[sflag:s26] =	ssyncadd.s32 $0xFFFFCE00  }
0x151: {  	[hbm4b:s25+s2] =	stream.linear.scatter [tilespmem:s5], [sflag:$0xB], $0x3200, $0x38;
	[tilespmem:$0x19320] =	vst v63  }
0x152: {  	s5 =	simm.s32 $0xF  }
0x153: {  	_ =	swait.ge [sflag:s5], $0x3200  }
0x154: {  	[sflag:s5] =	ssyncset.done $0x0  }
0x155: {  	s12 =	simm.s32 $0x6658;
	[sflag:s5] =	ssyncadd.s32 $0xFFFFCE00  }
0x156: {  	[tilespmem:s7], [sflag:$0x3] =	stream.indirect.gather.add.f32 [hbm:s3], $0x40, s12, s11, $0xb8;
	[tilespmem:$0x19320] =	vst v63  }
0x157: {  	_ =	swait.ge [sflag:s30], $0x3200  }
0x158: {  	[sflag:s30] =	ssyncset.done $0x0  }
0x159: {  	s15 =	rddreg [dreg:$0x10];
	[sflag:s30] =	ssyncadd.s32 $0xFFFFCE00  }
0x15a: {  	[hbm4b:s15+s2] =	stream.linear.scatter [tilespmem:s8], [sflag:$0xC], $0x3200, $0x38;
	[tilespmem:$0x19320] =	vst v63  }
0x15b: {  	_ =	swait.ge [sflag:s20], $0x3200  }
0x15c: {  	[sflag:s20] =	ssyncset.done $0x0  }
0x15d: {  	s16 =	rddreg [dreg:$0x11];
	[sflag:s20] =	ssyncadd.s32 $0xFFFFCE00  }
0x15e: {  	[hbm4b:s16+s2] =	stream.linear.scatter [tilespmem:s13], [sflag:$0xD], $0x3200, $0x38;
	[tilespmem:$0x19320] =	vst v63  }
0x15f: {  	_ =	swait.ge [sflag:s9], $0x3200  }
0x160: {  	[sflag:s9] =	ssyncset.done $0x0  }
0x161: {  	s17 =	rddreg [dreg:$0x12];
	[sflag:s9] =	ssyncadd.s32 $0xFFFFCE00  }
0x162: {  	[hbm4b:s17+s2] =	stream.linear.scatter [tilespmem:s4], [sflag:$0x8], $0x3200, $0x38;
	[tilespmem:$0x19320] =	vst v63  }
0x163: {  	_ =	swait.ge [sflag:s14], $0x3200  }
0x164: {  	[sflag:s14] =	ssyncset.done $0x0  }
0x165: {  	s23 =	rddreg [dreg:$0x13];
	[sflag:s14] =	ssyncadd.s32 $0xFFFFCE00  }
0x166: {  	[hbm4b:s23+s2] =	stream.linear.scatter [tilespmem:s7], [sflag:$0x9], $0x3200, $0x38;
	[tilespmem:$0x19320] =	vst v63  }
0x167: {  	_ =	swait.ge [sflag:s18], $0x3200  }
0x168: {  	[sflag:s18] =	ssyncset.done $0x0  }
0x169: {  	[sflag:s18] =	ssyncadd.s32 $0xFFFFCE00  }
0x16a: {  	_ =	swait.ge [sflag:s31], $0x3200  }
0x16b: {  	[sflag:s31] =	ssyncset.done $0x0  }
0x16c: {  	[sflag:s31] =	ssyncadd.s32 $0xFFFFCE00  }
0x16d: {  	_ =	swait.ge [sflag:s6], $0x3200  }
0x16e: {  	[sflag:s6] =	ssyncset.done $0x0  }
0x16f: {  	[sflag:s6] =	ssyncadd.s32 $0xFFFFCE00  }
0x170: {  	_ =	swait.ge [sflag:s28], $0x3200  }
0x171: {  	[sflag:s28] =	ssyncset.done $0x0  }
0x172: {  	[sflag:s28] =	ssyncadd.s32 $0xFFFFCE00  }
0x173: {  	_ =	swait.ge [sflag:s21], $0x3200  }
0x174: {  	[sflag:s21] =	ssyncset.done $0x0  }
0x175: {  	[sflag:s21] =	ssyncadd.s32 $0xFFFFCE00  }
0x176: {  	_ =	swait.ge [sflag:s22], $0x3200  }
0x177: {  	s24 =	rddreg [dreg:$0x1d]  }
0x178: {  	s25 =	rddreg [dreg:$0x14];
	s4 =	sadd.s32 $0x1, s24  }
0x179: {  	p1 =	sne.s32 s4, s25  }
.Ltmp1:
0x17a: {  	_ = 	snop;
	(pc) =	sbr.rel @p1 .LBB2_1-.Ltmp1, $3  }
0x17b: {  	_ =	sdelay $0x1  }
0x17c: {  	[sflag:s22] =	ssyncset.done $0x0  }
0x17d: {  	s23 =	simm.s32 $0x10;
	[sflag:s22] =	ssyncadd.s32 $0xFFFFCE00  }
0x17e: {  	_ =	sfence.sel $0x180000  }
0x17f: {  	[bflag:$0x0] =	sbarrier.arrive $0xFFFF  }
0x180: {  	_ =	strace $0x90000047  }
0x181: {  	[bflag:$0x2] =	sbarrier.arrive $0xFFFF  }
0x182: {  	s0 =	rddreg [dreg:$0x4]  }
0x183: {  	s0 =	sadd.s32 @!p0 $0x100000, s0  }
0x184: {  	[sflag:s0] =	ssyncadd.tile.s32 @!p0 $0x1;
	_ =	shalt  }
.Lfunc_end2:
_tile_overlayer_lowered:
.L_overlay_start_2:
0x185: {  	(tag) =	ssettag $0x2  }
0x186: {  	s0 =	rddreg [dreg:$0x0];
	s2 =	stileid.u32  }
0x187: {  	s1 =	rddreg [dreg:$0x1];
	p0 =	sne.s32 s2, $0x0  }
0x188: {  	s3 =	rddreg [dreg:$0x2];
	[bflag:$0x3] =	sbarrier.arrive $0xFFFF;
	s2 =	simm.s32 @!p0 $0x1C14  }
0x189: {  	[timem:s3], [sflag:s2] =	dma.local @!p0 [hbm:s0], s1  }
0x18a: {  	s0 =	simm.s32 @!p0 $0x14  }
0x18b: {  	_ =	swait.ge @!p0 [sflag:s0], s1  }
0x18c: {  	s1 =	ssub.s32 @!p0 $0x0, s1;
	[sflag:s0] =	ssyncset.done @!p0 $0x0  }
0x18d: {  	[sflag:s0] =	ssyncadd.s32 @!p0 s1  }
0x18e: {  	[bflag:$0x3] =	sbarrier.arrive $0xFFFF  }
0x18f: {  	_ =	shalt  }

// kernel: sparse-core-data-format-call.cloned.1.call-start
scs
called_computation_lowered:
.L_overlay_start_0:
0x0: {  	s2 =	sld [smem:$0x3FD9]  }
0x1: {  	s3 =	sld [smem:$0x3FFE];
	_ =	sdelay $0x1  }
0x2: {  	s1 =	srdreg.scid  }
0x3: {  	s0 =	sand.u32 $0x1, s1  }
0x4: {  	s18 =	sshll.u32 s0, $0xA;
	s2 =	sadd.s32 s3, s2  }
0x5: {  	s2 =	sadd.s32 s2, s18  }
0x6: {  	[smem:$0x3FC5] =	sst s2  }
0x7: {  	_ = 	snop  }
0x8: {  	s2 =	sld [smem:$0x3FD0];
	(tm) =	ssettm $0x1  }
0x9: {  	s19 =	sld [smem:$0x3FFB];
	_ =	sdelay $0x3  }
0xa: {  	_ =	strace s19  }
0xb: {  	s3 =	sld [smem:$0x3FFC];
	_ =	sdelay $0x3  }
0xc: {  	_ =	strace s3  }
0xd: {  	s3 =	sld [smem:$0x3FFD];
	_ =	sdelay $0x3  }
0xe: {  	_ =	strace s3  }
0xf: {  	_ =	strace $0x8FFFFFFF  }
0x10: {  	s20 =	sld [smem:$0x3FDB];
	_ =	sdelay $0x1  }
0x11: {  	s4 =	simm.s32 $_scs_section_size  }
0x12: {  	s5 =	simm.s32 $_size__tile_overlayer_lowered;
	s6 =	simm.s32 $_tile_overlayer_lowered  }
0x13: {  	s23 =	simm.s32 $0x1BFF;
	s22 =	sshll.u32 s6, $0x1;
	s3 =	sadd.s32 s4, s20  }
0x14: {  	s7 =	simm.s32 $0x0;
	s21 =	sshll.u32 s5, $0x1;
	s5 =	sadd.s32 s22, s3  }
0x15: {  	[timem:s7], [sflag:s23] =	dma.local [hbm:s5], s21  }
0x16: {  	_ =	swait.ge [sflag:s23], s21  }
0x17: {  	s4 =	ssub.s32 $0x0, s21;
	[sflag:s23] =	ssyncset.done $0x0  }
0x18: {  	[sflag:s23] =	ssyncadd.s32 s4;
	_ =	sdelay $0x1  }
0x19: {  	s24 =	simm.s32 $0x1B8B  }
0x1a: {  	_ =	swait.ge [sflag:s24], $0x1  }
0x1b: {  	[sflag:s24] =	ssyncset.done $0x0  }
0x1c: {  	s26 =	simm.s32 $0x1B8E;
	s25 =	sld [smem:$0x3FFE];
	[sflag:s24] =	ssyncadd.s32 $0xFFFFFFFF  }
0x1d: {  	s27 =	simm.s32 $execute0_lowered;
	[smem:$0x3FD2] =	sst s26  }
0x1e: {  	s5 =	sshll.u32 s27, $0x1;
	_ =	strace $0x80000049;
	[dreg:$0x1] =	wrdreg $0xFFFFFFFF  }
0x1f: {  	s28 =	simm.s32 $_size_execute0_lowered;
	s3 =	sadd.s32 s3, s5;
	[dreg:$0x0] =	wrdreg $0x0  }
0x20: {  	s5 =	sshll.u32 s28, $0x1;
	[dreg:$0x2] =	wrdreg s3  }
0x21: {  	[dreg:$0x3] =	wrdreg s5  }
0x22: {  	[dreg:$0x4] =	wrdreg $0xC0  }
0x23: {  	_ =	task [dreg:s7], $0x5FFFF  }
0x24: {  	[dreg:$0x1] =	wrdreg $0xFFFFFFFF  }
0x25: {  	[dreg:$0x0] =	wrdreg $0x60  }
0x26: {  	[dreg:$0x2] =	wrdreg s25  }
0x27: {  	[dreg:$0x3] =	wrdreg s2  }
0x28: {  	[dreg:$0x4] =	wrdreg $0x9  }
0x29: {  	_ =	task.clear_ibuf [dreg:s7], $0x5FFFF;
	_ =	strace $0x90000049  }
0x2a: {  	s29 =	simm.s32 $0x9;
	_ =	strace $0x8000004B  }
0x2b: {  	_ =	swait.ge [sflag:s29], $0x1  }
0x2c: {  	[sflag:s29] =	ssyncadd.s32 $0xFFFFFFFF  }
0x2d: {  	_ =	strace $0x9000004B  }
0x2e: {  	_ =	sfence  }
0x2f: {  	s30 =	sld [smem:$0x0];
	_ =	sdelay $0x2  }
0x30: {  	s31 =	sshll.u32 s1, $0xD;
	s1 =	sshrl.u32 s1, $0x2  }
0x31: {  	s3 =	sand.u32 $0x4000, s31;
	s1 =	sadd.s32 s1, s30  }
0x32: {  	s0 =	sor.u32 s3, s0;
	s1 =	sshll.u32 s1, $0x11  }
0x33: {  	s0 =	sor.u32 s1, s0  }
0x34: {  	s0 =	sadd.s32 $0x8F2B, s0  }
0x35: {  	[sflag:s0] =	ssyncadd.remote.s32 $0x1  }
0x36: {  	_ =	sfence.sel $0xFFFF  }
0x37: {  	[dreg:$0x0] =	wrdreg $0xFFFFFFFF;
	(pc) =	sbr.abs _section_cstart, $3  }
0x38: {  	[dreg:$0x1] =	wrdreg $0xFFFFFFFF  }
0x39: {  	_ =	task.clear_ibuf [dreg:s7], $0x2FFFF;
	_ =	strace $0x9FFFFFFF  }
0x3a: {  	(tm) =	ssettm $0x7FFFFFFF  }
0x3b: {  	_ =	shalt  }
tec
execute0_lowered:
.L_overlay_start_1:
0x0: {  	(tag) =	ssettag $0x1  }
0x1: {  	s0 =	srdreg.scid  }
0x2: {  	s1 =	sshll.u32 s0, $0x4  }
0x3: {  	s4 =	rddreg [dreg:$0x0];
	s0 =	stileid.u32;
	s1 =	sand.u32 $0x10, s1  }
0x4: {  	s2 =	rddreg [dreg:$0x1];
	s7 =	simm.s32 $0x1;
	s1 =	sor.u32 s0, s1  }
0x5: {  	s8 =	simm.s32 $0x2;
	s11 =	simm.s32 $0x0;
	s3 =	sshll.u32 s1, $0x7  }
0x6: {  	s10 =	simm.s32 $0x0;
	s4 =	sadd.s32 $0xA00, s4;
	s6 =	ssub.s32 $0xC8000, s3  }
.Ltmp0:
0x7: {  	s1 =	rddreg [dreg:$0x2];
	s5 =	sand.u32 $0xF80, s6;
	(pc) =	sbr.rel .LBB1_1-.Ltmp0, $4  }
0x8: {  	_ =	strace $0x8000004A;
	s9 =	smov.u32 s3;
	p0 =	sne.s32 s5, $0x0  }
0x9: {  	s6 =	sshrl.u32 s6, $0xC;
	s5 =	simm.s32 $0x1;
	s7 =	simm.s32 @!p0 $0x0  }
0xa: {  	[sflag:s5] =	ssyncpa.u1 $0x0;
	p0 =	por $0x0, $0x0;
	s6 =	sadd.s32 s7, s6  }
0xb: {  	[sflag:s8] =	ssyncpa.u1 $0x0;
	s8 =	simm.s32 $0x640000;
	s7 =	sadd.s32 $0x1, s6  }
.LBB1_4:
0xc: {  	s14 =	sshll.u32 s11, $0x3  }
0xd: {  	s30 =	sand.u32 $0x7F, s11;
	s15 =	sand.u32 $0xFFFFFC00, s14  }
0xe: {  	s11 =	sor.u32 s30, s15  }
0xf: {  	s15 =	smulhi.u32 $0x51EB851F, s11  }
0x10: {  	s14 =	smulhi.u32 $0x51EB851F, s14  }
0x11: {  	s15 =	sshrl.u32 s15, $0x12  }
0x12: {  	s14 =	sshrl.u32 s14, $0x12;
	s15 =	smul.u32 $0xC8000, s15  }
0x13: {  	s14 =	sand.u32 $0x3F, s14  }
0x14: {  	s14 =	smul.u32 $0x19000, s14;
	s11 =	ssub.s32 s11, s15  }
0x15: {  	[tilespmem:s13+$0x810 ss:$0x81] =	vst.msk $0xffff, v2;
	s15 =	sand.u32 $0x7, s11  }
0x16: {  	[tilespmem:s13+$0x1020 ss:$0x81] =	vst.msk $0xffff, v0;
	s14 =	sadd.s32 s2, s14;
	s11 =	sshrl.u32 s11, $0x3;
	s15 =	sshll.u32 s15, $0x12  }
0x17: {  	[tilespmem:s13+$0x0 ss:$0x81] =	vst.msk $0xffff, v1;
	s11 =	sadd.s32 s11, s14;
	s31 =	sor.u32 $0x400, s15  }
0x18: {  	[hbm4b:s11+s31] =	stream.strided.scatter [tilespmem:s12], [sflag:$0x2], $0x2000, s8, s31, $0x20;
	[tilespmem:$0x8080] =	vst v63  }
.LBB1_5:
0x19: {  	s13 =	sadd.s32 $0x1000, s9  }
0x1a: {  	p2 =	sgt.s32 s13, $0xC7FFF  }
0x1b: {  	s13 =	smov.u32 @p2 s3;
	p2 =	sne.s32 s10, s7  }
.Ltmp1:
0x1c: {  	p1 =	slt.u32 s10, $0x2;
	(pc) =	sbr.rel @!p2 .LBB1_6-.Ltmp1, $4  }
0x1d: {  	s12 =	simm.s32 @!p1 $0x2  }
0x1e: {  	s14 =	sadd.s32 $0x1, s10;
	_ =	swait.ge @!p1 [sflag:s12], $0x2000  }
0x1f: {  	s11 =	smov.u32 s9;
	p0 =	por !p0, !p0;
	[sflag:s12] =	ssyncset.done @!p1 $0x0  }
0x20: {  	s10 =	smov.u32 s14;
	s9 =	smov.u32 s13;
	[sflag:s12] =	ssyncadd.s32 @!p1 $0xFFFFE000  }
.LBB1_1:
0x21: {  	p1 =	sge.u32 s10, s6  }
0x22: {  	s12 =	sand.u32 @!p1 $0x1FFFFFF, s9  }
0x23: {  	s13 =	smulhi.u32 @!p1 $0x147AE15, s12;
	_ =	sdelay $0x1  }
0x24: {  	s13 =	sshrl.u32 @!p1 s13, $0xC  }
0x25: {  	s13 =	smul.u32 @!p1 $0xC8000, s13;
	_ =	sdelay $0x1  }
0x26: {  	s31 =	sadd.s32 $0xFFFFFFFF, s10;
	s14 =	sxor.u32 @!p1 $0xFFFFFFFF, s10;
	s12 =	ssub.s32 @!p1 s12, s13  }
0x27: {  	s15 =	simm.s32 @!p1 $0x80;
	s14 =	sshll.u32 @!p1 s14, $0xD;
	s12 =	sshll.u32 @!p1 s12, $0x4  }
0x28: {  	s13 =	sand.u32 @!p1 $0x2000, s14;
	s14 =	simm.s32 @!p1 $0x40;
	s12 =	sadd.s32 @!p1 s4, s12  }
0x29: {  	[tilespmem:s13], [sflag:$0x1] =	stream.strided.gather @!p1 [hbm4b:s12+s14], $0x2000, s15, s14, $0x38;
	[tilespmem:$0x8080] =	vst v63  }
0x2a: {  	p1 =	sge.u32 s31, s6  }
.Ltmp2:
0x2b: {  	_ = 	snop;
	(pc) =	sbr.rel @p1 .LBB1_5-.Ltmp2, $1  }
0x2c: {  	_ =	sdelay $0x3  }
0x2d: {  	s12 =	simm.s32 $0x1  }
0x2e: {  	_ =	swait.ge [sflag:s5], $0x2000;
	s12 =	simm.s32 @!p0 $0x0  }
0x2f: {  	[sflag:s5] =	ssyncset.done $0x0;
	s13 =	sshll.u32 s12, $0xD  }
0x30: {  	[sflag:s5] =	ssyncadd.s32 $0xFFFFE000;
	s16 =	sor.u32 $0x20, s13  }
0x31: {  	s12 =	smul.u32 $0x8100, s12;
	v3 =	vld [tilespmem:s16+$0x10]  }
0x32: {  	s30 =	sand.u32 $0x1, s10;
	v2 =	vld [tilespmem:s16+$0xFFFFFFF0]  }
0x33: {  	s13 =	smul.u32 $0x8100, s30;
	s12 =	sshrl.u32 s12, $0x2;
	v0 =	vld [tilespmem:s16+$0x0]  }
0x34: {  	v1 =	vld [tilespmem:s16+$0xFFFFFFE0];
	s14 =	sor.u32 $0x4000, s12  }
0x35: {  	s31 =	sshrl.u32 s13, $0x2;
	s13 =	sadd.s32 $0x0, s14  }
0x36: {  	s15 =	simm.s32 $0x4;
	s16 =	sadd.s32 $0x40, s16;
	s12 =	sor.u32 $0x4000, s31;
	[tilespmem:s13+$0x1830 ss:$0x81] =	vst.msk $0xffff, v3  }
.LBB1_3:
0x37: {  	v3 =	vld [tilespmem:s16+$0x10];
	p1 =	sne.s32 s15, $0x1FC;
	[tilespmem:s13+$0x810 ss:$0x81] =	vst.msk $0xffff, v2;
	s17 =	smov.u32 s15;
	s15 =	sadd.s32 $0x4, s15  }
.Ltmp3:
0x38: {  	v2 =	vld [tilespmem:s16+$0xFFFFFFF0];
	[tilespmem:s13+$0x1020 ss:$0x81] =	vst.msk $0xffff, v0;
	(pc) =	sbr.rel @p1 .LBB1_3-.Ltmp3, $4  }
0x39: {  	v0 =	vld [tilespmem:s16+$0x0];
	[tilespmem:s13+$0x0 ss:$0x81] =	vst.msk $0xffff, v1  }
0x3a: {  	s13 =	sshra.s32 s17, $0x2;
	v1 =	vld [tilespmem:s16+$0xFFFFFFE0]  }
0x3b: {  	s13 =	sadd.s32 s13, s14  }
0x3c: {  	s16 =	sadd.s32 $0x40, s16;
	[tilespmem:s13+$0x1830 ss:$0x81] =	vst.msk $0xffff, v3  }
.Ltmp4:
0x3d: {  	_ = 	snop;
	(pc) =	sbr.rel .LBB1_4-.Ltmp4, $1  }
0x3e: {  	_ =	sdelay $0x3  }
.LBB1_6:
0x3f: {  	_ =	sfence.sel $0x180000  }
0x40: {  	s2 =	simm.s32 $0x1;
	[bflag:$0x0] =	sbarrier.arrive $0xFFFF  }
0x41: {  	s31 =	simm.s32 $0x2;
	[sflag:s2] =	ssyncpa.u1 $0x1  }
0x42: {  	[sflag:s31] =	ssyncpa.u1 $0x1  }
0x43: {  	p0 =	sne.s32 s0, $0x0;
	_ =	strace $0x9000004A  }
0x44: {  	s0 =	sadd.s32 @!p0 $0x100000, s1;
	[bflag:$0x2] =	sbarrier.arrive $0xFFFF  }
0x45: {  	[sflag:s0] =	ssyncadd.tile.s32 @!p0 $0x1;
	_ =	shalt  }
.Lfunc_end1:
_tile_overlayer_lowered:
.L_overlay_start_2:
0x46: {  	(tag) =	ssettag $0x2  }
0x47: {  	s0 =	rddreg [dreg:$0x0];
	s2 =	stileid.u32  }
0x48: {  	s1 =	rddreg [dreg:$0x1];
	p0 =	sne.s32 s2, $0x0  }
0x49: {  	s3 =	rddreg [dreg:$0x2];
	[bflag:$0x3] =	sbarrier.arrive $0xFFFF;
	s2 =	simm.s32 @!p0 $0x1C01  }
0x4a: {  	[timem:s3], [sflag:s2] =	dma.local @!p0 [hbm:s0], s1  }
0x4b: {  	s0 =	simm.s32 @!p0 $0x1  }
0x4c: {  	_ =	swait.ge @!p0 [sflag:s0], s1  }
0x4d: {  	s1 =	ssub.s32 @!p0 $0x0, s1;
	[sflag:s0] =	ssyncset.done @!p0 $0x0  }
0x4e: {  	[sflag:s0] =	ssyncadd.s32 @!p0 s1  }
0x4f: {  	[bflag:$0x3] =	sbarrier.arrive $0xFFFF  }
0x50: {  	_ =	shalt  }

</sc_bundles>
